<compile_context>
chip_gen: v7x
topology: tpu7x:2x2x1
jax: 0.10.2.dev20260603
libtpu: 0.0.44.dev20260713+nightly
codegen_flags: <defaults>
</compile_context>

<pallas_src>
import functools

import jax
import jax.numpy as jnp
from jax import lax
from jax.experimental import pallas as pl
from jax.experimental.pallas import tpu as pltpu
from jax.experimental.pallas import tpu_sc as plsc

_VOCAB = 1000000
_DIM = 64
_WIDE = 128
_B = 1024
_S = 200
_NC, _NS = 2, 16
_NW = _NC * _NS
_RPW = _B // _NW
_LANES = 16
_KCH = _DIM // _LANES
_CH = (104, 96)
_NBUF = 4
_HALVES = 2 * _RPW

_TN = 2048

_mesh = plsc.VectorSubcoreMesh(core_axis_name="c", subcore_axis_name="s")


def _transpose_body(src_ref, dst_ref):
    row = lax.broadcasted_iota(jnp.int32, (_DIM, _WIDE), 0)
    col = lax.broadcasted_iota(jnp.int32, (_DIM, _WIDE), 1)
    ident = jnp.where(row == col, 1.0, 0.0).astype(jnp.float32)
    dst_ref[...] = lax.dot_general(
        src_ref[...], ident,
        dimension_numbers=(((0,), (0,)), ((), ())),
        preferred_element_type=jnp.float32,
        precision=lax.Precision.HIGHEST)


def _transpose_pad(ttT):
    grid = (_VOCAB + _TN - 1) // _TN
    return pl.pallas_call(
        _transpose_body,
        grid=(grid,),
        in_specs=[pl.BlockSpec((_DIM, _TN), lambda i: (0, i))],
        out_specs=pl.BlockSpec((_TN, _WIDE), lambda i: (i, 0)),
        out_shape=jax.ShapeDtypeStruct((_VOCAB, _WIDE), jnp.float32),
    )(ttT)


def _emb_body(x_hbm, table_hbm, pe_hbm, out_hbm,
              idx_v, pe_v, b0, b1, b2, b3, o0, o1,
              gs0, gs1, gs2, gs3, ss0, ss1):
    bufs = (b0, b1, b2, b3)
    obufs = (o0, o1)
    gsems = (gs0, gs1, gs2, gs3)
    ssems = (ss0, ss1)
    wid = lax.axis_index("s") * _NC + lax.axis_index("c")
    ibase = wid * (_RPW * _S)

    pltpu.sync_copy(x_hbm.at[pl.ds(ibase, _RPW * _S)], idx_v)
    pltpu.sync_copy(pe_hbm, pe_v)


    def issue_gather(h, j, off, L):
        i0 = (h // 2) * _S + off
        pltpu.async_copy(table_hbm.at[idx_v.at[pl.ds(i0, L)]],
                         bufs[j].at[pl.ds(0, L)], gsems[j])

    def wait_gather(h, j, off, L):
        i0 = (h // 2) * _S + off
        pltpu.make_async_copy(table_hbm.at[idx_v.at[pl.ds(i0, L)]],
                              bufs[j].at[pl.ds(0, L)], gsems[j]).wait()

    def issue_scatter(h, o, off, L):
        r0 = ibase + (h // 2) * _S + off
        pltpu.async_copy(obufs[o].at[pl.ds(0, L)],
                         out_hbm.at[pl.ds(r0, L)], ssems[o])

    def wait_scatter(h, o, off, L):
        r0 = ibase + (h // 2) * _S + off
        pltpu.make_async_copy(obufs[o].at[pl.ds(0, L)],
                              out_hbm.at[pl.ds(r0, L)], ssems[o]).wait()

    def add_pe(j, o, off, L):
        buf = bufs[j]
        obuf = obufs[o]

        def body(rr, carry):
            for k in range(_KCH):
                sl = pl.ds(k * _LANES, _LANES)
                obuf[rr, sl] = buf[rr, sl] + pe_v[off + rr, sl]
            return carry

        lax.fori_loop(0, L, body, 0, unroll=4)

    def geom(j):
        off = 0 if j % 2 == 0 else _CH[0]
        return off, _CH[j % 2]

    issue_gather(0, 0, *geom(0))
    issue_gather(1, 1, *geom(1))

    def loop_body(g, carry):
        for j in range(_NBUF):
            h = _NBUF * g + j
            off, L = geom(j)
            o = j % 2
            jn = (j + 2) % _NBUF
            @pl.when(h + 2 < _HALVES)
            def _():
                issue_gather(h + 2, jn, *geom(jn))

            wait_gather(h, j, off, L)
            @pl.when(h >= 2)
            def _():
                wait_scatter(h - 2, o, *geom(o))
            add_pe(j, o, off, L)
            issue_scatter(h, o, off, L)
        return carry

    lax.fori_loop(0, _HALVES // _NBUF, loop_body, 0)

    for h in range(_HALVES - 2, _HALVES):
        wait_scatter(h, h % 2, *geom(h % 2))


def _pos_encoding(seq_len, dim):
    pos = jnp.arange(seq_len, dtype=jnp.float32)[:, None]
    i = jnp.arange(0, dim, 2, dtype=jnp.float32)
    div = jnp.exp(-jnp.log(10000.0) * i / dim)
    ang = pos * div[None, :]
    pe = jnp.zeros((seq_len, dim), dtype=jnp.float32)
    pe = pe.at[:, 0::2].set(jnp.sin(ang))
    pe = pe.at[:, 1::2].set(jnp.cos(ang))
    return pe


@functools.partial(
    pl.kernel,
    out_type=jax.ShapeDtypeStruct((_B * _S, _DIM), jnp.float32),
    mesh=_mesh,
    compiler_params=pltpu.CompilerParams(use_tc_tiling_on_sc=True),
    scratch_types=[
        pltpu.VMEM((_RPW * _S,), jnp.int32),
        pltpu.VMEM((_S, _DIM), jnp.float32),
        pltpu.VMEM((_CH[0], _WIDE), jnp.float32),
        pltpu.VMEM((_CH[0], _WIDE), jnp.float32),
        pltpu.VMEM((_CH[0], _WIDE), jnp.float32),
        pltpu.VMEM((_CH[0], _WIDE), jnp.float32),
        pltpu.VMEM((_CH[0], _DIM), jnp.float32),
        pltpu.VMEM((_CH[0], _DIM), jnp.float32),
        pltpu.SemaphoreType.DMA,
        pltpu.SemaphoreType.DMA,
        pltpu.SemaphoreType.DMA,
        pltpu.SemaphoreType.DMA,
        pltpu.SemaphoreType.DMA,
        pltpu.SemaphoreType.DMA,
    ],
)
def _emb_kernel(x_hbm, table_hbm, pe_hbm, out_hbm, *rest):
    _emb_body(x_hbm, table_hbm, pe_hbm, out_hbm, *rest)


def kernel(x, token_table):
    pe = _pos_encoding(_S, _DIM)
    xf = x.reshape(-1).astype(jnp.int32)
    tw = _transpose_pad(token_table.T)
    out = _emb_kernel(xf, tw, pe)
    return out.reshape(_B, _S, _DIM)

# --- scband reference (transcript-rebuilt; emitter-appended) ---
"""Pipeline reference for scband-transformer-embedding-88270167867733 (READ-ONLY COPY).

The authoritative reference and input builder live on the scoring server;
editing this copy changes nothing except your own understanding.
"""

import jax, jax.numpy as jnp
import numpy as np

VOCAB = 1000000
DIM = 64
MAX_LEN = 2048
B, S = 1024, 200


def _pos_encoding(seq_len, dim):
    pos = jnp.arange(seq_len, dtype=jnp.float32)[:, None]
    i = jnp.arange(0, dim, 2, dtype=jnp.float32)
    div = jnp.exp(-jnp.log(10000.0) * i / dim)
    ang = pos * div[None, :]
    pe = jnp.zeros((seq_len, dim), dtype=jnp.float32)
    pe = pe.at[:, 0::2].set(jnp.sin(ang))
    pe = pe.at[:, 1::2].set(jnp.cos(ang))
    return pe


def setup_inputs(seed: int = 0) -> dict:
    key = jax.random.key(seed)
    k_idx, k_tab = jax.random.split(key)
    x = jax.random.randint(k_idx, (B, S), 0, VOCAB, dtype=jnp.int64 if jax.config.jax_enable_x64 else jnp.int32)
    token_table = jax.random.normal(k_tab, (VOCAB, DIM), dtype=jnp.float32) * 0.02
    return {"x": x, "token_table": token_table}


def reference(x, token_table):
    # token embedding: gather rows of the table
    token_emb = jnp.take(token_table, x, axis=0)  # [B, S, DIM]
    # sinusoidal positional encoding, sliced to the sequence length
    pe = _pos_encoding(MAX_LEN, DIM)[: x.shape[1]]  # [S, DIM]
    out = token_emb + pe[None, :, :]
    # dropout p=0.0 -> identity (eval / p=0)
    return out

if __name__ == "__main__":
    import jax
    _d = setup_inputs()
    print(jax.jit(kernel)(*tuple(_d.values())))

</pallas_src>

<mosaic_0001>
#map = affine_map<(d0, d1) -> (0)>
#map1 = affine_map<(d0, d1) -> (0, 0)>
module attributes {stable_mosaic.version = 14 : i64} {
  func.func @_emb_kernel(%arg0: i32, %arg1: i32, %arg2: memref<204800xi32, #tpu.memory_space<hbm>>, %arg3: memref<1000000x128xf32, #tpu.memory_space<hbm>>, %arg4: memref<200x64xf32, #tpu.memory_space<hbm>>, %arg5: memref<204800x64xf32, #tpu.memory_space<hbm>>, %arg6: memref<6400xi32, #tpu.memory_space<vmem>>, %arg7: memref<200x64xf32, #tpu.memory_space<vmem>>, %arg8: memref<104x128xf32, #tpu.memory_space<vmem>>, %arg9: memref<104x128xf32, #tpu.memory_space<vmem>>, %arg10: memref<104x128xf32, #tpu.memory_space<vmem>>, %arg11: memref<104x128xf32, #tpu.memory_space<vmem>>, %arg12: memref<104x64xf32, #tpu.memory_space<vmem>>, %arg13: memref<104x64xf32, #tpu.memory_space<vmem>>, %arg14: memref<!tpu.dma_semaphore, #tpu.memory_space<semaphore_mem>>, %arg15: memref<!tpu.dma_semaphore, #tpu.memory_space<semaphore_mem>>, %arg16: memref<!tpu.dma_semaphore, #tpu.memory_space<semaphore_mem>>, %arg17: memref<!tpu.dma_semaphore, #tpu.memory_space<semaphore_mem>>, %arg18: memref<!tpu.dma_semaphore, #tpu.memory_space<semaphore_mem>>, %arg19: memref<!tpu.dma_semaphore, #tpu.memory_space<semaphore_mem>>) attributes {dimension_semantics = [#tpu.dimension_semantics<core_parallel>, #tpu.dimension_semantics<subcore_parallel>], iteration_bounds = array<i64: 2, 16>, scalar_prefetch = 0 : i64, scratch_operands = 14 : i64, tpu.core_type = #tpu.core_type<sc_vector_subcore>, window_params = [{transform_indices = #map}, {transform_indices = #map1}, {transform_indices = #map1}, {transform_indices = #map1}]} {
    %mul3A = arith.constant 2 : i32
    %mul3A_0 = arith.muli %arg1, %mul3A : i32
    %add3A = arith.addi %mul3A_0, %arg0 : i32
    %mul3A_1 = arith.constant 6400 : i32
    %mul3A_2 = arith.muli %add3A, %mul3A_1 : i32
    "tpu.region"() ({
      %run_scoped3A = tpu.sem_alloc : memref<!tpu.dma_semaphore, #tpu.memory_space<semaphore_mem>>
      %dma_start3A_50 = tpu.memref_slice %arg2[%mul3A_2] : memref<204800xi32, #tpu.memory_space<hbm>> -> memref<6400xi32, #tpu.memory_space<hbm>>
      %dma_start3A_51 = tpu.memref_slice %arg2[%mul3A_2] : memref<204800xi32, #tpu.memory_space<hbm>> -> memref<6400xi32, #tpu.memory_space<hbm>>
      tpu.enqueue_dma source(%dma_start3A_51 : memref<6400xi32, #tpu.memory_space<hbm>>) target(%arg6 : memref<6400xi32, #tpu.memory_space<vmem>>) target_semaphore(%run_scoped3A : memref<!tpu.dma_semaphore, #tpu.memory_space<semaphore_mem>>)
      %dma_wait3A_52 = tpu.memref_slice %arg2[%mul3A_2] : memref<204800xi32, #tpu.memory_space<hbm>> -> memref<6400xi32, #tpu.memory_space<hbm>>
      %dma_wait3A_53 = tpu.memref_slice %arg2[%mul3A_2] : memref<204800xi32, #tpu.memory_space<hbm>> -> memref<6400xi32, #tpu.memory_space<hbm>>
      tpu.wait_dma2 semaphore(%run_scoped3A : memref<!tpu.dma_semaphore, #tpu.memory_space<semaphore_mem>>) src(%dma_wait3A_53 : memref<6400xi32, #tpu.memory_space<hbm>>) dst(%arg6 : memref<6400xi32, #tpu.memory_space<vmem>>)
      tpu.yield
    }) : () -> ()
    "tpu.region"() ({
      %run_scoped3A = tpu.sem_alloc : memref<!tpu.dma_semaphore, #tpu.memory_space<semaphore_mem>>
      tpu.enqueue_dma source(%arg4 : memref<200x64xf32, #tpu.memory_space<hbm>>) target(%arg7 : memref<200x64xf32, #tpu.memory_space<vmem>>) target_semaphore(%run_scoped3A : memref<!tpu.dma_semaphore, #tpu.memory_space<semaphore_mem>>)
      tpu.wait_dma2 semaphore(%run_scoped3A : memref<!tpu.dma_semaphore, #tpu.memory_space<semaphore_mem>>) src(%arg4 : memref<200x64xf32, #tpu.memory_space<hbm>>) dst(%arg7 : memref<200x64xf32, #tpu.memory_space<vmem>>)
      tpu.yield
    }) : () -> ()
    %dma_start3A = arith.constant 0 : i32
    %dma_start3A_3 = arith.constant 0 : i32
    %dma_start3A_4 = tpu.memref_slice %arg8[%dma_start3A, %dma_start3A_3] : memref<104x128xf32, #tpu.memory_space<vmem>> -> memref<104x128xf32, #tpu.memory_space<vmem>>
    %dma_start3A_5 = arith.constant 0 : i32
    %dma_start3A_6 = tpu.memref_slice %arg6[%dma_start3A_5] : memref<6400xi32, #tpu.memory_space<vmem>> -> memref<104xi32, #tpu.memory_space<vmem>>
    %dma_start3A_7 = arith.constant 0 : i32
    %dma_start3A_8 = arith.constant 0 : i32
    %dma_start3A_9 = tpu.memref_slice %arg3[%dma_start3A_7, %dma_start3A_8] : memref<1000000x128xf32, #tpu.memory_space<hbm>> -> memref<1000000x128xf32, #tpu.memory_space<hbm>>
    tpu.enqueue_indirect_dma source(%dma_start3A_9 : memref<1000000x128xf32, #tpu.memory_space<hbm>>) target(%dma_start3A_4 : memref<104x128xf32, #tpu.memory_space<vmem>>) offsets(%dma_start3A_6 : memref<104xi32, #tpu.memory_space<vmem>>) semaphore(%arg14 : memref<!tpu.dma_semaphore, #tpu.memory_space<semaphore_mem>>)
    %dma_start3A_10 = arith.constant 0 : i32
    %dma_start3A_11 = arith.constant 0 : i32
    %dma_start3A_12 = tpu.memref_slice %arg9[%dma_start3A_10, %dma_start3A_11] : memref<104x128xf32, #tpu.memory_space<vmem>> -> memref<96x128xf32, #tpu.memory_space<vmem>>
    %dma_start3A_13 = arith.constant 104 : i32
    %dma_start3A_14 = tpu.memref_slice %arg6[%dma_start3A_13] : memref<6400xi32, #tpu.memory_space<vmem>> -> memref<96xi32, #tpu.memory_space<vmem>>
    %dma_start3A_15 = arith.constant 0 : i32
    %dma_start3A_16 = arith.constant 0 : i32
    %dma_start3A_17 = tpu.memref_slice %arg3[%dma_start3A_15, %dma_start3A_16] : memref<1000000x128xf32, #tpu.memory_space<hbm>> -> memref<1000000x128xf32, #tpu.memory_space<hbm>>
    tpu.enqueue_indirect_dma source(%dma_start3A_17 : memref<1000000x128xf32, #tpu.memory_space<hbm>>) target(%dma_start3A_12 : memref<96x128xf32, #tpu.memory_space<vmem>>) offsets(%dma_start3A_14 : memref<96xi32, #tpu.memory_space<vmem>>) semaphore(%arg15 : memref<!tpu.dma_semaphore, #tpu.memory_space<semaphore_mem>>)
    %scan3A = arith.constant 0 : i32
    %scan3A_18 = arith.constant 0 : i32
    %scan3A_19 = arith.constant 16 : i32
    %scan3A_20 = arith.addi %scan3A_18, %scan3A_19 : i32
    %scan3A_21 = arith.constant 1 : i32
    scf.for %scan3A_50 = %scan3A_18 to %scan3A_20 step %scan3A_21  : i32 {
      %mul3A_51 = arith.constant 4 : i32
      %mul3A_52 = arith.muli %mul3A_51, %scan3A_50 : i32
      %add3A_53 = arith.constant 0 : i32
      %add3A_54 = arith.addi %mul3A_52, %add3A_53 : i32
      %add3A_55 = arith.constant 2 : i32
      %add3A_56 = arith.addi %add3A_54, %add3A_55 : i32
      %lt3A = arith.constant 64 : i32
      %lt3A_57 = arith.cmpi slt, %add3A_56, %lt3A : i32
      %convert_element_type3A = arith.extui %lt3A_57 : i1 to i32
      %cond3A = arith.constant 0 : i32
      %cond3A_58 = arith.cmpi ne, %convert_element_type3A, %cond3A : i32
      scf.if %cond3A_58 {
        %add3A_423 = arith.constant 2 : i32
        %add3A_424 = arith.addi %add3A_54, %add3A_423 : i32
        %jit3A_425 = arith.constant 2 : i32
        %div3A_426 = arith.divsi %add3A_424, %jit3A_425 : i32
        %sign3A_427 = arith.constant 0 : i32
        %sign3A_428 = arith.cmpi sgt, %add3A_424, %sign3A_427 : i32
        %sign3A_429 = arith.extui %sign3A_428 : i1 to i32
        %sign3A_430 = arith.constant 0 : i32
        %sign3A_431 = arith.cmpi slt, %add3A_424, %sign3A_430 : i32
        %sign3A_432 = arith.extui %sign3A_431 : i1 to i32
        %sign3A_433 = arith.subi %sign3A_429, %sign3A_432 : i32
        %sign3A_434 = arith.constant 0 : i32
        %sign3A_435 = arith.cmpi sgt, %jit3A_425, %sign3A_434 : i32
        %sign3A_436 = arith.extui %sign3A_435 : i1 to i32
        %sign3A_437 = arith.constant 0 : i32
        %sign3A_438 = arith.cmpi slt, %jit3A_425, %sign3A_437 : i32
        %sign3A_439 = arith.extui %sign3A_438 : i1 to i32
        %sign3A_440 = arith.subi %sign3A_436, %sign3A_439 : i32
        %ne3A_441 = arith.cmpi ne, %sign3A_433, %sign3A_440 : i32
        %rem3A_442 = arith.remsi %add3A_424, %jit3A_425 : i32
        %ne3A_443 = arith.constant 0 : i32
        %ne3A_444 = arith.cmpi ne, %rem3A_442, %ne3A_443 : i32
        %and3A_445 = arith.andi %ne3A_441, %ne3A_444 : i1
        %sub3A_446 = arith.constant 1 : i32
        %sub3A_447 = arith.subi %div3A_426, %sub3A_446 : i32
        %select_n3A_448 = arith.select %and3A_445, %sub3A_447, %div3A_426 : i32
        %mul3A_449 = arith.constant 200 : i32
        %mul3A_450 = arith.muli %select_n3A_448, %mul3A_449 : i32
        %add3A_451 = arith.constant 0 : i32
        %add3A_452 = arith.addi %mul3A_450, %add3A_451 : i32
        %dma_start3A_453 = arith.constant 0 : i32
        %dma_start3A_454 = arith.constant 0 : i32
        %dma_start3A_455 = tpu.memref_slice %arg10[%dma_start3A_453, %dma_start3A_454] : memref<104x128xf32, #tpu.memory_space<vmem>> -> memref<104x128xf32, #tpu.memory_space<vmem>>
        %dma_start3A_456 = tpu.memref_slice %arg6[%add3A_452] : memref<6400xi32, #tpu.memory_space<vmem>> -> memref<104xi32, #tpu.memory_space<vmem>>
        %dma_start3A_457 = arith.constant 0 : i32
        %dma_start3A_458 = arith.constant 0 : i32
        %dma_start3A_459 = tpu.memref_slice %arg3[%dma_start3A_457, %dma_start3A_458] : memref<1000000x128xf32, #tpu.memory_space<hbm>> -> memref<1000000x128xf32, #tpu.memory_space<hbm>>
        tpu.enqueue_indirect_dma source(%dma_start3A_459 : memref<1000000x128xf32, #tpu.memory_space<hbm>>) target(%dma_start3A_455 : memref<104x128xf32, #tpu.memory_space<vmem>>) offsets(%dma_start3A_456 : memref<104xi32, #tpu.memory_space<vmem>>) semaphore(%arg16 : memref<!tpu.dma_semaphore, #tpu.memory_space<semaphore_mem>>)
      } else {
      }
      %jit3A = arith.constant 2 : i32
      %div3A = arith.divsi %add3A_54, %jit3A : i32
      %sign3A = arith.constant 0 : i32
      %sign3A_59 = arith.cmpi sgt, %add3A_54, %sign3A : i32
      %sign3A_60 = arith.extui %sign3A_59 : i1 to i32
      %sign3A_61 = arith.constant 0 : i32
      %sign3A_62 = arith.cmpi slt, %add3A_54, %sign3A_61 : i32
      %sign3A_63 = arith.extui %sign3A_62 : i1 to i32
      %sign3A_64 = arith.subi %sign3A_60, %sign3A_63 : i32
      %sign3A_65 = arith.constant 0 : i32
      %sign3A_66 = arith.cmpi sgt, %jit3A, %sign3A_65 : i32
      %sign3A_67 = arith.extui %sign3A_66 : i1 to i32
      %sign3A_68 = arith.constant 0 : i32
      %sign3A_69 = arith.cmpi slt, %jit3A, %sign3A_68 : i32
      %sign3A_70 = arith.extui %sign3A_69 : i1 to i32
      %sign3A_71 = arith.subi %sign3A_67, %sign3A_70 : i32
      %ne3A = arith.cmpi ne, %sign3A_64, %sign3A_71 : i32
      %rem3A = arith.remsi %add3A_54, %jit3A : i32
      %ne3A_72 = arith.constant 0 : i32
      %ne3A_73 = arith.cmpi ne, %rem3A, %ne3A_72 : i32
      %and3A = arith.andi %ne3A, %ne3A_73 : i1
      %sub3A = arith.constant 1 : i32
      %sub3A_74 = arith.subi %div3A, %sub3A : i32
      %select_n3A = arith.select %and3A, %sub3A_74, %div3A : i32
      %mul3A_75 = arith.constant 200 : i32
      %mul3A_76 = arith.muli %select_n3A, %mul3A_75 : i32
      %add3A_77 = arith.constant 0 : i32
      %add3A_78 = arith.addi %mul3A_76, %add3A_77 : i32
      %dma_wait3A_79 = arith.constant 0 : i32
      %dma_wait3A_80 = arith.constant 0 : i32
      %dma_wait3A_81 = tpu.memref_slice %arg8[%dma_wait3A_79, %dma_wait3A_80] : memref<104x128xf32, #tpu.memory_space<vmem>> -> memref<104x128xf32, #tpu.memory_space<vmem>>
      %dma_wait3A_82 = tpu.memref_slice %arg6[%add3A_78] : memref<6400xi32, #tpu.memory_space<vmem>> -> memref<104xi32, #tpu.memory_space<vmem>>
      %dma_wait3A_83 = arith.constant 0 : i32
      %dma_wait3A_84 = arith.constant 0 : i32
      %dma_wait3A_85 = tpu.memref_slice %arg3[%dma_wait3A_83, %dma_wait3A_84] : memref<1000000x128xf32, #tpu.memory_space<hbm>> -> memref<1000000x128xf32, #tpu.memory_space<hbm>>
      tpu.wait_indirect_dma semaphore(%arg14 : memref<!tpu.dma_semaphore, #tpu.memory_space<semaphore_mem>>) src(%dma_wait3A_85 : memref<1000000x128xf32, #tpu.memory_space<hbm>>) dst(%dma_wait3A_81 : memref<104x128xf32, #tpu.memory_space<vmem>>)
      %ge3A = arith.constant 2 : i32
      %ge3A_86 = arith.cmpi sge, %add3A_54, %ge3A : i32
      %convert_element_type3A_87 = arith.extui %ge3A_86 : i1 to i32
      %cond3A_88 = arith.constant 0 : i32
      %cond3A_89 = arith.cmpi ne, %convert_element_type3A_87, %cond3A_88 : i32
      scf.if %cond3A_89 {
        %sub3A_423 = arith.constant 2 : i32
        %sub3A_424 = arith.subi %add3A_54, %sub3A_423 : i32
        %jit3A_425 = arith.constant 2 : i32
        %div3A_426 = arith.divsi %sub3A_424, %jit3A_425 : i32
        %sign3A_427 = arith.constant 0 : i32
        %sign3A_428 = arith.cmpi sgt, %sub3A_424, %sign3A_427 : i32
        %sign3A_429 = arith.extui %sign3A_428 : i1 to i32
        %sign3A_430 = arith.constant 0 : i32
        %sign3A_431 = arith.cmpi slt, %sub3A_424, %sign3A_430 : i32
        %sign3A_432 = arith.extui %sign3A_431 : i1 to i32
        %sign3A_433 = arith.subi %sign3A_429, %sign3A_432 : i32
        %sign3A_434 = arith.constant 0 : i32
        %sign3A_435 = arith.cmpi sgt, %jit3A_425, %sign3A_434 : i32
        %sign3A_436 = arith.extui %sign3A_435 : i1 to i32
        %sign3A_437 = arith.constant 0 : i32
        %sign3A_438 = arith.cmpi slt, %jit3A_425, %sign3A_437 : i32
        %sign3A_439 = arith.extui %sign3A_438 : i1 to i32
        %sign3A_440 = arith.subi %sign3A_436, %sign3A_439 : i32
        %ne3A_441 = arith.cmpi ne, %sign3A_433, %sign3A_440 : i32
        %rem3A_442 = arith.remsi %sub3A_424, %jit3A_425 : i32
        %ne3A_443 = arith.constant 0 : i32
        %ne3A_444 = arith.cmpi ne, %rem3A_442, %ne3A_443 : i32
        %and3A_445 = arith.andi %ne3A_441, %ne3A_444 : i1
        %sub3A_446 = arith.constant 1 : i32
        %sub3A_447 = arith.subi %div3A_426, %sub3A_446 : i32
        %select_n3A_448 = arith.select %and3A_445, %sub3A_447, %div3A_426 : i32
        %mul3A_449 = arith.constant 200 : i32
        %mul3A_450 = arith.muli %select_n3A_448, %mul3A_449 : i32
        %add3A_451 = arith.addi %mul3A_2, %mul3A_450 : i32
        %add3A_452 = arith.constant 0 : i32
        %add3A_453 = arith.addi %add3A_451, %add3A_452 : i32
        %dma_wait3A_454 = arith.constant 0 : i32
        %dma_wait3A_455 = arith.constant 0 : i32
        %dma_wait3A_456 = tpu.memref_slice %arg12[%dma_wait3A_454, %dma_wait3A_455] : memref<104x64xf32, #tpu.memory_space<vmem>> -> memref<104x64xf32, #tpu.memory_space<vmem>>
        %dma_wait3A_457 = arith.constant 0 : i32
        %dma_wait3A_458 = tpu.memref_slice %arg5[%add3A_453, %dma_wait3A_457] : memref<204800x64xf32, #tpu.memory_space<hbm>> -> memref<104x64xf32, #tpu.memory_space<hbm>>
        %dma_wait3A_459 = arith.constant 0 : i32
        %dma_wait3A_460 = tpu.memref_slice %arg5[%add3A_453, %dma_wait3A_459] : memref<204800x64xf32, #tpu.memory_space<hbm>> -> memref<104x64xf32, #tpu.memory_space<hbm>>
        %dma_wait3A_461 = arith.constant 0 : i32
        %dma_wait3A_462 = arith.constant 0 : i32
        %dma_wait3A_463 = tpu.memref_slice %arg12[%dma_wait3A_461, %dma_wait3A_462] : memref<104x64xf32, #tpu.memory_space<vmem>> -> memref<104x64xf32, #tpu.memory_space<vmem>>
        tpu.wait_dma2 semaphore(%arg18 : memref<!tpu.dma_semaphore, #tpu.memory_space<semaphore_mem>>) src(%dma_wait3A_463 : memref<104x64xf32, #tpu.memory_space<vmem>>) dst(%dma_wait3A_460 : memref<104x64xf32, #tpu.memory_space<hbm>>)
      } else {
      }
      %scan3A_90 = arith.constant 0 : i32
      %scan3A_91 = arith.constant 0 : i32
      %scan3A_92 = arith.constant 104 : i32
      %scan3A_93 = arith.addi %scan3A_91, %scan3A_92 : i32
      %scan3A_94 = arith.constant 4 : i32
      scf.for %scan3A_423 = %scan3A_91 to %scan3A_93 step %scan3A_94  : i32 {
        %get3A = arith.index_cast %scan3A_423 : i32 to index
        %get3A_424 = arith.constant 0 : index
        %get3A_425 = tpu.vector_load %arg8[%get3A, %get3A_424] {strides = array<i32>} : memref<104x128xf32, #tpu.memory_space<vmem>>, vector<1x16xf32>,
        %get3A_426 = vector.shape_cast %get3A_425 : vector<1x16xf32> to vector<16xf32>
        %add3A_427 = arith.constant 0 : i32
        %add3A_428 = arith.addi %add3A_427, %scan3A_423 : i32
        %get3A_429 = arith.index_cast %add3A_428 : i32 to index
        %get3A_430 = arith.constant 0 : index
        %get3A_431 = tpu.vector_load %arg7[%get3A_429, %get3A_430] {strides = array<i32>} : memref<200x64xf32, #tpu.memory_space<vmem>>, vector<1x16xf32>,
        %get3A_432 = vector.shape_cast %get3A_431 : vector<1x16xf32> to vector<16xf32>
        %add3A_433 = arith.addf %get3A_426, %get3A_432 : vector<16xf32>
        %swap3A = arith.index_cast %scan3A_423 : i32 to index
        %swap3A_434 = arith.constant 0 : index
        %swap3A_435 = tpu.vector_load %arg12[%swap3A, %swap3A_434] {strides = array<i32>} : memref<104x64xf32, #tpu.memory_space<vmem>>, vector<1x16xf32>,
        %swap3A_436 = vector.shape_cast %swap3A_435 : vector<1x16xf32> to vector<16xf32>
        %swap3A_437 = vector.shape_cast %add3A_433 : vector<16xf32> to vector<1x16xf32>
        tpu.vector_store %arg12[%swap3A, %swap3A_434], %swap3A_437 {strides = array<i32>} : memref<104x64xf32, #tpu.memory_space<vmem>>, vector<1x16xf32>,
        %get3A_438 = arith.index_cast %scan3A_423 : i32 to index
        %get3A_439 = arith.constant 16 : index
        %get3A_440 = tpu.vector_load %arg8[%get3A_438, %get3A_439] {strides = array<i32>} : memref<104x128xf32, #tpu.memory_space<vmem>>, vector<1x16xf32>,
        %get3A_441 = vector.shape_cast %get3A_440 : vector<1x16xf32> to vector<16xf32>
        %add3A_442 = arith.constant 0 : i32
        %add3A_443 = arith.addi %add3A_442, %scan3A_423 : i32
        %get3A_444 = arith.index_cast %add3A_443 : i32 to index
        %get3A_445 = arith.constant 16 : index
        %get3A_446 = tpu.vector_load %arg7[%get3A_444, %get3A_445] {strides = array<i32>} : memref<200x64xf32, #tpu.memory_space<vmem>>, vector<1x16xf32>,
        %get3A_447 = vector.shape_cast %get3A_446 : vector<1x16xf32> to vector<16xf32>
        %add3A_448 = arith.addf %get3A_441, %get3A_447 : vector<16xf32>
        %swap3A_449 = arith.index_cast %scan3A_423 : i32 to index
        %swap3A_450 = arith.constant 16 : index
        %swap3A_451 = tpu.vector_load %arg12[%swap3A_449, %swap3A_450] {strides = array<i32>} : memref<104x64xf32, #tpu.memory_space<vmem>>, vector<1x16xf32>,
        %swap3A_452 = vector.shape_cast %swap3A_451 : vector<1x16xf32> to vector<16xf32>
        %swap3A_453 = vector.shape_cast %add3A_448 : vector<16xf32> to vector<1x16xf32>
        tpu.vector_store %arg12[%swap3A_449, %swap3A_450], %swap3A_453 {strides = array<i32>} : memref<104x64xf32, #tpu.memory_space<vmem>>, vector<1x16xf32>,
        %get3A_454 = arith.index_cast %scan3A_423 : i32 to index
        %get3A_455 = arith.constant 32 : index
        %get3A_456 = tpu.vector_load %arg8[%get3A_454, %get3A_455] {strides = array<i32>} : memref<104x128xf32, #tpu.memory_space<vmem>>, vector<1x16xf32>,
        %get3A_457 = vector.shape_cast %get3A_456 : vector<1x16xf32> to vector<16xf32>
        %add3A_458 = arith.constant 0 : i32
        %add3A_459 = arith.addi %add3A_458, %scan3A_423 : i32
        %get3A_460 = arith.index_cast %add3A_459 : i32 to index
        %get3A_461 = arith.constant 32 : index
        %get3A_462 = tpu.vector_load %arg7[%get3A_460, %get3A_461] {strides = array<i32>} : memref<200x64xf32, #tpu.memory_space<vmem>>, vector<1x16xf32>,
        %get3A_463 = vector.shape_cast %get3A_462 : vector<1x16xf32> to vector<16xf32>
        %add3A_464 = arith.addf %get3A_457, %get3A_463 : vector<16xf32>
        %swap3A_465 = arith.index_cast %scan3A_423 : i32 to index
        %swap3A_466 = arith.constant 32 : index
        %swap3A_467 = tpu.vector_load %arg12[%swap3A_465, %swap3A_466] {strides = array<i32>} : memref<104x64xf32, #tpu.memory_space<vmem>>, vector<1x16xf32>,
        %swap3A_468 = vector.shape_cast %swap3A_467 : vector<1x16xf32> to vector<16xf32>
        %swap3A_469 = vector.shape_cast %add3A_464 : vector<16xf32> to vector<1x16xf32>
        tpu.vector_store %arg12[%swap3A_465, %swap3A_466], %swap3A_469 {strides = array<i32>} : memref<104x64xf32, #tpu.memory_space<vmem>>, vector<1x16xf32>,
        %get3A_470 = arith.index_cast %scan3A_423 : i32 to index
        %get3A_471 = arith.constant 48 : index
        %get3A_472 = tpu.vector_load %arg8[%get3A_470, %get3A_471] {strides = array<i32>} : memref<104x128xf32, #tpu.memory_space<vmem>>, vector<1x16xf32>,
        %get3A_473 = vector.shape_cast %get3A_472 : vector<1x16xf32> to vector<16xf32>
        %add3A_474 = arith.constant 0 : i32
        %add3A_475 = arith.addi %add3A_474, %scan3A_423 : i32
        %get3A_476 = arith.index_cast %add3A_475 : i32 to index
        %get3A_477 = arith.constant 48 : index
        %get3A_478 = tpu.vector_load %arg7[%get3A_476, %get3A_477] {strides = array<i32>} : memref<200x64xf32, #tpu.memory_space<vmem>>, vector<1x16xf32>,
        %get3A_479 = vector.shape_cast %get3A_478 : vector<1x16xf32> to vector<16xf32>
        %add3A_480 = arith.addf %get3A_473, %get3A_479 : vector<16xf32>
        %swap3A_481 = arith.index_cast %scan3A_423 : i32 to index
        %swap3A_482 = arith.constant 48 : index
        %swap3A_483 = tpu.vector_load %arg12[%swap3A_481, %swap3A_482] {strides = array<i32>} : memref<104x64xf32, #tpu.memory_space<vmem>>, vector<1x16xf32>,
        %swap3A_484 = vector.shape_cast %swap3A_483 : vector<1x16xf32> to vector<16xf32>
        %swap3A_485 = vector.shape_cast %add3A_480 : vector<16xf32> to vector<1x16xf32>
        tpu.vector_store %arg12[%swap3A_481, %swap3A_482], %swap3A_485 {strides = array<i32>} : memref<104x64xf32, #tpu.memory_space<vmem>>, vector<1x16xf32>,
        %scan3A_486 = arith.constant 1 : i32
        %scan3A_487 = arith.addi %scan3A_423, %scan3A_486 : i32
        %get3A_488 = arith.index_cast %scan3A_487 : i32 to index
        %get3A_489 = arith.constant 0 : index
        %get3A_490 = tpu.vector_load %arg8[%get3A_488, %get3A_489] {strides = array<i32>} : memref<104x128xf32, #tpu.memory_space<vmem>>, vector<1x16xf32>,
        %get3A_491 = vector.shape_cast %get3A_490 : vector<1x16xf32> to vector<16xf32>
        %add3A_492 = arith.constant 0 : i32
        %add3A_493 = arith.addi %add3A_492, %scan3A_487 : i32
        %get3A_494 = arith.index_cast %add3A_493 : i32 to index
        %get3A_495 = arith.constant 0 : index
        %get3A_496 = tpu.vector_load %arg7[%get3A_494, %get3A_495] {strides = array<i32>} : memref<200x64xf32, #tpu.memory_space<vmem>>, vector<1x16xf32>,
        %get3A_497 = vector.shape_cast %get3A_496 : vector<1x16xf32> to vector<16xf32>
        %add3A_498 = arith.addf %get3A_491, %get3A_497 : vector<16xf32>
        %swap3A_499 = arith.index_cast %scan3A_487 : i32 to index
        %swap3A_500 = arith.constant 0 : index
        %swap3A_501 = tpu.vector_load %arg12[%swap3A_499, %swap3A_500] {strides = array<i32>} : memref<104x64xf32, #tpu.memory_space<vmem>>, vector<1x16xf32>,
        %swap3A_502 = vector.shape_cast %swap3A_501 : vector<1x16xf32> to vector<16xf32>
        %swap3A_503 = vector.shape_cast %add3A_498 : vector<16xf32> to vector<1x16xf32>
        tpu.vector_store %arg12[%swap3A_499, %swap3A_500], %swap3A_503 {strides = array<i32>} : memref<104x64xf32, #tpu.memory_space<vmem>>, vector<1x16xf32>,
        %get3A_504 = arith.index_cast %scan3A_487 : i32 to index
        %get3A_505 = arith.constant 16 : index
        %get3A_506 = tpu.vector_load %arg8[%get3A_504, %get3A_505] {strides = array<i32>} : memref<104x128xf32, #tpu.memory_space<vmem>>, vector<1x16xf32>,
        %get3A_507 = vector.shape_cast %get3A_506 : vector<1x16xf32> to vector<16xf32>
        %add3A_508 = arith.constant 0 : i32
        %add3A_509 = arith.addi %add3A_508, %scan3A_487 : i32
        %get3A_510 = arith.index_cast %add3A_509 : i32 to index
        %get3A_511 = arith.constant 16 : index
        %get3A_512 = tpu.vector_load %arg7[%get3A_510, %get3A_511] {strides = array<i32>} : memref<200x64xf32, #tpu.memory_space<vmem>>, vector<1x16xf32>,
        %get3A_513 = vector.shape_cast %get3A_512 : vector<1x16xf32> to vector<16xf32>
        %add3A_514 = arith.addf %get3A_507, %get3A_513 : vector<16xf32>
        %swap3A_515 = arith.index_cast %scan3A_487 : i32 to index
        %swap3A_516 = arith.constant 16 : index
        %swap3A_517 = tpu.vector_load %arg12[%swap3A_515, %swap3A_516] {strides = array<i32>} : memref<104x64xf32, #tpu.memory_space<vmem>>, vector<1x16xf32>,
        %swap3A_518 = vector.shape_cast %swap3A_517 : vector<1x16xf32> to vector<16xf32>
        %swap3A_519 = vector.shape_cast %add3A_514 : vector<16xf32> to vector<1x16xf32>
        tpu.vector_store %arg12[%swap3A_515, %swap3A_516], %swap3A_519 {strides = array<i32>} : memref<104x64xf32, #tpu.memory_space<vmem>>, vector<1x16xf32>,
        %get3A_520 = arith.index_cast %scan3A_487 : i32 to index
        %get3A_521 = arith.constant 32 : index
        %get3A_522 = tpu.vector_load %arg8[%get3A_520, %get3A_521] {strides = array<i32>} : memref<104x128xf32, #tpu.memory_space<vmem>>, vector<1x16xf32>,
        %get3A_523 = vector.shape_cast %get3A_522 : vector<1x16xf32> to vector<16xf32>
        %add3A_524 = arith.constant 0 : i32
        %add3A_525 = arith.addi %add3A_524, %scan3A_487 : i32
        %get3A_526 = arith.index_cast %add3A_525 : i32 to index
        %get3A_527 = arith.constant 32 : index
        %get3A_528 = tpu.vector_load %arg7[%get3A_526, %get3A_527] {strides = array<i32>} : memref<200x64xf32, #tpu.memory_space<vmem>>, vector<1x16xf32>,
        %get3A_529 = vector.shape_cast %get3A_528 : vector<1x16xf32> to vector<16xf32>
        %add3A_530 = arith.addf %get3A_523, %get3A_529 : vector<16xf32>
        %swap3A_531 = arith.index_cast %scan3A_487 : i32 to index
        %swap3A_532 = arith.constant 32 : index
        %swap3A_533 = tpu.vector_load %arg12[%swap3A_531, %swap3A_532] {strides = array<i32>} : memref<104x64xf32, #tpu.memory_space<vmem>>, vector<1x16xf32>,
        %swap3A_534 = vector.shape_cast %swap3A_533 : vector<1x16xf32> to vector<16xf32>
        %swap3A_535 = vector.shape_cast %add3A_530 : vector<16xf32> to vector<1x16xf32>
        tpu.vector_store %arg12[%swap3A_531, %swap3A_532], %swap3A_535 {strides = array<i32>} : memref<104x64xf32, #tpu.memory_space<vmem>>, vector<1x16xf32>,
        %get3A_536 = arith.index_cast %scan3A_487 : i32 to index
        %get3A_537 = arith.constant 48 : index
        %get3A_538 = tpu.vector_load %arg8[%get3A_536, %get3A_537] {strides = array<i32>} : memref<104x128xf32, #tpu.memory_space<vmem>>, vector<1x16xf32>,
        %get3A_539 = vector.shape_cast %get3A_538 : vector<1x16xf32> to vector<16xf32>
        %add3A_540 = arith.constant 0 : i32
        %add3A_541 = arith.addi %add3A_540, %scan3A_487 : i32
        %get3A_542 = arith.index_cast %add3A_541 : i32 to index
        %get3A_543 = arith.constant 48 : index
        %get3A_544 = tpu.vector_load %arg7[%get3A_542, %get3A_543] {strides = array<i32>} : memref<200x64xf32, #tpu.memory_space<vmem>>, vector<1x16xf32>,
        %get3A_545 = vector.shape_cast %get3A_544 : vector<1x16xf32> to vector<16xf32>
        %add3A_546 = arith.addf %get3A_539, %get3A_545 : vector<16xf32>
        %swap3A_547 = arith.index_cast %scan3A_487 : i32 to index
        %swap3A_548 = arith.constant 48 : index
        %swap3A_549 = tpu.vector_load %arg12[%swap3A_547, %swap3A_548] {strides = array<i32>} : memref<104x64xf32, #tpu.memory_space<vmem>>, vector<1x16xf32>,
        %swap3A_550 = vector.shape_cast %swap3A_549 : vector<1x16xf32> to vector<16xf32>
        %swap3A_551 = vector.shape_cast %add3A_546 : vector<16xf32> to vector<1x16xf32>
        tpu.vector_store %arg12[%swap3A_547, %swap3A_548], %swap3A_551 {strides = array<i32>} : memref<104x64xf32, #tpu.memory_space<vmem>>, vector<1x16xf32>,
        %scan3A_552 = arith.constant 2 : i32
        %scan3A_553 = arith.addi %scan3A_423, %scan3A_552 : i32
        %get3A_554 = arith.index_cast %scan3A_553 : i32 to index
        %get3A_555 = arith.constant 0 : index
        %get3A_556 = tpu.vector_load %arg8[%get3A_554, %get3A_555] {strides = array<i32>} : memref<104x128xf32, #tpu.memory_space<vmem>>, vector<1x16xf32>,
        %get3A_557 = vector.shape_cast %get3A_556 : vector<1x16xf32> to vector<16xf32>
        %add3A_558 = arith.constant 0 : i32
        %add3A_559 = arith.addi %add3A_558, %scan3A_553 : i32
        %get3A_560 = arith.index_cast %add3A_559 : i32 to index
        %get3A_561 = arith.constant 0 : index
        %get3A_562 = tpu.vector_load %arg7[%get3A_560, %get3A_561] {strides = array<i32>} : memref<200x64xf32, #tpu.memory_space<vmem>>, vector<1x16xf32>,
        %get3A_563 = vector.shape_cast %get3A_562 : vector<1x16xf32> to vector<16xf32>
        %add3A_564 = arith.addf %get3A_557, %get3A_563 : vector<16xf32>
        %swap3A_565 = arith.index_cast %scan3A_553 : i32 to index
        %swap3A_566 = arith.constant 0 : index
        %swap3A_567 = tpu.vector_load %arg12[%swap3A_565, %swap3A_566] {strides = array<i32>} : memref<104x64xf32, #tpu.memory_space<vmem>>, vector<1x16xf32>,
        %swap3A_568 = vector.shape_cast %swap3A_567 : vector<1x16xf32> to vector<16xf32>
        %swap3A_569 = vector.shape_cast %add3A_564 : vector<16xf32> to vector<1x16xf32>
        tpu.vector_store %arg12[%swap3A_565, %swap3A_566], %swap3A_569 {strides = array<i32>} : memref<104x64xf32, #tpu.memory_space<vmem>>, vector<1x16xf32>,
        %get3A_570 = arith.index_cast %scan3A_553 : i32 to index
        %get3A_571 = arith.constant 16 : index
        %get3A_572 = tpu.vector_load %arg8[%get3A_570, %get3A_571] {strides = array<i32>} : memref<104x128xf32, #tpu.memory_space<vmem>>, vector<1x16xf32>,
        %get3A_573 = vector.shape_cast %get3A_572 : vector<1x16xf32> to vector<16xf32>
        %add3A_574 = arith.constant 0 : i32
        %add3A_575 = arith.addi %add3A_574, %scan3A_553 : i32
        %get3A_576 = arith.index_cast %add3A_575 : i32 to index
        %get3A_577 = arith.constant 16 : index
        %get3A_578 = tpu.vector_load %arg7[%get3A_576, %get3A_577] {strides = array<i32>} : memref<200x64xf32, #tpu.memory_space<vmem>>, vector<1x16xf32>,
        %get3A_579 = vector.shape_cast %get3A_578 : vector<1x16xf32> to vector<16xf32>
        %add3A_580 = arith.addf %get3A_573, %get3A_579 : vector<16xf32>
        %swap3A_581 = arith.index_cast %scan3A_553 : i32 to index
        %swap3A_582 = arith.constant 16 : index
        %swap3A_583 = tpu.vector_load %arg12[%swap3A_581, %swap3A_582] {strides = array<i32>} : memref<104x64xf32, #tpu.memory_space<vmem>>, vector<1x16xf32>,
        %swap3A_584 = vector.shape_cast %swap3A_583 : vector<1x16xf32> to vector<16xf32>
        %swap3A_585 = vector.shape_cast %add3A_580 : vector<16xf32> to vector<1x16xf32>
        tpu.vector_store %arg12[%swap3A_581, %swap3A_582], %swap3A_585 {strides = array<i32>} : memref<104x64xf32, #tpu.memory_space<vmem>>, vector<1x16xf32>,
        %get3A_586 = arith.index_cast %scan3A_553 : i32 to index
        %get3A_587 = arith.constant 32 : index
        %get3A_588 = tpu.vector_load %arg8[%get3A_586, %get3A_587] {strides = array<i32>} : memref<104x128xf32, #tpu.memory_space<vmem>>, vector<1x16xf32>,
        %get3A_589 = vector.shape_cast %get3A_588 : vector<1x16xf32> to vector<16xf32>
        %add3A_590 = arith.constant 0 : i32
        %add3A_591 = arith.addi %add3A_590, %scan3A_553 : i32
        %get3A_592 = arith.index_cast %add3A_591 : i32 to index
        %get3A_593 = arith.constant 32 : index
        %get3A_594 = tpu.vector_load %arg7[%get3A_592, %get3A_593] {strides = array<i32>} : memref<200x64xf32, #tpu.memory_space<vmem>>, vector<1x16xf32>,
        %get3A_595 = vector.shape_cast %get3A_594 : vector<1x16xf32> to vector<16xf32>
        %add3A_596 = arith.addf %get3A_589, %get3A_595 : vector<16xf32>
        %swap3A_597 = arith.index_cast %scan3A_553 : i32 to index
        %swap3A_598 = arith.constant 32 : index
        %swap3A_599 = tpu.vector_load %arg12[%swap3A_597, %swap3A_598] {strides = array<i32>} : memref<104x64xf32, #tpu.memory_space<vmem>>, vector<1x16xf32>,
        %swap3A_600 = vector.shape_cast %swap3A_599 : vector<1x16xf32> to vector<16xf32>
        %swap3A_601 = vector.shape_cast %add3A_596 : vector<16xf32> to vector<1x16xf32>
        tpu.vector_store %arg12[%swap3A_597, %swap3A_598], %swap3A_601 {strides = array<i32>} : memref<104x64xf32, #tpu.memory_space<vmem>>, vector<1x16xf32>,
        %get3A_602 = arith.index_cast %scan3A_553 : i32 to index
        %get3A_603 = arith.constant 48 : index
        %get3A_604 = tpu.vector_load %arg8[%get3A_602, %get3A_603] {strides = array<i32>} : memref<104x128xf32, #tpu.memory_space<vmem>>, vector<1x16xf32>,
        %get3A_605 = vector.shape_cast %get3A_604 : vector<1x16xf32> to vector<16xf32>
        %add3A_606 = arith.constant 0 : i32
        %add3A_607 = arith.addi %add3A_606, %scan3A_553 : i32
        %get3A_608 = arith.index_cast %add3A_607 : i32 to index
        %get3A_609 = arith.constant 48 : index
        %get3A_610 = tpu.vector_load %arg7[%get3A_608, %get3A_609] {strides = array<i32>} : memref<200x64xf32, #tpu.memory_space<vmem>>, vector<1x16xf32>,
        %get3A_611 = vector.shape_cast %get3A_610 : vector<1x16xf32> to vector<16xf32>
        %add3A_612 = arith.addf %get3A_605, %get3A_611 : vector<16xf32>
        %swap3A_613 = arith.index_cast %scan3A_553 : i32 to index
        %swap3A_614 = arith.constant 48 : index
        %swap3A_615 = tpu.vector_load %arg12[%swap3A_613, %swap3A_614] {strides = array<i32>} : memref<104x64xf32, #tpu.memory_space<vmem>>, vector<1x16xf32>,
        %swap3A_616 = vector.shape_cast %swap3A_615 : vector<1x16xf32> to vector<16xf32>
        %swap3A_617 = vector.shape_cast %add3A_612 : vector<16xf32> to vector<1x16xf32>
        tpu.vector_store %arg12[%swap3A_613, %swap3A_614], %swap3A_617 {strides = array<i32>} : memref<104x64xf32, #tpu.memory_space<vmem>>, vector<1x16xf32>,
        %scan3A_618 = arith.constant 3 : i32
        %scan3A_619 = arith.addi %scan3A_423, %scan3A_618 : i32
        %get3A_620 = arith.index_cast %scan3A_619 : i32 to index
        %get3A_621 = arith.constant 0 : index
        %get3A_622 = tpu.vector_load %arg8[%get3A_620, %get3A_621] {strides = array<i32>} : memref<104x128xf32, #tpu.memory_space<vmem>>, vector<1x16xf32>,
        %get3A_623 = vector.shape_cast %get3A_622 : vector<1x16xf32> to vector<16xf32>
        %add3A_624 = arith.constant 0 : i32
        %add3A_625 = arith.addi %add3A_624, %scan3A_619 : i32
        %get3A_626 = arith.index_cast %add3A_625 : i32 to index
        %get3A_627 = arith.constant 0 : index
        %get3A_628 = tpu.vector_load %arg7[%get3A_626, %get3A_627] {strides = array<i32>} : memref<200x64xf32, #tpu.memory_space<vmem>>, vector<1x16xf32>,
        %get3A_629 = vector.shape_cast %get3A_628 : vector<1x16xf32> to vector<16xf32>
        %add3A_630 = arith.addf %get3A_623, %get3A_629 : vector<16xf32>
        %swap3A_631 = arith.index_cast %scan3A_619 : i32 to index
        %swap3A_632 = arith.constant 0 : index
        %swap3A_633 = tpu.vector_load %arg12[%swap3A_631, %swap3A_632] {strides = array<i32>} : memref<104x64xf32, #tpu.memory_space<vmem>>, vector<1x16xf32>,
        %swap3A_634 = vector.shape_cast %swap3A_633 : vector<1x16xf32> to vector<16xf32>
        %swap3A_635 = vector.shape_cast %add3A_630 : vector<16xf32> to vector<1x16xf32>
        tpu.vector_store %arg12[%swap3A_631, %swap3A_632], %swap3A_635 {strides = array<i32>} : memref<104x64xf32, #tpu.memory_space<vmem>>, vector<1x16xf32>,
        %get3A_636 = arith.index_cast %scan3A_619 : i32 to index
        %get3A_637 = arith.constant 16 : index
        %get3A_638 = tpu.vector_load %arg8[%get3A_636, %get3A_637] {strides = array<i32>} : memref<104x128xf32, #tpu.memory_space<vmem>>, vector<1x16xf32>,
        %get3A_639 = vector.shape_cast %get3A_638 : vector<1x16xf32> to vector<16xf32>
        %add3A_640 = arith.constant 0 : i32
        %add3A_641 = arith.addi %add3A_640, %scan3A_619 : i32
        %get3A_642 = arith.index_cast %add3A_641 : i32 to index
        %get3A_643 = arith.constant 16 : index
        %get3A_644 = tpu.vector_load %arg7[%get3A_642, %get3A_643] {strides = array<i32>} : memref<200x64xf32, #tpu.memory_space<vmem>>, vector<1x16xf32>,
        %get3A_645 = vector.shape_cast %get3A_644 : vector<1x16xf32> to vector<16xf32>
        %add3A_646 = arith.addf %get3A_639, %get3A_645 : vector<16xf32>
        %swap3A_647 = arith.index_cast %scan3A_619 : i32 to index
        %swap3A_648 = arith.constant 16 : index
        %swap3A_649 = tpu.vector_load %arg12[%swap3A_647, %swap3A_648] {strides = array<i32>} : memref<104x64xf32, #tpu.memory_space<vmem>>, vector<1x16xf32>,
        %swap3A_650 = vector.shape_cast %swap3A_649 : vector<1x16xf32> to vector<16xf32>
        %swap3A_651 = vector.shape_cast %add3A_646 : vector<16xf32> to vector<1x16xf32>
        tpu.vector_store %arg12[%swap3A_647, %swap3A_648], %swap3A_651 {strides = array<i32>} : memref<104x64xf32, #tpu.memory_space<vmem>>, vector<1x16xf32>,
        %get3A_652 = arith.index_cast %scan3A_619 : i32 to index
        %get3A_653 = arith.constant 32 : index
        %get3A_654 = tpu.vector_load %arg8[%get3A_652, %get3A_653] {strides = array<i32>} : memref<104x128xf32, #tpu.memory_space<vmem>>, vector<1x16xf32>,
        %get3A_655 = vector.shape_cast %get3A_654 : vector<1x16xf32> to vector<16xf32>
        %add3A_656 = arith.constant 0 : i32
        %add3A_657 = arith.addi %add3A_656, %scan3A_619 : i32
        %get3A_658 = arith.index_cast %add3A_657 : i32 to index
        %get3A_659 = arith.constant 32 : index
        %get3A_660 = tpu.vector_load %arg7[%get3A_658, %get3A_659] {strides = array<i32>} : memref<200x64xf32, #tpu.memory_space<vmem>>, vector<1x16xf32>,
        %get3A_661 = vector.shape_cast %get3A_660 : vector<1x16xf32> to vector<16xf32>
        %add3A_662 = arith.addf %get3A_655, %get3A_661 : vector<16xf32>
        %swap3A_663 = arith.index_cast %scan3A_619 : i32 to index
        %swap3A_664 = arith.constant 32 : index
        %swap3A_665 = tpu.vector_load %arg12[%swap3A_663, %swap3A_664] {strides = array<i32>} : memref<104x64xf32, #tpu.memory_space<vmem>>, vector<1x16xf32>,
        %swap3A_666 = vector.shape_cast %swap3A_665 : vector<1x16xf32> to vector<16xf32>
        %swap3A_667 = vector.shape_cast %add3A_662 : vector<16xf32> to vector<1x16xf32>
        tpu.vector_store %arg12[%swap3A_663, %swap3A_664], %swap3A_667 {strides = array<i32>} : memref<104x64xf32, #tpu.memory_space<vmem>>, vector<1x16xf32>,
        %get3A_668 = arith.index_cast %scan3A_619 : i32 to index
        %get3A_669 = arith.constant 48 : index
        %get3A_670 = tpu.vector_load %arg8[%get3A_668, %get3A_669] {strides = array<i32>} : memref<104x128xf32, #tpu.memory_space<vmem>>, vector<1x16xf32>,
        %get3A_671 = vector.shape_cast %get3A_670 : vector<1x16xf32> to vector<16xf32>
        %add3A_672 = arith.constant 0 : i32
        %add3A_673 = arith.addi %add3A_672, %scan3A_619 : i32
        %get3A_674 = arith.index_cast %add3A_673 : i32 to index
        %get3A_675 = arith.constant 48 : index
        %get3A_676 = tpu.vector_load %arg7[%get3A_674, %get3A_675] {strides = array<i32>} : memref<200x64xf32, #tpu.memory_space<vmem>>, vector<1x16xf32>,
        %get3A_677 = vector.shape_cast %get3A_676 : vector<1x16xf32> to vector<16xf32>
        %add3A_678 = arith.addf %get3A_671, %get3A_677 : vector<16xf32>
        %swap3A_679 = arith.index_cast %scan3A_619 : i32 to index
        %swap3A_680 = arith.constant 48 : index
        %swap3A_681 = tpu.vector_load %arg12[%swap3A_679, %swap3A_680] {strides = array<i32>} : memref<104x64xf32, #tpu.memory_space<vmem>>, vector<1x16xf32>,
        %swap3A_682 = vector.shape_cast %swap3A_681 : vector<1x16xf32> to vector<16xf32>
        %swap3A_683 = vector.shape_cast %add3A_678 : vector<16xf32> to vector<1x16xf32>
        tpu.vector_store %arg12[%swap3A_679, %swap3A_680], %swap3A_683 {strides = array<i32>} : memref<104x64xf32, #tpu.memory_space<vmem>>, vector<1x16xf32>,
      }
      %scan3A_95 = arith.constant 104 : i32
      %jit3A_96 = arith.constant 2 : i32
      %div3A_97 = arith.divsi %add3A_54, %jit3A_96 : i32
      %sign3A_98 = arith.constant 0 : i32
      %sign3A_99 = arith.cmpi sgt, %add3A_54, %sign3A_98 : i32
      %sign3A_100 = arith.extui %sign3A_99 : i1 to i32
      %sign3A_101 = arith.constant 0 : i32
      %sign3A_102 = arith.cmpi slt, %add3A_54, %sign3A_101 : i32
      %sign3A_103 = arith.extui %sign3A_102 : i1 to i32
      %sign3A_104 = arith.subi %sign3A_100, %sign3A_103 : i32
      %sign3A_105 = arith.constant 0 : i32
      %sign3A_106 = arith.cmpi sgt, %jit3A_96, %sign3A_105 : i32
      %sign3A_107 = arith.extui %sign3A_106 : i1 to i32
      %sign3A_108 = arith.constant 0 : i32
      %sign3A_109 = arith.cmpi slt, %jit3A_96, %sign3A_108 : i32
      %sign3A_110 = arith.extui %sign3A_109 : i1 to i32
      %sign3A_111 = arith.subi %sign3A_107, %sign3A_110 : i32
      %ne3A_112 = arith.cmpi ne, %sign3A_104, %sign3A_111 : i32
      %rem3A_113 = arith.remsi %add3A_54, %jit3A_96 : i32
      %ne3A_114 = arith.constant 0 : i32
      %ne3A_115 = arith.cmpi ne, %rem3A_113, %ne3A_114 : i32
      %and3A_116 = arith.andi %ne3A_112, %ne3A_115 : i1
      %sub3A_117 = arith.constant 1 : i32
      %sub3A_118 = arith.subi %div3A_97, %sub3A_117 : i32
      %select_n3A_119 = arith.select %and3A_116, %sub3A_118, %div3A_97 : i32
      %mul3A_120 = arith.constant 200 : i32
      %mul3A_121 = arith.muli %select_n3A_119, %mul3A_120 : i32
      %add3A_122 = arith.addi %mul3A_2, %mul3A_121 : i32
      %add3A_123 = arith.constant 0 : i32
      %add3A_124 = arith.addi %add3A_122, %add3A_123 : i32
      %dma_start3A_125 = arith.constant 0 : i32
      %dma_start3A_126 = arith.constant 0 : i32
      %dma_start3A_127 = tpu.memref_slice %arg12[%dma_start3A_125, %dma_start3A_126] : memref<104x64xf32, #tpu.memory_space<vmem>> -> memref<104x64xf32, #tpu.memory_space<vmem>>
      %dma_start3A_128 = arith.constant 0 : i32
      %dma_start3A_129 = tpu.memref_slice %arg5[%add3A_124, %dma_start3A_128] : memref<204800x64xf32, #tpu.memory_space<hbm>> -> memref<104x64xf32, #tpu.memory_space<hbm>>
      %dma_start3A_130 = arith.constant 0 : i32
      %dma_start3A_131 = tpu.memref_slice %arg5[%add3A_124, %dma_start3A_130] : memref<204800x64xf32, #tpu.memory_space<hbm>> -> memref<104x64xf32, #tpu.memory_space<hbm>>
      %dma_start3A_132 = arith.constant 0 : i32
      %dma_start3A_133 = arith.constant 0 : i32
      %dma_start3A_134 = tpu.memref_slice %arg12[%dma_start3A_132, %dma_start3A_133] : memref<104x64xf32, #tpu.memory_space<vmem>> -> memref<104x64xf32, #tpu.memory_space<vmem>>
      tpu.enqueue_dma source(%dma_start3A_134 : memref<104x64xf32, #tpu.memory_space<vmem>>) target(%dma_start3A_131 : memref<104x64xf32, #tpu.memory_space<hbm>>) target_semaphore(%arg18 : memref<!tpu.dma_semaphore, #tpu.memory_space<semaphore_mem>>)
      %mul3A_135 = arith.constant 4 : i32
      %mul3A_136 = arith.muli %mul3A_135, %scan3A_50 : i32
      %add3A_137 = arith.constant 1 : i32
      %add3A_138 = arith.addi %mul3A_136, %add3A_137 : i32
      %add3A_139 = arith.constant 2 : i32
      %add3A_140 = arith.addi %add3A_138, %add3A_139 : i32
      %lt3A_141 = arith.constant 64 : i32
      %lt3A_142 = arith.cmpi slt, %add3A_140, %lt3A_141 : i32
      %convert_element_type3A_143 = arith.extui %lt3A_142 : i1 to i32
      %cond3A_144 = arith.constant 0 : i32
      %cond3A_145 = arith.cmpi ne, %convert_element_type3A_143, %cond3A_144 : i32
      scf.if %cond3A_145 {
        %add3A_423 = arith.constant 2 : i32
        %add3A_424 = arith.addi %add3A_138, %add3A_423 : i32
        %jit3A_425 = arith.constant 2 : i32
        %div3A_426 = arith.divsi %add3A_424, %jit3A_425 : i32
        %sign3A_427 = arith.constant 0 : i32
        %sign3A_428 = arith.cmpi sgt, %add3A_424, %sign3A_427 : i32
        %sign3A_429 = arith.extui %sign3A_428 : i1 to i32
        %sign3A_430 = arith.constant 0 : i32
        %sign3A_431 = arith.cmpi slt, %add3A_424, %sign3A_430 : i32
        %sign3A_432 = arith.extui %sign3A_431 : i1 to i32
        %sign3A_433 = arith.subi %sign3A_429, %sign3A_432 : i32
        %sign3A_434 = arith.constant 0 : i32
        %sign3A_435 = arith.cmpi sgt, %jit3A_425, %sign3A_434 : i32
        %sign3A_436 = arith.extui %sign3A_435 : i1 to i32
        %sign3A_437 = arith.constant 0 : i32
        %sign3A_438 = arith.cmpi slt, %jit3A_425, %sign3A_437 : i32
        %sign3A_439 = arith.extui %sign3A_438 : i1 to i32
        %sign3A_440 = arith.subi %sign3A_436, %sign3A_439 : i32
        %ne3A_441 = arith.cmpi ne, %sign3A_433, %sign3A_440 : i32
        %rem3A_442 = arith.remsi %add3A_424, %jit3A_425 : i32
        %ne3A_443 = arith.constant 0 : i32
        %ne3A_444 = arith.cmpi ne, %rem3A_442, %ne3A_443 : i32
        %and3A_445 = arith.andi %ne3A_441, %ne3A_444 : i1
        %sub3A_446 = arith.constant 1 : i32
        %sub3A_447 = arith.subi %div3A_426, %sub3A_446 : i32
        %select_n3A_448 = arith.select %and3A_445, %sub3A_447, %div3A_426 : i32
        %mul3A_449 = arith.constant 200 : i32
        %mul3A_450 = arith.muli %select_n3A_448, %mul3A_449 : i32
        %add3A_451 = arith.constant 104 : i32
        %add3A_452 = arith.addi %mul3A_450, %add3A_451 : i32
        %dma_start3A_453 = arith.constant 0 : i32
        %dma_start3A_454 = arith.constant 0 : i32
        %dma_start3A_455 = tpu.memref_slice %arg11[%dma_start3A_453, %dma_start3A_454] : memref<104x128xf32, #tpu.memory_space<vmem>> -> memref<96x128xf32, #tpu.memory_space<vmem>>
        %dma_start3A_456 = tpu.memref_slice %arg6[%add3A_452] : memref<6400xi32, #tpu.memory_space<vmem>> -> memref<96xi32, #tpu.memory_space<vmem>>
        %dma_start3A_457 = arith.constant 0 : i32
        %dma_start3A_458 = arith.constant 0 : i32
        %dma_start3A_459 = tpu.memref_slice %arg3[%dma_start3A_457, %dma_start3A_458] : memref<1000000x128xf32, #tpu.memory_space<hbm>> -> memref<1000000x128xf32, #tpu.memory_space<hbm>>
        tpu.enqueue_indirect_dma source(%dma_start3A_459 : memref<1000000x128xf32, #tpu.memory_space<hbm>>) target(%dma_start3A_455 : memref<96x128xf32, #tpu.memory_space<vmem>>) offsets(%dma_start3A_456 : memref<96xi32, #tpu.memory_space<vmem>>) semaphore(%arg17 : memref<!tpu.dma_semaphore, #tpu.memory_space<semaphore_mem>>)
      } else {
      }
      %jit3A_146 = arith.constant 2 : i32
      %div3A_147 = arith.divsi %add3A_138, %jit3A_146 : i32
      %sign3A_148 = arith.constant 0 : i32
      %sign3A_149 = arith.cmpi sgt, %add3A_138, %sign3A_148 : i32
      %sign3A_150 = arith.extui %sign3A_149 : i1 to i32
      %sign3A_151 = arith.constant 0 : i32
      %sign3A_152 = arith.cmpi slt, %add3A_138, %sign3A_151 : i32
      %sign3A_153 = arith.extui %sign3A_152 : i1 to i32
      %sign3A_154 = arith.subi %sign3A_150, %sign3A_153 : i32
      %sign3A_155 = arith.constant 0 : i32
      %sign3A_156 = arith.cmpi sgt, %jit3A_146, %sign3A_155 : i32
      %sign3A_157 = arith.extui %sign3A_156 : i1 to i32
      %sign3A_158 = arith.constant 0 : i32
      %sign3A_159 = arith.cmpi slt, %jit3A_146, %sign3A_158 : i32
      %sign3A_160 = arith.extui %sign3A_159 : i1 to i32
      %sign3A_161 = arith.subi %sign3A_157, %sign3A_160 : i32
      %ne3A_162 = arith.cmpi ne, %sign3A_154, %sign3A_161 : i32
      %rem3A_163 = arith.remsi %add3A_138, %jit3A_146 : i32
      %ne3A_164 = arith.constant 0 : i32
      %ne3A_165 = arith.cmpi ne, %rem3A_163, %ne3A_164 : i32
      %and3A_166 = arith.andi %ne3A_162, %ne3A_165 : i1
      %sub3A_167 = arith.constant 1 : i32
      %sub3A_168 = arith.subi %div3A_147, %sub3A_167 : i32
      %select_n3A_169 = arith.select %and3A_166, %sub3A_168, %div3A_147 : i32
      %mul3A_170 = arith.constant 200 : i32
      %mul3A_171 = arith.muli %select_n3A_169, %mul3A_170 : i32
      %add3A_172 = arith.constant 104 : i32
      %add3A_173 = arith.addi %mul3A_171, %add3A_172 : i32
      %dma_wait3A_174 = arith.constant 0 : i32
      %dma_wait3A_175 = arith.constant 0 : i32
      %dma_wait3A_176 = tpu.memref_slice %arg9[%dma_wait3A_174, %dma_wait3A_175] : memref<104x128xf32, #tpu.memory_space<vmem>> -> memref<96x128xf32, #tpu.memory_space<vmem>>
      %dma_wait3A_177 = tpu.memref_slice %arg6[%add3A_173] : memref<6400xi32, #tpu.memory_space<vmem>> -> memref<96xi32, #tpu.memory_space<vmem>>
      %dma_wait3A_178 = arith.constant 0 : i32
      %dma_wait3A_179 = arith.constant 0 : i32
      %dma_wait3A_180 = tpu.memref_slice %arg3[%dma_wait3A_178, %dma_wait3A_179] : memref<1000000x128xf32, #tpu.memory_space<hbm>> -> memref<1000000x128xf32, #tpu.memory_space<hbm>>
      tpu.wait_indirect_dma semaphore(%arg15 : memref<!tpu.dma_semaphore, #tpu.memory_space<semaphore_mem>>) src(%dma_wait3A_180 : memref<1000000x128xf32, #tpu.memory_space<hbm>>) dst(%dma_wait3A_176 : memref<96x128xf32, #tpu.memory_space<vmem>>)
      %ge3A_181 = arith.constant 2 : i32
      %ge3A_182 = arith.cmpi sge, %add3A_138, %ge3A_181 : i32
      %convert_element_type3A_183 = arith.extui %ge3A_182 : i1 to i32
      %cond3A_184 = arith.constant 0 : i32
      %cond3A_185 = arith.cmpi ne, %convert_element_type3A_183, %cond3A_184 : i32
      scf.if %cond3A_185 {
        %sub3A_423 = arith.constant 2 : i32
        %sub3A_424 = arith.subi %add3A_138, %sub3A_423 : i32
        %jit3A_425 = arith.constant 2 : i32
        %div3A_426 = arith.divsi %sub3A_424, %jit3A_425 : i32
        %sign3A_427 = arith.constant 0 : i32
        %sign3A_428 = arith.cmpi sgt, %sub3A_424, %sign3A_427 : i32
        %sign3A_429 = arith.extui %sign3A_428 : i1 to i32
        %sign3A_430 = arith.constant 0 : i32
        %sign3A_431 = arith.cmpi slt, %sub3A_424, %sign3A_430 : i32
        %sign3A_432 = arith.extui %sign3A_431 : i1 to i32
        %sign3A_433 = arith.subi %sign3A_429, %sign3A_432 : i32
        %sign3A_434 = arith.constant 0 : i32
        %sign3A_435 = arith.cmpi sgt, %jit3A_425, %sign3A_434 : i32
        %sign3A_436 = arith.extui %sign3A_435 : i1 to i32
        %sign3A_437 = arith.constant 0 : i32
        %sign3A_438 = arith.cmpi slt, %jit3A_425, %sign3A_437 : i32
        %sign3A_439 = arith.extui %sign3A_438 : i1 to i32
        %sign3A_440 = arith.subi %sign3A_436, %sign3A_439 : i32
        %ne3A_441 = arith.cmpi ne, %sign3A_433, %sign3A_440 : i32
        %rem3A_442 = arith.remsi %sub3A_424, %jit3A_425 : i32
        %ne3A_443 = arith.constant 0 : i32
        %ne3A_444 = arith.cmpi ne, %rem3A_442, %ne3A_443 : i32
        %and3A_445 = arith.andi %ne3A_441, %ne3A_444 : i1
        %sub3A_446 = arith.constant 1 : i32
        %sub3A_447 = arith.subi %div3A_426, %sub3A_446 : i32
        %select_n3A_448 = arith.select %and3A_445, %sub3A_447, %div3A_426 : i32
        %mul3A_449 = arith.constant 200 : i32
        %mul3A_450 = arith.muli %select_n3A_448, %mul3A_449 : i32
        %add3A_451 = arith.addi %mul3A_2, %mul3A_450 : i32
        %add3A_452 = arith.constant 104 : i32
        %add3A_453 = arith.addi %add3A_451, %add3A_452 : i32
        %dma_wait3A_454 = arith.constant 0 : i32
        %dma_wait3A_455 = arith.constant 0 : i32
        %dma_wait3A_456 = tpu.memref_slice %arg13[%dma_wait3A_454, %dma_wait3A_455] : memref<104x64xf32, #tpu.memory_space<vmem>> -> memref<96x64xf32, #tpu.memory_space<vmem>>
        %dma_wait3A_457 = arith.constant 0 : i32
        %dma_wait3A_458 = tpu.memref_slice %arg5[%add3A_453, %dma_wait3A_457] : memref<204800x64xf32, #tpu.memory_space<hbm>> -> memref<96x64xf32, #tpu.memory_space<hbm>>
        %dma_wait3A_459 = arith.constant 0 : i32
        %dma_wait3A_460 = tpu.memref_slice %arg5[%add3A_453, %dma_wait3A_459] : memref<204800x64xf32, #tpu.memory_space<hbm>> -> memref<96x64xf32, #tpu.memory_space<hbm>>
        %dma_wait3A_461 = arith.constant 0 : i32
        %dma_wait3A_462 = arith.constant 0 : i32
        %dma_wait3A_463 = tpu.memref_slice %arg13[%dma_wait3A_461, %dma_wait3A_462] : memref<104x64xf32, #tpu.memory_space<vmem>> -> memref<96x64xf32, #tpu.memory_space<vmem>>
        tpu.wait_dma2 semaphore(%arg19 : memref<!tpu.dma_semaphore, #tpu.memory_space<semaphore_mem>>) src(%dma_wait3A_463 : memref<96x64xf32, #tpu.memory_space<vmem>>) dst(%dma_wait3A_460 : memref<96x64xf32, #tpu.memory_space<hbm>>)
      } else {
      }
      %scan3A_186 = arith.constant 0 : i32
      %scan3A_187 = arith.constant 0 : i32
      %scan3A_188 = arith.constant 96 : i32
      %scan3A_189 = arith.addi %scan3A_187, %scan3A_188 : i32
      %scan3A_190 = arith.constant 4 : i32
      scf.for %scan3A_423 = %scan3A_187 to %scan3A_189 step %scan3A_190  : i32 {
        %get3A = arith.index_cast %scan3A_423 : i32 to index
        %get3A_424 = arith.constant 0 : index
        %get3A_425 = tpu.vector_load %arg9[%get3A, %get3A_424] {strides = array<i32>} : memref<104x128xf32, #tpu.memory_space<vmem>>, vector<1x16xf32>,
        %get3A_426 = vector.shape_cast %get3A_425 : vector<1x16xf32> to vector<16xf32>
        %add3A_427 = arith.constant 104 : i32
        %add3A_428 = arith.addi %add3A_427, %scan3A_423 : i32
        %get3A_429 = arith.index_cast %add3A_428 : i32 to index
        %get3A_430 = arith.constant 0 : index
        %get3A_431 = tpu.vector_load %arg7[%get3A_429, %get3A_430] {strides = array<i32>} : memref<200x64xf32, #tpu.memory_space<vmem>>, vector<1x16xf32>,
        %get3A_432 = vector.shape_cast %get3A_431 : vector<1x16xf32> to vector<16xf32>
        %add3A_433 = arith.addf %get3A_426, %get3A_432 : vector<16xf32>
        %swap3A = arith.index_cast %scan3A_423 : i32 to index
        %swap3A_434 = arith.constant 0 : index
        %swap3A_435 = tpu.vector_load %arg13[%swap3A, %swap3A_434] {strides = array<i32>} : memref<104x64xf32, #tpu.memory_space<vmem>>, vector<1x16xf32>,
        %swap3A_436 = vector.shape_cast %swap3A_435 : vector<1x16xf32> to vector<16xf32>
        %swap3A_437 = vector.shape_cast %add3A_433 : vector<16xf32> to vector<1x16xf32>
        tpu.vector_store %arg13[%swap3A, %swap3A_434], %swap3A_437 {strides = array<i32>} : memref<104x64xf32, #tpu.memory_space<vmem>>, vector<1x16xf32>,
        %get3A_438 = arith.index_cast %scan3A_423 : i32 to index
        %get3A_439 = arith.constant 16 : index
        %get3A_440 = tpu.vector_load %arg9[%get3A_438, %get3A_439] {strides = array<i32>} : memref<104x128xf32, #tpu.memory_space<vmem>>, vector<1x16xf32>,
        %get3A_441 = vector.shape_cast %get3A_440 : vector<1x16xf32> to vector<16xf32>
        %add3A_442 = arith.constant 104 : i32
        %add3A_443 = arith.addi %add3A_442, %scan3A_423 : i32
        %get3A_444 = arith.index_cast %add3A_443 : i32 to index
        %get3A_445 = arith.constant 16 : index
        %get3A_446 = tpu.vector_load %arg7[%get3A_444, %get3A_445] {strides = array<i32>} : memref<200x64xf32, #tpu.memory_space<vmem>>, vector<1x16xf32>,
        %get3A_447 = vector.shape_cast %get3A_446 : vector<1x16xf32> to vector<16xf32>
        %add3A_448 = arith.addf %get3A_441, %get3A_447 : vector<16xf32>
        %swap3A_449 = arith.index_cast %scan3A_423 : i32 to index
        %swap3A_450 = arith.constant 16 : index
        %swap3A_451 = tpu.vector_load %arg13[%swap3A_449, %swap3A_450] {strides = array<i32>} : memref<104x64xf32, #tpu.memory_space<vmem>>, vector<1x16xf32>,
        %swap3A_452 = vector.shape_cast %swap3A_451 : vector<1x16xf32> to vector<16xf32>
        %swap3A_453 = vector.shape_cast %add3A_448 : vector<16xf32> to vector<1x16xf32>
        tpu.vector_store %arg13[%swap3A_449, %swap3A_450], %swap3A_453 {strides = array<i32>} : memref<104x64xf32, #tpu.memory_space<vmem>>, vector<1x16xf32>,
        %get3A_454 = arith.index_cast %scan3A_423 : i32 to index
        %get3A_455 = arith.constant 32 : index
        %get3A_456 = tpu.vector_load %arg9[%get3A_454, %get3A_455] {strides = array<i32>} : memref<104x128xf32, #tpu.memory_space<vmem>>, vector<1x16xf32>,
        %get3A_457 = vector.shape_cast %get3A_456 : vector<1x16xf32> to vector<16xf32>
        %add3A_458 = arith.constant 104 : i32
        %add3A_459 = arith.addi %add3A_458, %scan3A_423 : i32
        %get3A_460 = arith.index_cast %add3A_459 : i32 to index
        %get3A_461 = arith.constant 32 : index
        %get3A_462 = tpu.vector_load %arg7[%get3A_460, %get3A_461] {strides = array<i32>} : memref<200x64xf32, #tpu.memory_space<vmem>>, vector<1x16xf32>,
        %get3A_463 = vector.shape_cast %get3A_462 : vector<1x16xf32> to vector<16xf32>
        %add3A_464 = arith.addf %get3A_457, %get3A_463 : vector<16xf32>
        %swap3A_465 = arith.index_cast %scan3A_423 : i32 to index
        %swap3A_466 = arith.constant 32 : index
        %swap3A_467 = tpu.vector_load %arg13[%swap3A_465, %swap3A_466] {strides = array<i32>} : memref<104x64xf32, #tpu.memory_space<vmem>>, vector<1x16xf32>,
        %swap3A_468 = vector.shape_cast %swap3A_467 : vector<1x16xf32> to vector<16xf32>
        %swap3A_469 = vector.shape_cast %add3A_464 : vector<16xf32> to vector<1x16xf32>
        tpu.vector_store %arg13[%swap3A_465, %swap3A_466], %swap3A_469 {strides = array<i32>} : memref<104x64xf32, #tpu.memory_space<vmem>>, vector<1x16xf32>,
        %get3A_470 = arith.index_cast %scan3A_423 : i32 to index
        %get3A_471 = arith.constant 48 : index
        %get3A_472 = tpu.vector_load %arg9[%get3A_470, %get3A_471] {strides = array<i32>} : memref<104x128xf32, #tpu.memory_space<vmem>>, vector<1x16xf32>,
        %get3A_473 = vector.shape_cast %get3A_472 : vector<1x16xf32> to vector<16xf32>
        %add3A_474 = arith.constant 104 : i32
        %add3A_475 = arith.addi %add3A_474, %scan3A_423 : i32
        %get3A_476 = arith.index_cast %add3A_475 : i32 to index
        %get3A_477 = arith.constant 48 : index
        %get3A_478 = tpu.vector_load %arg7[%get3A_476, %get3A_477] {strides = array<i32>} : memref<200x64xf32, #tpu.memory_space<vmem>>, vector<1x16xf32>,
        %get3A_479 = vector.shape_cast %get3A_478 : vector<1x16xf32> to vector<16xf32>
        %add3A_480 = arith.addf %get3A_473, %get3A_479 : vector<16xf32>
        %swap3A_481 = arith.index_cast %scan3A_423 : i32 to index
        %swap3A_482 = arith.constant 48 : index
        %swap3A_483 = tpu.vector_load %arg13[%swap3A_481, %swap3A_482] {strides = array<i32>} : memref<104x64xf32, #tpu.memory_space<vmem>>, vector<1x16xf32>,
        %swap3A_484 = vector.shape_cast %swap3A_483 : vector<1x16xf32> to vector<16xf32>
        %swap3A_485 = vector.shape_cast %add3A_480 : vector<16xf32> to vector<1x16xf32>
        tpu.vector_store %arg13[%swap3A_481, %swap3A_482], %swap3A_485 {strides = array<i32>} : memref<104x64xf32, #tpu.memory_space<vmem>>, vector<1x16xf32>,
        %scan3A_486 = arith.constant 1 : i32
        %scan3A_487 = arith.addi %scan3A_423, %scan3A_486 : i32
        %get3A_488 = arith.index_cast %scan3A_487 : i32 to index
        %get3A_489 = arith.constant 0 : index
        %get3A_490 = tpu.vector_load %arg9[%get3A_488, %get3A_489] {strides = array<i32>} : memref<104x128xf32, #tpu.memory_space<vmem>>, vector<1x16xf32>,
        %get3A_491 = vector.shape_cast %get3A_490 : vector<1x16xf32> to vector<16xf32>
        %add3A_492 = arith.constant 104 : i32
        %add3A_493 = arith.addi %add3A_492, %scan3A_487 : i32
        %get3A_494 = arith.index_cast %add3A_493 : i32 to index
        %get3A_495 = arith.constant 0 : index
        %get3A_496 = tpu.vector_load %arg7[%get3A_494, %get3A_495] {strides = array<i32>} : memref<200x64xf32, #tpu.memory_space<vmem>>, vector<1x16xf32>,
        %get3A_497 = vector.shape_cast %get3A_496 : vector<1x16xf32> to vector<16xf32>
        %add3A_498 = arith.addf %get3A_491, %get3A_497 : vector<16xf32>
        %swap3A_499 = arith.index_cast %scan3A_487 : i32 to index
        %swap3A_500 = arith.constant 0 : index
        %swap3A_501 = tpu.vector_load %arg13[%swap3A_499, %swap3A_500] {strides = array<i32>} : memref<104x64xf32, #tpu.memory_space<vmem>>, vector<1x16xf32>,
        %swap3A_502 = vector.shape_cast %swap3A_501 : vector<1x16xf32> to vector<16xf32>
        %swap3A_503 = vector.shape_cast %add3A_498 : vector<16xf32> to vector<1x16xf32>
        tpu.vector_store %arg13[%swap3A_499, %swap3A_500], %swap3A_503 {strides = array<i32>} : memref<104x64xf32, #tpu.memory_space<vmem>>, vector<1x16xf32>,
        %get3A_504 = arith.index_cast %scan3A_487 : i32 to index
        %get3A_505 = arith.constant 16 : index
        %get3A_506 = tpu.vector_load %arg9[%get3A_504, %get3A_505] {strides = array<i32>} : memref<104x128xf32, #tpu.memory_space<vmem>>, vector<1x16xf32>,
        %get3A_507 = vector.shape_cast %get3A_506 : vector<1x16xf32> to vector<16xf32>
        %add3A_508 = arith.constant 104 : i32
        %add3A_509 = arith.addi %add3A_508, %scan3A_487 : i32
        %get3A_510 = arith.index_cast %add3A_509 : i32 to index
        %get3A_511 = arith.constant 16 : index
        %get3A_512 = tpu.vector_load %arg7[%get3A_510, %get3A_511] {strides = array<i32>} : memref<200x64xf32, #tpu.memory_space<vmem>>, vector<1x16xf32>,
        %get3A_513 = vector.shape_cast %get3A_512 : vector<1x16xf32> to vector<16xf32>
        %add3A_514 = arith.addf %get3A_507, %get3A_513 : vector<16xf32>
        %swap3A_515 = arith.index_cast %scan3A_487 : i32 to index
        %swap3A_516 = arith.constant 16 : index
        %swap3A_517 = tpu.vector_load %arg13[%swap3A_515, %swap3A_516] {strides = array<i32>} : memref<104x64xf32, #tpu.memory_space<vmem>>, vector<1x16xf32>,
        %swap3A_518 = vector.shape_cast %swap3A_517 : vector<1x16xf32> to vector<16xf32>
        %swap3A_519 = vector.shape_cast %add3A_514 : vector<16xf32> to vector<1x16xf32>
        tpu.vector_store %arg13[%swap3A_515, %swap3A_516], %swap3A_519 {strides = array<i32>} : memref<104x64xf32, #tpu.memory_space<vmem>>, vector<1x16xf32>,
        %get3A_520 = arith.index_cast %scan3A_487 : i32 to index
        %get3A_521 = arith.constant 32 : index
        %get3A_522 = tpu.vector_load %arg9[%get3A_520, %get3A_521] {strides = array<i32>} : memref<104x128xf32, #tpu.memory_space<vmem>>, vector<1x16xf32>,
        %get3A_523 = vector.shape_cast %get3A_522 : vector<1x16xf32> to vector<16xf32>
        %add3A_524 = arith.constant 104 : i32
        %add3A_525 = arith.addi %add3A_524, %scan3A_487 : i32
        %get3A_526 = arith.index_cast %add3A_525 : i32 to index
        %get3A_527 = arith.constant 32 : index
        %get3A_528 = tpu.vector_load %arg7[%get3A_526, %get3A_527] {strides = array<i32>} : memref<200x64xf32, #tpu.memory_space<vmem>>, vector<1x16xf32>,
        %get3A_529 = vector.shape_cast %get3A_528 : vector<1x16xf32> to vector<16xf32>
        %add3A_530 = arith.addf %get3A_523, %get3A_529 : vector<16xf32>
        %swap3A_531 = arith.index_cast %scan3A_487 : i32 to index
        %swap3A_532 = arith.constant 32 : index
        %swap3A_533 = tpu.vector_load %arg13[%swap3A_531, %swap3A_532] {strides = array<i32>} : memref<104x64xf32, #tpu.memory_space<vmem>>, vector<1x16xf32>,
        %swap3A_534 = vector.shape_cast %swap3A_533 : vector<1x16xf32> to vector<16xf32>
        %swap3A_535 = vector.shape_cast %add3A_530 : vector<16xf32> to vector<1x16xf32>
        tpu.vector_store %arg13[%swap3A_531, %swap3A_532], %swap3A_535 {strides = array<i32>} : memref<104x64xf32, #tpu.memory_space<vmem>>, vector<1x16xf32>,
        %get3A_536 = arith.index_cast %scan3A_487 : i32 to index
        %get3A_537 = arith.constant 48 : index
        %get3A_538 = tpu.vector_load %arg9[%get3A_536, %get3A_537] {strides = array<i32>} : memref<104x128xf32, #tpu.memory_space<vmem>>, vector<1x16xf32>,
        %get3A_539 = vector.shape_cast %get3A_538 : vector<1x16xf32> to vector<16xf32>
        %add3A_540 = arith.constant 104 : i32
        %add3A_541 = arith.addi %add3A_540, %scan3A_487 : i32
        %get3A_542 = arith.index_cast %add3A_541 : i32 to index
        %get3A_543 = arith.constant 48 : index
        %get3A_544 = tpu.vector_load %arg7[%get3A_542, %get3A_543] {strides = array<i32>} : memref<200x64xf32, #tpu.memory_space<vmem>>, vector<1x16xf32>,
        %get3A_545 = vector.shape_cast %get3A_544 : vector<1x16xf32> to vector<16xf32>
        %add3A_546 = arith.addf %get3A_539, %get3A_545 : vector<16xf32>
        %swap3A_547 = arith.index_cast %scan3A_487 : i32 to index
        %swap3A_548 = arith.constant 48 : index
        %swap3A_549 = tpu.vector_load %arg13[%swap3A_547, %swap3A_548] {strides = array<i32>} : memref<104x64xf32, #tpu.memory_space<vmem>>, vector<1x16xf32>,
        %swap3A_550 = vector.shape_cast %swap3A_549 : vector<1x16xf32> to vector<16xf32>
        %swap3A_551 = vector.shape_cast %add3A_546 : vector<16xf32> to vector<1x16xf32>
        tpu.vector_store %arg13[%swap3A_547, %swap3A_548], %swap3A_551 {strides = array<i32>} : memref<104x64xf32, #tpu.memory_space<vmem>>, vector<1x16xf32>,
        %scan3A_552 = arith.constant 2 : i32
        %scan3A_553 = arith.addi %scan3A_423, %scan3A_552 : i32
        %get3A_554 = arith.index_cast %scan3A_553 : i32 to index
        %get3A_555 = arith.constant 0 : index
        %get3A_556 = tpu.vector_load %arg9[%get3A_554, %get3A_555] {strides = array<i32>} : memref<104x128xf32, #tpu.memory_space<vmem>>, vector<1x16xf32>,
        %get3A_557 = vector.shape_cast %get3A_556 : vector<1x16xf32> to vector<16xf32>
        %add3A_558 = arith.constant 104 : i32
        %add3A_559 = arith.addi %add3A_558, %scan3A_553 : i32
        %get3A_560 = arith.index_cast %add3A_559 : i32 to index
        %get3A_561 = arith.constant 0 : index
        %get3A_562 = tpu.vector_load %arg7[%get3A_560, %get3A_561] {strides = array<i32>} : memref<200x64xf32, #tpu.memory_space<vmem>>, vector<1x16xf32>,
        %get3A_563 = vector.shape_cast %get3A_562 : vector<1x16xf32> to vector<16xf32>
        %add3A_564 = arith.addf %get3A_557, %get3A_563 : vector<16xf32>
        %swap3A_565 = arith.index_cast %scan3A_553 : i32 to index
        %swap3A_566 = arith.constant 0 : index
        %swap3A_567 = tpu.vector_load %arg13[%swap3A_565, %swap3A_566] {strides = array<i32>} : memref<104x64xf32, #tpu.memory_space<vmem>>, vector<1x16xf32>,
        %swap3A_568 = vector.shape_cast %swap3A_567 : vector<1x16xf32> to vector<16xf32>
        %swap3A_569 = vector.shape_cast %add3A_564 : vector<16xf32> to vector<1x16xf32>
        tpu.vector_store %arg13[%swap3A_565, %swap3A_566], %swap3A_569 {strides = array<i32>} : memref<104x64xf32, #tpu.memory_space<vmem>>, vector<1x16xf32>,
        %get3A_570 = arith.index_cast %scan3A_553 : i32 to index
        %get3A_571 = arith.constant 16 : index
        %get3A_572 = tpu.vector_load %arg9[%get3A_570, %get3A_571] {strides = array<i32>} : memref<104x128xf32, #tpu.memory_space<vmem>>, vector<1x16xf32>,
        %get3A_573 = vector.shape_cast %get3A_572 : vector<1x16xf32> to vector<16xf32>
        %add3A_574 = arith.constant 104 : i32
        %add3A_575 = arith.addi %add3A_574, %scan3A_553 : i32
        %get3A_576 = arith.index_cast %add3A_575 : i32 to index
        %get3A_577 = arith.constant 16 : index
        %get3A_578 = tpu.vector_load %arg7[%get3A_576, %get3A_577] {strides = array<i32>} : memref<200x64xf32, #tpu.memory_space<vmem>>, vector<1x16xf32>,
        %get3A_579 = vector.shape_cast %get3A_578 : vector<1x16xf32> to vector<16xf32>
        %add3A_580 = arith.addf %get3A_573, %get3A_579 : vector<16xf32>
        %swap3A_581 = arith.index_cast %scan3A_553 : i32 to index
        %swap3A_582 = arith.constant 16 : index
        %swap3A_583 = tpu.vector_load %arg13[%swap3A_581, %swap3A_582] {strides = array<i32>} : memref<104x64xf32, #tpu.memory_space<vmem>>, vector<1x16xf32>,
        %swap3A_584 = vector.shape_cast %swap3A_583 : vector<1x16xf32> to vector<16xf32>
        %swap3A_585 = vector.shape_cast %add3A_580 : vector<16xf32> to vector<1x16xf32>
        tpu.vector_store %arg13[%swap3A_581, %swap3A_582], %swap3A_585 {strides = array<i32>} : memref<104x64xf32, #tpu.memory_space<vmem>>, vector<1x16xf32>,
        %get3A_586 = arith.index_cast %scan3A_553 : i32 to index
        %get3A_587 = arith.constant 32 : index
        %get3A_588 = tpu.vector_load %arg9[%get3A_586, %get3A_587] {strides = array<i32>} : memref<104x128xf32, #tpu.memory_space<vmem>>, vector<1x16xf32>,
        %get3A_589 = vector.shape_cast %get3A_588 : vector<1x16xf32> to vector<16xf32>
        %add3A_590 = arith.constant 104 : i32
        %add3A_591 = arith.addi %add3A_590, %scan3A_553 : i32
        %get3A_592 = arith.index_cast %add3A_591 : i32 to index
        %get3A_593 = arith.constant 32 : index
        %get3A_594 = tpu.vector_load %arg7[%get3A_592, %get3A_593] {strides = array<i32>} : memref<200x64xf32, #tpu.memory_space<vmem>>, vector<1x16xf32>,
        %get3A_595 = vector.shape_cast %get3A_594 : vector<1x16xf32> to vector<16xf32>
        %add3A_596 = arith.addf %get3A_589, %get3A_595 : vector<16xf32>
        %swap3A_597 = arith.index_cast %scan3A_553 : i32 to index
        %swap3A_598 = arith.constant 32 : index
        %swap3A_599 = tpu.vector_load %arg13[%swap3A_597, %swap3A_598] {strides = array<i32>} : memref<104x64xf32, #tpu.memory_space<vmem>>, vector<1x16xf32>,
        %swap3A_600 = vector.shape_cast %swap3A_599 : vector<1x16xf32> to vector<16xf32>
        %swap3A_601 = vector.shape_cast %add3A_596 : vector<16xf32> to vector<1x16xf32>
        tpu.vector_store %arg13[%swap3A_597, %swap3A_598], %swap3A_601 {strides = array<i32>} : memref<104x64xf32, #tpu.memory_space<vmem>>, vector<1x16xf32>,
        %get3A_602 = arith.index_cast %scan3A_553 : i32 to index
        %get3A_603 = arith.constant 48 : index
        %get3A_604 = tpu.vector_load %arg9[%get3A_602, %get3A_603] {strides = array<i32>} : memref<104x128xf32, #tpu.memory_space<vmem>>, vector<1x16xf32>,
        %get3A_605 = vector.shape_cast %get3A_604 : vector<1x16xf32> to vector<16xf32>
        %add3A_606 = arith.constant 104 : i32
        %add3A_607 = arith.addi %add3A_606, %scan3A_553 : i32
        %get3A_608 = arith.index_cast %add3A_607 : i32 to index
        %get3A_609 = arith.constant 48 : index
        %get3A_610 = tpu.vector_load %arg7[%get3A_608, %get3A_609] {strides = array<i32>} : memref<200x64xf32, #tpu.memory_space<vmem>>, vector<1x16xf32>,
        %get3A_611 = vector.shape_cast %get3A_610 : vector<1x16xf32> to vector<16xf32>
        %add3A_612 = arith.addf %get3A_605, %get3A_611 : vector<16xf32>
        %swap3A_613 = arith.index_cast %scan3A_553 : i32 to index
        %swap3A_614 = arith.constant 48 : index
        %swap3A_615 = tpu.vector_load %arg13[%swap3A_613, %swap3A_614] {strides = array<i32>} : memref<104x64xf32, #tpu.memory_space<vmem>>, vector<1x16xf32>,
        %swap3A_616 = vector.shape_cast %swap3A_615 : vector<1x16xf32> to vector<16xf32>
        %swap3A_617 = vector.shape_cast %add3A_612 : vector<16xf32> to vector<1x16xf32>
        tpu.vector_store %arg13[%swap3A_613, %swap3A_614], %swap3A_617 {strides = array<i32>} : memref<104x64xf32, #tpu.memory_space<vmem>>, vector<1x16xf32>,
        %scan3A_618 = arith.constant 3 : i32
        %scan3A_619 = arith.addi %scan3A_423, %scan3A_618 : i32
        %get3A_620 = arith.index_cast %scan3A_619 : i32 to index
        %get3A_621 = arith.constant 0 : index
        %get3A_622 = tpu.vector_load %arg9[%get3A_620, %get3A_621] {strides = array<i32>} : memref<104x128xf32, #tpu.memory_space<vmem>>, vector<1x16xf32>,
        %get3A_623 = vector.shape_cast %get3A_622 : vector<1x16xf32> to vector<16xf32>
        %add3A_624 = arith.constant 104 : i32
        %add3A_625 = arith.addi %add3A_624, %scan3A_619 : i32
        %get3A_626 = arith.index_cast %add3A_625 : i32 to index
        %get3A_627 = arith.constant 0 : index
        %get3A_628 = tpu.vector_load %arg7[%get3A_626, %get3A_627] {strides = array<i32>} : memref<200x64xf32, #tpu.memory_space<vmem>>, vector<1x16xf32>,
        %get3A_629 = vector.shape_cast %get3A_628 : vector<1x16xf32> to vector<16xf32>
        %add3A_630 = arith.addf %get3A_623, %get3A_629 : vector<16xf32>
        %swap3A_631 = arith.index_cast %scan3A_619 : i32 to index
        %swap3A_632 = arith.constant 0 : index
        %swap3A_633 = tpu.vector_load %arg13[%swap3A_631, %swap3A_632] {strides = array<i32>} : memref<104x64xf32, #tpu.memory_space<vmem>>, vector<1x16xf32>,
        %swap3A_634 = vector.shape_cast %swap3A_633 : vector<1x16xf32> to vector<16xf32>
        %swap3A_635 = vector.shape_cast %add3A_630 : vector<16xf32> to vector<1x16xf32>
        tpu.vector_store %arg13[%swap3A_631, %swap3A_632], %swap3A_635 {strides = array<i32>} : memref<104x64xf32, #tpu.memory_space<vmem>>, vector<1x16xf32>,
        %get3A_636 = arith.index_cast %scan3A_619 : i32 to index
        %get3A_637 = arith.constant 16 : index
        %get3A_638 = tpu.vector_load %arg9[%get3A_636, %get3A_637] {strides = array<i32>} : memref<104x128xf32, #tpu.memory_space<vmem>>, vector<1x16xf32>,
        %get3A_639 = vector.shape_cast %get3A_638 : vector<1x16xf32> to vector<16xf32>
        %add3A_640 = arith.constant 104 : i32
        %add3A_641 = arith.addi %add3A_640, %scan3A_619 : i32
        %get3A_642 = arith.index_cast %add3A_641 : i32 to index
        %get3A_643 = arith.constant 16 : index
        %get3A_644 = tpu.vector_load %arg7[%get3A_642, %get3A_643] {strides = array<i32>} : memref<200x64xf32, #tpu.memory_space<vmem>>, vector<1x16xf32>,
        %get3A_645 = vector.shape_cast %get3A_644 : vector<1x16xf32> to vector<16xf32>
        %add3A_646 = arith.addf %get3A_639, %get3A_645 : vector<16xf32>
        %swap3A_647 = arith.index_cast %scan3A_619 : i32 to index
        %swap3A_648 = arith.constant 16 : index
        %swap3A_649 = tpu.vector_load %arg13[%swap3A_647, %swap3A_648] {strides = array<i32>} : memref<104x64xf32, #tpu.memory_space<vmem>>, vector<1x16xf32>,
        %swap3A_650 = vector.shape_cast %swap3A_649 : vector<1x16xf32> to vector<16xf32>
        %swap3A_651 = vector.shape_cast %add3A_646 : vector<16xf32> to vector<1x16xf32>
        tpu.vector_store %arg13[%swap3A_647, %swap3A_648], %swap3A_651 {strides = array<i32>} : memref<104x64xf32, #tpu.memory_space<vmem>>, vector<1x16xf32>,
        %get3A_652 = arith.index_cast %scan3A_619 : i32 to index
        %get3A_653 = arith.constant 32 : index
        %get3A_654 = tpu.vector_load %arg9[%get3A_652, %get3A_653] {strides = array<i32>} : memref<104x128xf32, #tpu.memory_space<vmem>>, vector<1x16xf32>,
        %get3A_655 = vector.shape_cast %get3A_654 : vector<1x16xf32> to vector<16xf32>
        %add3A_656 = arith.constant 104 : i32
        %add3A_657 = arith.addi %add3A_656, %scan3A_619 : i32
        %get3A_658 = arith.index_cast %add3A_657 : i32 to index
        %get3A_659 = arith.constant 32 : index
        %get3A_660 = tpu.vector_load %arg7[%get3A_658, %get3A_659] {strides = array<i32>} : memref<200x64xf32, #tpu.memory_space<vmem>>, vector<1x16xf32>,
        %get3A_661 = vector.shape_cast %get3A_660 : vector<1x16xf32> to vector<16xf32>
        %add3A_662 = arith.addf %get3A_655, %get3A_661 : vector<16xf32>
        %swap3A_663 = arith.index_cast %scan3A_619 : i32 to index
        %swap3A_664 = arith.constant 32 : index
        %swap3A_665 = tpu.vector_load %arg13[%swap3A_663, %swap3A_664] {strides = array<i32>} : memref<104x64xf32, #tpu.memory_space<vmem>>, vector<1x16xf32>,
        %swap3A_666 = vector.shape_cast %swap3A_665 : vector<1x16xf32> to vector<16xf32>
        %swap3A_667 = vector.shape_cast %add3A_662 : vector<16xf32> to vector<1x16xf32>
        tpu.vector_store %arg13[%swap3A_663, %swap3A_664], %swap3A_667 {strides = array<i32>} : memref<104x64xf32, #tpu.memory_space<vmem>>, vector<1x16xf32>,
        %get3A_668 = arith.index_cast %scan3A_619 : i32 to index
        %get3A_669 = arith.constant 48 : index
        %get3A_670 = tpu.vector_load %arg9[%get3A_668, %get3A_669] {strides = array<i32>} : memref<104x128xf32, #tpu.memory_space<vmem>>, vector<1x16xf32>,
        %get3A_671 = vector.shape_cast %get3A_670 : vector<1x16xf32> to vector<16xf32>
        %add3A_672 = arith.constant 104 : i32
        %add3A_673 = arith.addi %add3A_672, %scan3A_619 : i32
        %get3A_674 = arith.index_cast %add3A_673 : i32 to index
        %get3A_675 = arith.constant 48 : index
        %get3A_676 = tpu.vector_load %arg7[%get3A_674, %get3A_675] {strides = array<i32>} : memref<200x64xf32, #tpu.memory_space<vmem>>, vector<1x16xf32>,
        %get3A_677 = vector.shape_cast %get3A_676 : vector<1x16xf32> to vector<16xf32>
        %add3A_678 = arith.addf %get3A_671, %get3A_677 : vector<16xf32>
        %swap3A_679 = arith.index_cast %scan3A_619 : i32 to index
        %swap3A_680 = arith.constant 48 : index
        %swap3A_681 = tpu.vector_load %arg13[%swap3A_679, %swap3A_680] {strides = array<i32>} : memref<104x64xf32, #tpu.memory_space<vmem>>, vector<1x16xf32>,
        %swap3A_682 = vector.shape_cast %swap3A_681 : vector<1x16xf32> to vector<16xf32>
        %swap3A_683 = vector.shape_cast %add3A_678 : vector<16xf32> to vector<1x16xf32>
        tpu.vector_store %arg13[%swap3A_679, %swap3A_680], %swap3A_683 {strides = array<i32>} : memref<104x64xf32, #tpu.memory_space<vmem>>, vector<1x16xf32>,
      }
      %scan3A_191 = arith.constant 96 : i32
      %jit3A_192 = arith.constant 2 : i32
      %div3A_193 = arith.divsi %add3A_138, %jit3A_192 : i32
      %sign3A_194 = arith.constant 0 : i32
      %sign3A_195 = arith.cmpi sgt, %add3A_138, %sign3A_194 : i32
      %sign3A_196 = arith.extui %sign3A_195 : i1 to i32
      %sign3A_197 = arith.constant 0 : i32
      %sign3A_198 = arith.cmpi slt, %add3A_138, %sign3A_197 : i32
      %sign3A_199 = arith.extui %sign3A_198 : i1 to i32
      %sign3A_200 = arith.subi %sign3A_196, %sign3A_199 : i32
      %sign3A_201 = arith.constant 0 : i32
      %sign3A_202 = arith.cmpi sgt, %jit3A_192, %sign3A_201 : i32
      %sign3A_203 = arith.extui %sign3A_202 : i1 to i32
      %sign3A_204 = arith.constant 0 : i32
      %sign3A_205 = arith.cmpi slt, %jit3A_192, %sign3A_204 : i32
      %sign3A_206 = arith.extui %sign3A_205 : i1 to i32
      %sign3A_207 = arith.subi %sign3A_203, %sign3A_206 : i32
      %ne3A_208 = arith.cmpi ne, %sign3A_200, %sign3A_207 : i32
      %rem3A_209 = arith.remsi %add3A_138, %jit3A_192 : i32
      %ne3A_210 = arith.constant 0 : i32
      %ne3A_211 = arith.cmpi ne, %rem3A_209, %ne3A_210 : i32
      %and3A_212 = arith.andi %ne3A_208, %ne3A_211 : i1
      %sub3A_213 = arith.constant 1 : i32
      %sub3A_214 = arith.subi %div3A_193, %sub3A_213 : i32
      %select_n3A_215 = arith.select %and3A_212, %sub3A_214, %div3A_193 : i32
      %mul3A_216 = arith.constant 200 : i32
      %mul3A_217 = arith.muli %select_n3A_215, %mul3A_216 : i32
      %add3A_218 = arith.addi %mul3A_2, %mul3A_217 : i32
      %add3A_219 = arith.constant 104 : i32
      %add3A_220 = arith.addi %add3A_218, %add3A_219 : i32
      %dma_start3A_221 = arith.constant 0 : i32
      %dma_start3A_222 = arith.constant 0 : i32
      %dma_start3A_223 = tpu.memref_slice %arg13[%dma_start3A_221, %dma_start3A_222] : memref<104x64xf32, #tpu.memory_space<vmem>> -> memref<96x64xf32, #tpu.memory_space<vmem>>
      %dma_start3A_224 = arith.constant 0 : i32
      %dma_start3A_225 = tpu.memref_slice %arg5[%add3A_220, %dma_start3A_224] : memref<204800x64xf32, #tpu.memory_space<hbm>> -> memref<96x64xf32, #tpu.memory_space<hbm>>
      %dma_start3A_226 = arith.constant 0 : i32
      %dma_start3A_227 = tpu.memref_slice %arg5[%add3A_220, %dma_start3A_226] : memref<204800x64xf32, #tpu.memory_space<hbm>> -> memref<96x64xf32, #tpu.memory_space<hbm>>
      %dma_start3A_228 = arith.constant 0 : i32
      %dma_start3A_229 = arith.constant 0 : i32
      %dma_start3A_230 = tpu.memref_slice %arg13[%dma_start3A_228, %dma_start3A_229] : memref<104x64xf32, #tpu.memory_space<vmem>> -> memref<96x64xf32, #tpu.memory_space<vmem>>
      tpu.enqueue_dma source(%dma_start3A_230 : memref<96x64xf32, #tpu.memory_space<vmem>>) target(%dma_start3A_227 : memref<96x64xf32, #tpu.memory_space<hbm>>) target_semaphore(%arg19 : memref<!tpu.dma_semaphore, #tpu.memory_space<semaphore_mem>>)
      %mul3A_231 = arith.constant 4 : i32
      %mul3A_232 = arith.muli %mul3A_231, %scan3A_50 : i32
      %add3A_233 = arith.constant 2 : i32
      %add3A_234 = arith.addi %mul3A_232, %add3A_233 : i32
      %add3A_235 = arith.constant 2 : i32
      %add3A_236 = arith.addi %add3A_234, %add3A_235 : i32
      %lt3A_237 = arith.constant 64 : i32
      %lt3A_238 = arith.cmpi slt, %add3A_236, %lt3A_237 : i32
      %convert_element_type3A_239 = arith.extui %lt3A_238 : i1 to i32
      %cond3A_240 = arith.constant 0 : i32
      %cond3A_241 = arith.cmpi ne, %convert_element_type3A_239, %cond3A_240 : i32
      scf.if %cond3A_241 {
        %add3A_423 = arith.constant 2 : i32
        %add3A_424 = arith.addi %add3A_234, %add3A_423 : i32
        %jit3A_425 = arith.constant 2 : i32
        %div3A_426 = arith.divsi %add3A_424, %jit3A_425 : i32
        %sign3A_427 = arith.constant 0 : i32
        %sign3A_428 = arith.cmpi sgt, %add3A_424, %sign3A_427 : i32
        %sign3A_429 = arith.extui %sign3A_428 : i1 to i32
        %sign3A_430 = arith.constant 0 : i32
        %sign3A_431 = arith.cmpi slt, %add3A_424, %sign3A_430 : i32
        %sign3A_432 = arith.extui %sign3A_431 : i1 to i32
        %sign3A_433 = arith.subi %sign3A_429, %sign3A_432 : i32
        %sign3A_434 = arith.constant 0 : i32
        %sign3A_435 = arith.cmpi sgt, %jit3A_425, %sign3A_434 : i32
        %sign3A_436 = arith.extui %sign3A_435 : i1 to i32
        %sign3A_437 = arith.constant 0 : i32
        %sign3A_438 = arith.cmpi slt, %jit3A_425, %sign3A_437 : i32
        %sign3A_439 = arith.extui %sign3A_438 : i1 to i32
        %sign3A_440 = arith.subi %sign3A_436, %sign3A_439 : i32
        %ne3A_441 = arith.cmpi ne, %sign3A_433, %sign3A_440 : i32
        %rem3A_442 = arith.remsi %add3A_424, %jit3A_425 : i32
        %ne3A_443 = arith.constant 0 : i32
        %ne3A_444 = arith.cmpi ne, %rem3A_442, %ne3A_443 : i32
        %and3A_445 = arith.andi %ne3A_441, %ne3A_444 : i1
        %sub3A_446 = arith.constant 1 : i32
        %sub3A_447 = arith.subi %div3A_426, %sub3A_446 : i32
        %select_n3A_448 = arith.select %and3A_445, %sub3A_447, %div3A_426 : i32
        %mul3A_449 = arith.constant 200 : i32
        %mul3A_450 = arith.muli %select_n3A_448, %mul3A_449 : i32
        %add3A_451 = arith.constant 0 : i32
        %add3A_452 = arith.addi %mul3A_450, %add3A_451 : i32
        %dma_start3A_453 = arith.constant 0 : i32
        %dma_start3A_454 = arith.constant 0 : i32
        %dma_start3A_455 = tpu.memref_slice %arg8[%dma_start3A_453, %dma_start3A_454] : memref<104x128xf32, #tpu.memory_space<vmem>> -> memref<104x128xf32, #tpu.memory_space<vmem>>
        %dma_start3A_456 = tpu.memref_slice %arg6[%add3A_452] : memref<6400xi32, #tpu.memory_space<vmem>> -> memref<104xi32, #tpu.memory_space<vmem>>
        %dma_start3A_457 = arith.constant 0 : i32
        %dma_start3A_458 = arith.constant 0 : i32
        %dma_start3A_459 = tpu.memref_slice %arg3[%dma_start3A_457, %dma_start3A_458] : memref<1000000x128xf32, #tpu.memory_space<hbm>> -> memref<1000000x128xf32, #tpu.memory_space<hbm>>
        tpu.enqueue_indirect_dma source(%dma_start3A_459 : memref<1000000x128xf32, #tpu.memory_space<hbm>>) target(%dma_start3A_455 : memref<104x128xf32, #tpu.memory_space<vmem>>) offsets(%dma_start3A_456 : memref<104xi32, #tpu.memory_space<vmem>>) semaphore(%arg14 : memref<!tpu.dma_semaphore, #tpu.memory_space<semaphore_mem>>)
      } else {
      }
      %jit3A_242 = arith.constant 2 : i32
      %div3A_243 = arith.divsi %add3A_234, %jit3A_242 : i32
      %sign3A_244 = arith.constant 0 : i32
      %sign3A_245 = arith.cmpi sgt, %add3A_234, %sign3A_244 : i32
      %sign3A_246 = arith.extui %sign3A_245 : i1 to i32
      %sign3A_247 = arith.constant 0 : i32
      %sign3A_248 = arith.cmpi slt, %add3A_234, %sign3A_247 : i32
      %sign3A_249 = arith.extui %sign3A_248 : i1 to i32
      %sign3A_250 = arith.subi %sign3A_246, %sign3A_249 : i32
      %sign3A_251 = arith.constant 0 : i32
      %sign3A_252 = arith.cmpi sgt, %jit3A_242, %sign3A_251 : i32
      %sign3A_253 = arith.extui %sign3A_252 : i1 to i32
      %sign3A_254 = arith.constant 0 : i32
      %sign3A_255 = arith.cmpi slt, %jit3A_242, %sign3A_254 : i32
      %sign3A_256 = arith.extui %sign3A_255 : i1 to i32
      %sign3A_257 = arith.subi %sign3A_253, %sign3A_256 : i32
      %ne3A_258 = arith.cmpi ne, %sign3A_250, %sign3A_257 : i32
      %rem3A_259 = arith.remsi %add3A_234, %jit3A_242 : i32
      %ne3A_260 = arith.constant 0 : i32
      %ne3A_261 = arith.cmpi ne, %rem3A_259, %ne3A_260 : i32
      %and3A_262 = arith.andi %ne3A_258, %ne3A_261 : i1
      %sub3A_263 = arith.constant 1 : i32
      %sub3A_264 = arith.subi %div3A_243, %sub3A_263 : i32
      %select_n3A_265 = arith.select %and3A_262, %sub3A_264, %div3A_243 : i32
      %mul3A_266 = arith.constant 200 : i32
      %mul3A_267 = arith.muli %select_n3A_265, %mul3A_266 : i32
      %add3A_268 = arith.constant 0 : i32
      %add3A_269 = arith.addi %mul3A_267, %add3A_268 : i32
      %dma_wait3A_270 = arith.constant 0 : i32
      %dma_wait3A_271 = arith.constant 0 : i32
      %dma_wait3A_272 = tpu.memref_slice %arg10[%dma_wait3A_270, %dma_wait3A_271] : memref<104x128xf32, #tpu.memory_space<vmem>> -> memref<104x128xf32, #tpu.memory_space<vmem>>
      %dma_wait3A_273 = tpu.memref_slice %arg6[%add3A_269] : memref<6400xi32, #tpu.memory_space<vmem>> -> memref<104xi32, #tpu.memory_space<vmem>>
      %dma_wait3A_274 = arith.constant 0 : i32
      %dma_wait3A_275 = arith.constant 0 : i32
      %dma_wait3A_276 = tpu.memref_slice %arg3[%dma_wait3A_274, %dma_wait3A_275] : memref<1000000x128xf32, #tpu.memory_space<hbm>> -> memref<1000000x128xf32, #tpu.memory_space<hbm>>
      tpu.wait_indirect_dma semaphore(%arg16 : memref<!tpu.dma_semaphore, #tpu.memory_space<semaphore_mem>>) src(%dma_wait3A_276 : memref<1000000x128xf32, #tpu.memory_space<hbm>>) dst(%dma_wait3A_272 : memref<104x128xf32, #tpu.memory_space<vmem>>)
      %ge3A_277 = arith.constant 2 : i32
      %ge3A_278 = arith.cmpi sge, %add3A_234, %ge3A_277 : i32
      %convert_element_type3A_279 = arith.extui %ge3A_278 : i1 to i32
      %cond3A_280 = arith.constant 0 : i32
      %cond3A_281 = arith.cmpi ne, %convert_element_type3A_279, %cond3A_280 : i32
      scf.if %cond3A_281 {
        %sub3A_423 = arith.constant 2 : i32
        %sub3A_424 = arith.subi %add3A_234, %sub3A_423 : i32
        %jit3A_425 = arith.constant 2 : i32
        %div3A_426 = arith.divsi %sub3A_424, %jit3A_425 : i32
        %sign3A_427 = arith.constant 0 : i32
        %sign3A_428 = arith.cmpi sgt, %sub3A_424, %sign3A_427 : i32
        %sign3A_429 = arith.extui %sign3A_428 : i1 to i32
        %sign3A_430 = arith.constant 0 : i32
        %sign3A_431 = arith.cmpi slt, %sub3A_424, %sign3A_430 : i32
        %sign3A_432 = arith.extui %sign3A_431 : i1 to i32
        %sign3A_433 = arith.subi %sign3A_429, %sign3A_432 : i32
        %sign3A_434 = arith.constant 0 : i32
        %sign3A_435 = arith.cmpi sgt, %jit3A_425, %sign3A_434 : i32
        %sign3A_436 = arith.extui %sign3A_435 : i1 to i32
        %sign3A_437 = arith.constant 0 : i32
        %sign3A_438 = arith.cmpi slt, %jit3A_425, %sign3A_437 : i32
        %sign3A_439 = arith.extui %sign3A_438 : i1 to i32
        %sign3A_440 = arith.subi %sign3A_436, %sign3A_439 : i32
        %ne3A_441 = arith.cmpi ne, %sign3A_433, %sign3A_440 : i32
        %rem3A_442 = arith.remsi %sub3A_424, %jit3A_425 : i32
        %ne3A_443 = arith.constant 0 : i32
        %ne3A_444 = arith.cmpi ne, %rem3A_442, %ne3A_443 : i32
        %and3A_445 = arith.andi %ne3A_441, %ne3A_444 : i1
        %sub3A_446 = arith.constant 1 : i32
        %sub3A_447 = arith.subi %div3A_426, %sub3A_446 : i32
        %select_n3A_448 = arith.select %and3A_445, %sub3A_447, %div3A_426 : i32
        %mul3A_449 = arith.constant 200 : i32
        %mul3A_450 = arith.muli %select_n3A_448, %mul3A_449 : i32
        %add3A_451 = arith.addi %mul3A_2, %mul3A_450 : i32
        %add3A_452 = arith.constant 0 : i32
        %add3A_453 = arith.addi %add3A_451, %add3A_452 : i32
        %dma_wait3A_454 = arith.constant 0 : i32
        %dma_wait3A_455 = arith.constant 0 : i32
        %dma_wait3A_456 = tpu.memref_slice %arg12[%dma_wait3A_454, %dma_wait3A_455] : memref<104x64xf32, #tpu.memory_space<vmem>> -> memref<104x64xf32, #tpu.memory_space<vmem>>
        %dma_wait3A_457 = arith.constant 0 : i32
        %dma_wait3A_458 = tpu.memref_slice %arg5[%add3A_453, %dma_wait3A_457] : memref<204800x64xf32, #tpu.memory_space<hbm>> -> memref<104x64xf32, #tpu.memory_space<hbm>>
        %dma_wait3A_459 = arith.constant 0 : i32
        %dma_wait3A_460 = tpu.memref_slice %arg5[%add3A_453, %dma_wait3A_459] : memref<204800x64xf32, #tpu.memory_space<hbm>> -> memref<104x64xf32, #tpu.memory_space<hbm>>
        %dma_wait3A_461 = arith.constant 0 : i32
        %dma_wait3A_462 = arith.constant 0 : i32
        %dma_wait3A_463 = tpu.memref_slice %arg12[%dma_wait3A_461, %dma_wait3A_462] : memref<104x64xf32, #tpu.memory_space<vmem>> -> memref<104x64xf32, #tpu.memory_space<vmem>>
        tpu.wait_dma2 semaphore(%arg18 : memref<!tpu.dma_semaphore, #tpu.memory_space<semaphore_mem>>) src(%dma_wait3A_463 : memref<104x64xf32, #tpu.memory_space<vmem>>) dst(%dma_wait3A_460 : memref<104x64xf32, #tpu.memory_space<hbm>>)
      } else {
      }
      %scan3A_282 = arith.constant 0 : i32
      %scan3A_283 = arith.constant 0 : i32
      %scan3A_284 = arith.constant 104 : i32
      %scan3A_285 = arith.addi %scan3A_283, %scan3A_284 : i32
      %scan3A_286 = arith.constant 4 : i32
      scf.for %scan3A_423 = %scan3A_283 to %scan3A_285 step %scan3A_286  : i32 {
        %get3A = arith.index_cast %scan3A_423 : i32 to index
        %get3A_424 = arith.constant 0 : index
        %get3A_425 = tpu.vector_load %arg10[%get3A, %get3A_424] {strides = array<i32>} : memref<104x128xf32, #tpu.memory_space<vmem>>, vector<1x16xf32>,
        %get3A_426 = vector.shape_cast %get3A_425 : vector<1x16xf32> to vector<16xf32>
        %add3A_427 = arith.constant 0 : i32
        %add3A_428 = arith.addi %add3A_427, %scan3A_423 : i32
        %get3A_429 = arith.index_cast %add3A_428 : i32 to index
        %get3A_430 = arith.constant 0 : index
        %get3A_431 = tpu.vector_load %arg7[%get3A_429, %get3A_430] {strides = array<i32>} : memref<200x64xf32, #tpu.memory_space<vmem>>, vector<1x16xf32>,
        %get3A_432 = vector.shape_cast %get3A_431 : vector<1x16xf32> to vector<16xf32>
        %add3A_433 = arith.addf %get3A_426, %get3A_432 : vector<16xf32>
        %swap3A = arith.index_cast %scan3A_423 : i32 to index
        %swap3A_434 = arith.constant 0 : index
        %swap3A_435 = tpu.vector_load %arg12[%swap3A, %swap3A_434] {strides = array<i32>} : memref<104x64xf32, #tpu.memory_space<vmem>>, vector<1x16xf32>,
        %swap3A_436 = vector.shape_cast %swap3A_435 : vector<1x16xf32> to vector<16xf32>
        %swap3A_437 = vector.shape_cast %add3A_433 : vector<16xf32> to vector<1x16xf32>
        tpu.vector_store %arg12[%swap3A, %swap3A_434], %swap3A_437 {strides = array<i32>} : memref<104x64xf32, #tpu.memory_space<vmem>>, vector<1x16xf32>,
        %get3A_438 = arith.index_cast %scan3A_423 : i32 to index
        %get3A_439 = arith.constant 16 : index
        %get3A_440 = tpu.vector_load %arg10[%get3A_438, %get3A_439] {strides = array<i32>} : memref<104x128xf32, #tpu.memory_space<vmem>>, vector<1x16xf32>,
        %get3A_441 = vector.shape_cast %get3A_440 : vector<1x16xf32> to vector<16xf32>
        %add3A_442 = arith.constant 0 : i32
        %add3A_443 = arith.addi %add3A_442, %scan3A_423 : i32
        %get3A_444 = arith.index_cast %add3A_443 : i32 to index
        %get3A_445 = arith.constant 16 : index
        %get3A_446 = tpu.vector_load %arg7[%get3A_444, %get3A_445] {strides = array<i32>} : memref<200x64xf32, #tpu.memory_space<vmem>>, vector<1x16xf32>,
        %get3A_447 = vector.shape_cast %get3A_446 : vector<1x16xf32> to vector<16xf32>
        %add3A_448 = arith.addf %get3A_441, %get3A_447 : vector<16xf32>
        %swap3A_449 = arith.index_cast %scan3A_423 : i32 to index
        %swap3A_450 = arith.constant 16 : index
        %swap3A_451 = tpu.vector_load %arg12[%swap3A_449, %swap3A_450] {strides = array<i32>} : memref<104x64xf32, #tpu.memory_space<vmem>>, vector<1x16xf32>,
        %swap3A_452 = vector.shape_cast %swap3A_451 : vector<1x16xf32> to vector<16xf32>
        %swap3A_453 = vector.shape_cast %add3A_448 : vector<16xf32> to vector<1x16xf32>
        tpu.vector_store %arg12[%swap3A_449, %swap3A_450], %swap3A_453 {strides = array<i32>} : memref<104x64xf32, #tpu.memory_space<vmem>>, vector<1x16xf32>,
        %get3A_454 = arith.index_cast %scan3A_423 : i32 to index
        %get3A_455 = arith.constant 32 : index
        %get3A_456 = tpu.vector_load %arg10[%get3A_454, %get3A_455] {strides = array<i32>} : memref<104x128xf32, #tpu.memory_space<vmem>>, vector<1x16xf32>,
        %get3A_457 = vector.shape_cast %get3A_456 : vector<1x16xf32> to vector<16xf32>
        %add3A_458 = arith.constant 0 : i32
        %add3A_459 = arith.addi %add3A_458, %scan3A_423 : i32
        %get3A_460 = arith.index_cast %add3A_459 : i32 to index
        %get3A_461 = arith.constant 32 : index
        %get3A_462 = tpu.vector_load %arg7[%get3A_460, %get3A_461] {strides = array<i32>} : memref<200x64xf32, #tpu.memory_space<vmem>>, vector<1x16xf32>,
        %get3A_463 = vector.shape_cast %get3A_462 : vector<1x16xf32> to vector<16xf32>
        %add3A_464 = arith.addf %get3A_457, %get3A_463 : vector<16xf32>
        %swap3A_465 = arith.index_cast %scan3A_423 : i32 to index
        %swap3A_466 = arith.constant 32 : index
        %swap3A_467 = tpu.vector_load %arg12[%swap3A_465, %swap3A_466] {strides = array<i32>} : memref<104x64xf32, #tpu.memory_space<vmem>>, vector<1x16xf32>,
        %swap3A_468 = vector.shape_cast %swap3A_467 : vector<1x16xf32> to vector<16xf32>
        %swap3A_469 = vector.shape_cast %add3A_464 : vector<16xf32> to vector<1x16xf32>
        tpu.vector_store %arg12[%swap3A_465, %swap3A_466], %swap3A_469 {strides = array<i32>} : memref<104x64xf32, #tpu.memory_space<vmem>>, vector<1x16xf32>,
        %get3A_470 = arith.index_cast %scan3A_423 : i32 to index
        %get3A_471 = arith.constant 48 : index
        %get3A_472 = tpu.vector_load %arg10[%get3A_470, %get3A_471] {strides = array<i32>} : memref<104x128xf32, #tpu.memory_space<vmem>>, vector<1x16xf32>,
        %get3A_473 = vector.shape_cast %get3A_472 : vector<1x16xf32> to vector<16xf32>
        %add3A_474 = arith.constant 0 : i32
        %add3A_475 = arith.addi %add3A_474, %scan3A_423 : i32
        %get3A_476 = arith.index_cast %add3A_475 : i32 to index
        %get3A_477 = arith.constant 48 : index
        %get3A_478 = tpu.vector_load %arg7[%get3A_476, %get3A_477] {strides = array<i32>} : memref<200x64xf32, #tpu.memory_space<vmem>>, vector<1x16xf32>,
        %get3A_479 = vector.shape_cast %get3A_478 : vector<1x16xf32> to vector<16xf32>
        %add3A_480 = arith.addf %get3A_473, %get3A_479 : vector<16xf32>
        %swap3A_481 = arith.index_cast %scan3A_423 : i32 to index
        %swap3A_482 = arith.constant 48 : index
        %swap3A_483 = tpu.vector_load %arg12[%swap3A_481, %swap3A_482] {strides = array<i32>} : memref<104x64xf32, #tpu.memory_space<vmem>>, vector<1x16xf32>,
        %swap3A_484 = vector.shape_cast %swap3A_483 : vector<1x16xf32> to vector<16xf32>
        %swap3A_485 = vector.shape_cast %add3A_480 : vector<16xf32> to vector<1x16xf32>
        tpu.vector_store %arg12[%swap3A_481, %swap3A_482], %swap3A_485 {strides = array<i32>} : memref<104x64xf32, #tpu.memory_space<vmem>>, vector<1x16xf32>,
        %scan3A_486 = arith.constant 1 : i32
        %scan3A_487 = arith.addi %scan3A_423, %scan3A_486 : i32
        %get3A_488 = arith.index_cast %scan3A_487 : i32 to index
        %get3A_489 = arith.constant 0 : index
        %get3A_490 = tpu.vector_load %arg10[%get3A_488, %get3A_489] {strides = array<i32>} : memref<104x128xf32, #tpu.memory_space<vmem>>, vector<1x16xf32>,
        %get3A_491 = vector.shape_cast %get3A_490 : vector<1x16xf32> to vector<16xf32>
        %add3A_492 = arith.constant 0 : i32
        %add3A_493 = arith.addi %add3A_492, %scan3A_487 : i32
        %get3A_494 = arith.index_cast %add3A_493 : i32 to index
        %get3A_495 = arith.constant 0 : index
        %get3A_496 = tpu.vector_load %arg7[%get3A_494, %get3A_495] {strides = array<i32>} : memref<200x64xf32, #tpu.memory_space<vmem>>, vector<1x16xf32>,
        %get3A_497 = vector.shape_cast %get3A_496 : vector<1x16xf32> to vector<16xf32>
        %add3A_498 = arith.addf %get3A_491, %get3A_497 : vector<16xf32>
        %swap3A_499 = arith.index_cast %scan3A_487 : i32 to index
        %swap3A_500 = arith.constant 0 : index
        %swap3A_501 = tpu.vector_load %arg12[%swap3A_499, %swap3A_500] {strides = array<i32>} : memref<104x64xf32, #tpu.memory_space<vmem>>, vector<1x16xf32>,
        %swap3A_502 = vector.shape_cast %swap3A_501 : vector<1x16xf32> to vector<16xf32>
        %swap3A_503 = vector.shape_cast %add3A_498 : vector<16xf32> to vector<1x16xf32>
        tpu.vector_store %arg12[%swap3A_499, %swap3A_500], %swap3A_503 {strides = array<i32>} : memref<104x64xf32, #tpu.memory_space<vmem>>, vector<1x16xf32>,
        %get3A_504 = arith.index_cast %scan3A_487 : i32 to index
        %get3A_505 = arith.constant 16 : index
        %get3A_506 = tpu.vector_load %arg10[%get3A_504, %get3A_505] {strides = array<i32>} : memref<104x128xf32, #tpu.memory_space<vmem>>, vector<1x16xf32>,
        %get3A_507 = vector.shape_cast %get3A_506 : vector<1x16xf32> to vector<16xf32>
        %add3A_508 = arith.constant 0 : i32
        %add3A_509 = arith.addi %add3A_508, %scan3A_487 : i32
        %get3A_510 = arith.index_cast %add3A_509 : i32 to index
        %get3A_511 = arith.constant 16 : index
        %get3A_512 = tpu.vector_load %arg7[%get3A_510, %get3A_511] {strides = array<i32>} : memref<200x64xf32, #tpu.memory_space<vmem>>, vector<1x16xf32>,
        %get3A_513 = vector.shape_cast %get3A_512 : vector<1x16xf32> to vector<16xf32>
        %add3A_514 = arith.addf %get3A_507, %get3A_513 : vector<16xf32>
        %swap3A_515 = arith.index_cast %scan3A_487 : i32 to index
        %swap3A_516 = arith.constant 16 : index
        %swap3A_517 = tpu.vector_load %arg12[%swap3A_515, %swap3A_516] {strides = array<i32>} : memref<104x64xf32, #tpu.memory_space<vmem>>, vector<1x16xf32>,
        %swap3A_518 = vector.shape_cast %swap3A_517 : vector<1x16xf32> to vector<16xf32>
        %swap3A_519 = vector.shape_cast %add3A_514 : vector<16xf32> to vector<1x16xf32>
        tpu.vector_store %arg12[%swap3A_515, %swap3A_516], %swap3A_519 {strides = array<i32>} : memref<104x64xf32, #tpu.memory_space<vmem>>, vector<1x16xf32>,
        %get3A_520 = arith.index_cast %scan3A_487 : i32 to index
        %get3A_521 = arith.constant 32 : index
        %get3A_522 = tpu.vector_load %arg10[%get3A_520, %get3A_521] {strides = array<i32>} : memref<104x128xf32, #tpu.memory_space<vmem>>, vector<1x16xf32>,
        %get3A_523 = vector.shape_cast %get3A_522 : vector<1x16xf32> to vector<16xf32>
        %add3A_524 = arith.constant 0 : i32
        %add3A_525 = arith.addi %add3A_524, %scan3A_487 : i32
        %get3A_526 = arith.index_cast %add3A_525 : i32 to index
        %get3A_527 = arith.constant 32 : index
        %get3A_528 = tpu.vector_load %arg7[%get3A_526, %get3A_527] {strides = array<i32>} : memref<200x64xf32, #tpu.memory_space<vmem>>, vector<1x16xf32>,
        %get3A_529 = vector.shape_cast %get3A_528 : vector<1x16xf32> to vector<16xf32>
        %add3A_530 = arith.addf %get3A_523, %get3A_529 : vector<16xf32>
        %swap3A_531 = arith.index_cast %scan3A_487 : i32 to index
        %swap3A_532 = arith.constant 32 : index
        %swap3A_533 = tpu.vector_load %arg12[%swap3A_531, %swap3A_532] {strides = array<i32>} : memref<104x64xf32, #tpu.memory_space<vmem>>, vector<1x16xf32>,
        %swap3A_534 = vector.shape_cast %swap3A_533 : vector<1x16xf32> to vector<16xf32>
        %swap3A_535 = vector.shape_cast %add3A_530 : vector<16xf32> to vector<1x16xf32>
        tpu.vector_store %arg12[%swap3A_531, %swap3A_532], %swap3A_535 {strides = array<i32>} : memref<104x64xf32, #tpu.memory_space<vmem>>, vector<1x16xf32>,
        %get3A_536 = arith.index_cast %scan3A_487 : i32 to index
        %get3A_537 = arith.constant 48 : index
        %get3A_538 = tpu.vector_load %arg10[%get3A_536, %get3A_537] {strides = array<i32>} : memref<104x128xf32, #tpu.memory_space<vmem>>, vector<1x16xf32>,
        %get3A_539 = vector.shape_cast %get3A_538 : vector<1x16xf32> to vector<16xf32>
        %add3A_540 = arith.constant 0 : i32
        %add3A_541 = arith.addi %add3A_540, %scan3A_487 : i32
        %get3A_542 = arith.index_cast %add3A_541 : i32 to index
        %get3A_543 = arith.constant 48 : index
        %get3A_544 = tpu.vector_load %arg7[%get3A_542, %get3A_543] {strides = array<i32>} : memref<200x64xf32, #tpu.memory_space<vmem>>, vector<1x16xf32>,
        %get3A_545 = vector.shape_cast %get3A_544 : vector<1x16xf32> to vector<16xf32>
        %add3A_546 = arith.addf %get3A_539, %get3A_545 : vector<16xf32>
        %swap3A_547 = arith.index_cast %scan3A_487 : i32 to index
        %swap3A_548 = arith.constant 48 : index
        %swap3A_549 = tpu.vector_load %arg12[%swap3A_547, %swap3A_548] {strides = array<i32>} : memref<104x64xf32, #tpu.memory_space<vmem>>, vector<1x16xf32>,
        %swap3A_550 = vector.shape_cast %swap3A_549 : vector<1x16xf32> to vector<16xf32>
        %swap3A_551 = vector.shape_cast %add3A_546 : vector<16xf32> to vector<1x16xf32>
        tpu.vector_store %arg12[%swap3A_547, %swap3A_548], %swap3A_551 {strides = array<i32>} : memref<104x64xf32, #tpu.memory_space<vmem>>, vector<1x16xf32>,
        %scan3A_552 = arith.constant 2 : i32
        %scan3A_553 = arith.addi %scan3A_423, %scan3A_552 : i32
        %get3A_554 = arith.index_cast %scan3A_553 : i32 to index
        %get3A_555 = arith.constant 0 : index
        %get3A_556 = tpu.vector_load %arg10[%get3A_554, %get3A_555] {strides = array<i32>} : memref<104x128xf32, #tpu.memory_space<vmem>>, vector<1x16xf32>,
        %get3A_557 = vector.shape_cast %get3A_556 : vector<1x16xf32> to vector<16xf32>
        %add3A_558 = arith.constant 0 : i32
        %add3A_559 = arith.addi %add3A_558, %scan3A_553 : i32
        %get3A_560 = arith.index_cast %add3A_559 : i32 to index
        %get3A_561 = arith.constant 0 : index
        %get3A_562 = tpu.vector_load %arg7[%get3A_560, %get3A_561] {strides = array<i32>} : memref<200x64xf32, #tpu.memory_space<vmem>>, vector<1x16xf32>,
        %get3A_563 = vector.shape_cast %get3A_562 : vector<1x16xf32> to vector<16xf32>
        %add3A_564 = arith.addf %get3A_557, %get3A_563 : vector<16xf32>
        %swap3A_565 = arith.index_cast %scan3A_553 : i32 to index
        %swap3A_566 = arith.constant 0 : index
        %swap3A_567 = tpu.vector_load %arg12[%swap3A_565, %swap3A_566] {strides = array<i32>} : memref<104x64xf32, #tpu.memory_space<vmem>>, vector<1x16xf32>,
        %swap3A_568 = vector.shape_cast %swap3A_567 : vector<1x16xf32> to vector<16xf32>
        %swap3A_569 = vector.shape_cast %add3A_564 : vector<16xf32> to vector<1x16xf32>
        tpu.vector_store %arg12[%swap3A_565, %swap3A_566], %swap3A_569 {strides = array<i32>} : memref<104x64xf32, #tpu.memory_space<vmem>>, vector<1x16xf32>,
        %get3A_570 = arith.index_cast %scan3A_553 : i32 to index
        %get3A_571 = arith.constant 16 : index
        %get3A_572 = tpu.vector_load %arg10[%get3A_570, %get3A_571] {strides = array<i32>} : memref<104x128xf32, #tpu.memory_space<vmem>>, vector<1x16xf32>,
        %get3A_573 = vector.shape_cast %get3A_572 : vector<1x16xf32> to vector<16xf32>
        %add3A_574 = arith.constant 0 : i32
        %add3A_575 = arith.addi %add3A_574, %scan3A_553 : i32
        %get3A_576 = arith.index_cast %add3A_575 : i32 to index
        %get3A_577 = arith.constant 16 : index
        %get3A_578 = tpu.vector_load %arg7[%get3A_576, %get3A_577] {strides = array<i32>} : memref<200x64xf32, #tpu.memory_space<vmem>>, vector<1x16xf32>,
        %get3A_579 = vector.shape_cast %get3A_578 : vector<1x16xf32> to vector<16xf32>
        %add3A_580 = arith.addf %get3A_573, %get3A_579 : vector<16xf32>
        %swap3A_581 = arith.index_cast %scan3A_553 : i32 to index
        %swap3A_582 = arith.constant 16 : index
        %swap3A_583 = tpu.vector_load %arg12[%swap3A_581, %swap3A_582] {strides = array<i32>} : memref<104x64xf32, #tpu.memory_space<vmem>>, vector<1x16xf32>,
        %swap3A_584 = vector.shape_cast %swap3A_583 : vector<1x16xf32> to vector<16xf32>
        %swap3A_585 = vector.shape_cast %add3A_580 : vector<16xf32> to vector<1x16xf32>
        tpu.vector_store %arg12[%swap3A_581, %swap3A_582], %swap3A_585 {strides = array<i32>} : memref<104x64xf32, #tpu.memory_space<vmem>>, vector<1x16xf32>,
        %get3A_586 = arith.index_cast %scan3A_553 : i32 to index
        %get3A_587 = arith.constant 32 : index
        %get3A_588 = tpu.vector_load %arg10[%get3A_586, %get3A_587] {strides = array<i32>} : memref<104x128xf32, #tpu.memory_space<vmem>>, vector<1x16xf32>,
        %get3A_589 = vector.shape_cast %get3A_588 : vector<1x16xf32> to vector<16xf32>
        %add3A_590 = arith.constant 0 : i32
        %add3A_591 = arith.addi %add3A_590, %scan3A_553 : i32
        %get3A_592 = arith.index_cast %add3A_591 : i32 to index
        %get3A_593 = arith.constant 32 : index
        %get3A_594 = tpu.vector_load %arg7[%get3A_592, %get3A_593] {strides = array<i32>} : memref<200x64xf32, #tpu.memory_space<vmem>>, vector<1x16xf32>,
        %get3A_595 = vector.shape_cast %get3A_594 : vector<1x16xf32> to vector<16xf32>
        %add3A_596 = arith.addf %get3A_589, %get3A_595 : vector<16xf32>
        %swap3A_597 = arith.index_cast %scan3A_553 : i32 to index
        %swap3A_598 = arith.constant 32 : index
        %swap3A_599 = tpu.vector_load %arg12[%swap3A_597, %swap3A_598] {strides = array<i32>} : memref<104x64xf32, #tpu.memory_space<vmem>>, vector<1x16xf32>,
        %swap3A_600 = vector.shape_cast %swap3A_599 : vector<1x16xf32> to vector<16xf32>
        %swap3A_601 = vector.shape_cast %add3A_596 : vector<16xf32> to vector<1x16xf32>
        tpu.vector_store %arg12[%swap3A_597, %swap3A_598], %swap3A_601 {strides = array<i32>} : memref<104x64xf32, #tpu.memory_space<vmem>>, vector<1x16xf32>,
        %get3A_602 = arith.index_cast %scan3A_553 : i32 to index
        %get3A_603 = arith.constant 48 : index
        %get3A_604 = tpu.vector_load %arg10[%get3A_602, %get3A_603] {strides = array<i32>} : memref<104x128xf32, #tpu.memory_space<vmem>>, vector<1x16xf32>,
        %get3A_605 = vector.shape_cast %get3A_604 : vector<1x16xf32> to vector<16xf32>
        %add3A_606 = arith.constant 0 : i32
        %add3A_607 = arith.addi %add3A_606, %scan3A_553 : i32
        %get3A_608 = arith.index_cast %add3A_607 : i32 to index
        %get3A_609 = arith.constant 48 : index
        %get3A_610 = tpu.vector_load %arg7[%get3A_608, %get3A_609] {strides = array<i32>} : memref<200x64xf32, #tpu.memory_space<vmem>>, vector<1x16xf32>,
        %get3A_611 = vector.shape_cast %get3A_610 : vector<1x16xf32> to vector<16xf32>
        %add3A_612 = arith.addf %get3A_605, %get3A_611 : vector<16xf32>
        %swap3A_613 = arith.index_cast %scan3A_553 : i32 to index
        %swap3A_614 = arith.constant 48 : index
        %swap3A_615 = tpu.vector_load %arg12[%swap3A_613, %swap3A_614] {strides = array<i32>} : memref<104x64xf32, #tpu.memory_space<vmem>>, vector<1x16xf32>,
        %swap3A_616 = vector.shape_cast %swap3A_615 : vector<1x16xf32> to vector<16xf32>
        %swap3A_617 = vector.shape_cast %add3A_612 : vector<16xf32> to vector<1x16xf32>
        tpu.vector_store %arg12[%swap3A_613, %swap3A_614], %swap3A_617 {strides = array<i32>} : memref<104x64xf32, #tpu.memory_space<vmem>>, vector<1x16xf32>,
        %scan3A_618 = arith.constant 3 : i32
        %scan3A_619 = arith.addi %scan3A_423, %scan3A_618 : i32
        %get3A_620 = arith.index_cast %scan3A_619 : i32 to index
        %get3A_621 = arith.constant 0 : index
        %get3A_622 = tpu.vector_load %arg10[%get3A_620, %get3A_621] {strides = array<i32>} : memref<104x128xf32, #tpu.memory_space<vmem>>, vector<1x16xf32>,
        %get3A_623 = vector.shape_cast %get3A_622 : vector<1x16xf32> to vector<16xf32>
        %add3A_624 = arith.constant 0 : i32
        %add3A_625 = arith.addi %add3A_624, %scan3A_619 : i32
        %get3A_626 = arith.index_cast %add3A_625 : i32 to index
        %get3A_627 = arith.constant 0 : index
        %get3A_628 = tpu.vector_load %arg7[%get3A_626, %get3A_627] {strides = array<i32>} : memref<200x64xf32, #tpu.memory_space<vmem>>, vector<1x16xf32>,
        %get3A_629 = vector.shape_cast %get3A_628 : vector<1x16xf32> to vector<16xf32>
        %add3A_630 = arith.addf %get3A_623, %get3A_629 : vector<16xf32>
        %swap3A_631 = arith.index_cast %scan3A_619 : i32 to index
        %swap3A_632 = arith.constant 0 : index
        %swap3A_633 = tpu.vector_load %arg12[%swap3A_631, %swap3A_632] {strides = array<i32>} : memref<104x64xf32, #tpu.memory_space<vmem>>, vector<1x16xf32>,
        %swap3A_634 = vector.shape_cast %swap3A_633 : vector<1x16xf32> to vector<16xf32>
        %swap3A_635 = vector.shape_cast %add3A_630 : vector<16xf32> to vector<1x16xf32>
        tpu.vector_store %arg12[%swap3A_631, %swap3A_632], %swap3A_635 {strides = array<i32>} : memref<104x64xf32, #tpu.memory_space<vmem>>, vector<1x16xf32>,
        %get3A_636 = arith.index_cast %scan3A_619 : i32 to index
        %get3A_637 = arith.constant 16 : index
        %get3A_638 = tpu.vector_load %arg10[%get3A_636, %get3A_637] {strides = array<i32>} : memref<104x128xf32, #tpu.memory_space<vmem>>, vector<1x16xf32>,
        %get3A_639 = vector.shape_cast %get3A_638 : vector<1x16xf32> to vector<16xf32>
        %add3A_640 = arith.constant 0 : i32
        %add3A_641 = arith.addi %add3A_640, %scan3A_619 : i32
        %get3A_642 = arith.index_cast %add3A_641 : i32 to index
        %get3A_643 = arith.constant 16 : index
        %get3A_644 = tpu.vector_load %arg7[%get3A_642, %get3A_643] {strides = array<i32>} : memref<200x64xf32, #tpu.memory_space<vmem>>, vector<1x16xf32>,
        %get3A_645 = vector.shape_cast %get3A_644 : vector<1x16xf32> to vector<16xf32>
        %add3A_646 = arith.addf %get3A_639, %get3A_645 : vector<16xf32>
        %swap3A_647 = arith.index_cast %scan3A_619 : i32 to index
        %swap3A_648 = arith.constant 16 : index
        %swap3A_649 = tpu.vector_load %arg12[%swap3A_647, %swap3A_648] {strides = array<i32>} : memref<104x64xf32, #tpu.memory_space<vmem>>, vector<1x16xf32>,
        %swap3A_650 = vector.shape_cast %swap3A_649 : vector<1x16xf32> to vector<16xf32>
        %swap3A_651 = vector.shape_cast %add3A_646 : vector<16xf32> to vector<1x16xf32>
        tpu.vector_store %arg12[%swap3A_647, %swap3A_648], %swap3A_651 {strides = array<i32>} : memref<104x64xf32, #tpu.memory_space<vmem>>, vector<1x16xf32>,
        %get3A_652 = arith.index_cast %scan3A_619 : i32 to index
        %get3A_653 = arith.constant 32 : index
        %get3A_654 = tpu.vector_load %arg10[%get3A_652, %get3A_653] {strides = array<i32>} : memref<104x128xf32, #tpu.memory_space<vmem>>, vector<1x16xf32>,
        %get3A_655 = vector.shape_cast %get3A_654 : vector<1x16xf32> to vector<16xf32>
        %add3A_656 = arith.constant 0 : i32
        %add3A_657 = arith.addi %add3A_656, %scan3A_619 : i32
        %get3A_658 = arith.index_cast %add3A_657 : i32 to index
        %get3A_659 = arith.constant 32 : index
        %get3A_660 = tpu.vector_load %arg7[%get3A_658, %get3A_659] {strides = array<i32>} : memref<200x64xf32, #tpu.memory_space<vmem>>, vector<1x16xf32>,
        %get3A_661 = vector.shape_cast %get3A_660 : vector<1x16xf32> to vector<16xf32>
        %add3A_662 = arith.addf %get3A_655, %get3A_661 : vector<16xf32>
        %swap3A_663 = arith.index_cast %scan3A_619 : i32 to index
        %swap3A_664 = arith.constant 32 : index
        %swap3A_665 = tpu.vector_load %arg12[%swap3A_663, %swap3A_664] {strides = array<i32>} : memref<104x64xf32, #tpu.memory_space<vmem>>, vector<1x16xf32>,
        %swap3A_666 = vector.shape_cast %swap3A_665 : vector<1x16xf32> to vector<16xf32>
        %swap3A_667 = vector.shape_cast %add3A_662 : vector<16xf32> to vector<1x16xf32>
        tpu.vector_store %arg12[%swap3A_663, %swap3A_664], %swap3A_667 {strides = array<i32>} : memref<104x64xf32, #tpu.memory_space<vmem>>, vector<1x16xf32>,
        %get3A_668 = arith.index_cast %scan3A_619 : i32 to index
        %get3A_669 = arith.constant 48 : index
        %get3A_670 = tpu.vector_load %arg10[%get3A_668, %get3A_669] {strides = array<i32>} : memref<104x128xf32, #tpu.memory_space<vmem>>, vector<1x16xf32>,
        %get3A_671 = vector.shape_cast %get3A_670 : vector<1x16xf32> to vector<16xf32>
        %add3A_672 = arith.constant 0 : i32
        %add3A_673 = arith.addi %add3A_672, %scan3A_619 : i32
        %get3A_674 = arith.index_cast %add3A_673 : i32 to index
        %get3A_675 = arith.constant 48 : index
        %get3A_676 = tpu.vector_load %arg7[%get3A_674, %get3A_675] {strides = array<i32>} : memref<200x64xf32, #tpu.memory_space<vmem>>, vector<1x16xf32>,
        %get3A_677 = vector.shape_cast %get3A_676 : vector<1x16xf32> to vector<16xf32>
        %add3A_678 = arith.addf %get3A_671, %get3A_677 : vector<16xf32>
        %swap3A_679 = arith.index_cast %scan3A_619 : i32 to index
        %swap3A_680 = arith.constant 48 : index
        %swap3A_681 = tpu.vector_load %arg12[%swap3A_679, %swap3A_680] {strides = array<i32>} : memref<104x64xf32, #tpu.memory_space<vmem>>, vector<1x16xf32>,
        %swap3A_682 = vector.shape_cast %swap3A_681 : vector<1x16xf32> to vector<16xf32>
        %swap3A_683 = vector.shape_cast %add3A_678 : vector<16xf32> to vector<1x16xf32>
        tpu.vector_store %arg12[%swap3A_679, %swap3A_680], %swap3A_683 {strides = array<i32>} : memref<104x64xf32, #tpu.memory_space<vmem>>, vector<1x16xf32>,
      }
      %scan3A_287 = arith.constant 104 : i32
      %jit3A_288 = arith.constant 2 : i32
      %div3A_289 = arith.divsi %add3A_234, %jit3A_288 : i32
      %sign3A_290 = arith.constant 0 : i32
      %sign3A_291 = arith.cmpi sgt, %add3A_234, %sign3A_290 : i32
      %sign3A_292 = arith.extui %sign3A_291 : i1 to i32
      %sign3A_293 = arith.constant 0 : i32
      %sign3A_294 = arith.cmpi slt, %add3A_234, %sign3A_293 : i32
      %sign3A_295 = arith.extui %sign3A_294 : i1 to i32
      %sign3A_296 = arith.subi %sign3A_292, %sign3A_295 : i32
      %sign3A_297 = arith.constant 0 : i32
      %sign3A_298 = arith.cmpi sgt, %jit3A_288, %sign3A_297 : i32
      %sign3A_299 = arith.extui %sign3A_298 : i1 to i32
      %sign3A_300 = arith.constant 0 : i32
      %sign3A_301 = arith.cmpi slt, %jit3A_288, %sign3A_300 : i32
      %sign3A_302 = arith.extui %sign3A_301 : i1 to i32
      %sign3A_303 = arith.subi %sign3A_299, %sign3A_302 : i32
      %ne3A_304 = arith.cmpi ne, %sign3A_296, %sign3A_303 : i32
      %rem3A_305 = arith.remsi %add3A_234, %jit3A_288 : i32
      %ne3A_306 = arith.constant 0 : i32
      %ne3A_307 = arith.cmpi ne, %rem3A_305, %ne3A_306 : i32
      %and3A_308 = arith.andi %ne3A_304, %ne3A_307 : i1
      %sub3A_309 = arith.constant 1 : i32
      %sub3A_310 = arith.subi %div3A_289, %sub3A_309 : i32
      %select_n3A_311 = arith.select %and3A_308, %sub3A_310, %div3A_289 : i32
      %mul3A_312 = arith.constant 200 : i32
      %mul3A_313 = arith.muli %select_n3A_311, %mul3A_312 : i32
      %add3A_314 = arith.addi %mul3A_2, %mul3A_313 : i32
      %add3A_315 = arith.constant 0 : i32
      %add3A_316 = arith.addi %add3A_314, %add3A_315 : i32
      %dma_start3A_317 = arith.constant 0 : i32
      %dma_start3A_318 = arith.constant 0 : i32
      %dma_start3A_319 = tpu.memref_slice %arg12[%dma_start3A_317, %dma_start3A_318] : memref<104x64xf32, #tpu.memory_space<vmem>> -> memref<104x64xf32, #tpu.memory_space<vmem>>
      %dma_start3A_320 = arith.constant 0 : i32
      %dma_start3A_321 = tpu.memref_slice %arg5[%add3A_316, %dma_start3A_320] : memref<204800x64xf32, #tpu.memory_space<hbm>> -> memref<104x64xf32, #tpu.memory_space<hbm>>
      %dma_start3A_322 = arith.constant 0 : i32
      %dma_start3A_323 = tpu.memref_slice %arg5[%add3A_316, %dma_start3A_322] : memref<204800x64xf32, #tpu.memory_space<hbm>> -> memref<104x64xf32, #tpu.memory_space<hbm>>
      %dma_start3A_324 = arith.constant 0 : i32
      %dma_start3A_325 = arith.constant 0 : i32
      %dma_start3A_326 = tpu.memref_slice %arg12[%dma_start3A_324, %dma_start3A_325] : memref<104x64xf32, #tpu.memory_space<vmem>> -> memref<104x64xf32, #tpu.memory_space<vmem>>
      tpu.enqueue_dma source(%dma_start3A_326 : memref<104x64xf32, #tpu.memory_space<vmem>>) target(%dma_start3A_323 : memref<104x64xf32, #tpu.memory_space<hbm>>) target_semaphore(%arg18 : memref<!tpu.dma_semaphore, #tpu.memory_space<semaphore_mem>>)
      %mul3A_327 = arith.constant 4 : i32
      %mul3A_328 = arith.muli %mul3A_327, %scan3A_50 : i32
      %add3A_329 = arith.constant 3 : i32
      %add3A_330 = arith.addi %mul3A_328, %add3A_329 : i32
      %add3A_331 = arith.constant 2 : i32
      %add3A_332 = arith.addi %add3A_330, %add3A_331 : i32
      %lt3A_333 = arith.constant 64 : i32
      %lt3A_334 = arith.cmpi slt, %add3A_332, %lt3A_333 : i32
      %convert_element_type3A_335 = arith.extui %lt3A_334 : i1 to i32
      %cond3A_336 = arith.constant 0 : i32
      %cond3A_337 = arith.cmpi ne, %convert_element_type3A_335, %cond3A_336 : i32
      scf.if %cond3A_337 {
        %add3A_423 = arith.constant 2 : i32
        %add3A_424 = arith.addi %add3A_330, %add3A_423 : i32
        %jit3A_425 = arith.constant 2 : i32
        %div3A_426 = arith.divsi %add3A_424, %jit3A_425 : i32
        %sign3A_427 = arith.constant 0 : i32
        %sign3A_428 = arith.cmpi sgt, %add3A_424, %sign3A_427 : i32
        %sign3A_429 = arith.extui %sign3A_428 : i1 to i32
        %sign3A_430 = arith.constant 0 : i32
        %sign3A_431 = arith.cmpi slt, %add3A_424, %sign3A_430 : i32
        %sign3A_432 = arith.extui %sign3A_431 : i1 to i32
        %sign3A_433 = arith.subi %sign3A_429, %sign3A_432 : i32
        %sign3A_434 = arith.constant 0 : i32
        %sign3A_435 = arith.cmpi sgt, %jit3A_425, %sign3A_434 : i32
        %sign3A_436 = arith.extui %sign3A_435 : i1 to i32
        %sign3A_437 = arith.constant 0 : i32
        %sign3A_438 = arith.cmpi slt, %jit3A_425, %sign3A_437 : i32
        %sign3A_439 = arith.extui %sign3A_438 : i1 to i32
        %sign3A_440 = arith.subi %sign3A_436, %sign3A_439 : i32
        %ne3A_441 = arith.cmpi ne, %sign3A_433, %sign3A_440 : i32
        %rem3A_442 = arith.remsi %add3A_424, %jit3A_425 : i32
        %ne3A_443 = arith.constant 0 : i32
        %ne3A_444 = arith.cmpi ne, %rem3A_442, %ne3A_443 : i32
        %and3A_445 = arith.andi %ne3A_441, %ne3A_444 : i1
        %sub3A_446 = arith.constant 1 : i32
        %sub3A_447 = arith.subi %div3A_426, %sub3A_446 : i32
        %select_n3A_448 = arith.select %and3A_445, %sub3A_447, %div3A_426 : i32
        %mul3A_449 = arith.constant 200 : i32
        %mul3A_450 = arith.muli %select_n3A_448, %mul3A_449 : i32
        %add3A_451 = arith.constant 104 : i32
        %add3A_452 = arith.addi %mul3A_450, %add3A_451 : i32
        %dma_start3A_453 = arith.constant 0 : i32
        %dma_start3A_454 = arith.constant 0 : i32
        %dma_start3A_455 = tpu.memref_slice %arg9[%dma_start3A_453, %dma_start3A_454] : memref<104x128xf32, #tpu.memory_space<vmem>> -> memref<96x128xf32, #tpu.memory_space<vmem>>
        %dma_start3A_456 = tpu.memref_slice %arg6[%add3A_452] : memref<6400xi32, #tpu.memory_space<vmem>> -> memref<96xi32, #tpu.memory_space<vmem>>
        %dma_start3A_457 = arith.constant 0 : i32
        %dma_start3A_458 = arith.constant 0 : i32
        %dma_start3A_459 = tpu.memref_slice %arg3[%dma_start3A_457, %dma_start3A_458] : memref<1000000x128xf32, #tpu.memory_space<hbm>> -> memref<1000000x128xf32, #tpu.memory_space<hbm>>
        tpu.enqueue_indirect_dma source(%dma_start3A_459 : memref<1000000x128xf32, #tpu.memory_space<hbm>>) target(%dma_start3A_455 : memref<96x128xf32, #tpu.memory_space<vmem>>) offsets(%dma_start3A_456 : memref<96xi32, #tpu.memory_space<vmem>>) semaphore(%arg15 : memref<!tpu.dma_semaphore, #tpu.memory_space<semaphore_mem>>)
      } else {
      }
      %jit3A_338 = arith.constant 2 : i32
      %div3A_339 = arith.divsi %add3A_330, %jit3A_338 : i32
      %sign3A_340 = arith.constant 0 : i32
      %sign3A_341 = arith.cmpi sgt, %add3A_330, %sign3A_340 : i32
      %sign3A_342 = arith.extui %sign3A_341 : i1 to i32
      %sign3A_343 = arith.constant 0 : i32
      %sign3A_344 = arith.cmpi slt, %add3A_330, %sign3A_343 : i32
      %sign3A_345 = arith.extui %sign3A_344 : i1 to i32
      %sign3A_346 = arith.subi %sign3A_342, %sign3A_345 : i32
      %sign3A_347 = arith.constant 0 : i32
      %sign3A_348 = arith.cmpi sgt, %jit3A_338, %sign3A_347 : i32
      %sign3A_349 = arith.extui %sign3A_348 : i1 to i32
      %sign3A_350 = arith.constant 0 : i32
      %sign3A_351 = arith.cmpi slt, %jit3A_338, %sign3A_350 : i32
      %sign3A_352 = arith.extui %sign3A_351 : i1 to i32
      %sign3A_353 = arith.subi %sign3A_349, %sign3A_352 : i32
      %ne3A_354 = arith.cmpi ne, %sign3A_346, %sign3A_353 : i32
      %rem3A_355 = arith.remsi %add3A_330, %jit3A_338 : i32
      %ne3A_356 = arith.constant 0 : i32
      %ne3A_357 = arith.cmpi ne, %rem3A_355, %ne3A_356 : i32
      %and3A_358 = arith.andi %ne3A_354, %ne3A_357 : i1
      %sub3A_359 = arith.constant 1 : i32
      %sub3A_360 = arith.subi %div3A_339, %sub3A_359 : i32
      %select_n3A_361 = arith.select %and3A_358, %sub3A_360, %div3A_339 : i32
      %mul3A_362 = arith.constant 200 : i32
      %mul3A_363 = arith.muli %select_n3A_361, %mul3A_362 : i32
      %add3A_364 = arith.constant 104 : i32
      %add3A_365 = arith.addi %mul3A_363, %add3A_364 : i32
      %dma_wait3A_366 = arith.constant 0 : i32
      %dma_wait3A_367 = arith.constant 0 : i32
      %dma_wait3A_368 = tpu.memref_slice %arg11[%dma_wait3A_366, %dma_wait3A_367] : memref<104x128xf32, #tpu.memory_space<vmem>> -> memref<96x128xf32, #tpu.memory_space<vmem>>
      %dma_wait3A_369 = tpu.memref_slice %arg6[%add3A_365] : memref<6400xi32, #tpu.memory_space<vmem>> -> memref<96xi32, #tpu.memory_space<vmem>>
      %dma_wait3A_370 = arith.constant 0 : i32
      %dma_wait3A_371 = arith.constant 0 : i32
      %dma_wait3A_372 = tpu.memref_slice %arg3[%dma_wait3A_370, %dma_wait3A_371] : memref<1000000x128xf32, #tpu.memory_space<hbm>> -> memref<1000000x128xf32, #tpu.memory_space<hbm>>
      tpu.wait_indirect_dma semaphore(%arg17 : memref<!tpu.dma_semaphore, #tpu.memory_space<semaphore_mem>>) src(%dma_wait3A_372 : memref<1000000x128xf32, #tpu.memory_space<hbm>>) dst(%dma_wait3A_368 : memref<96x128xf32, #tpu.memory_space<vmem>>)
      %ge3A_373 = arith.constant 2 : i32
      %ge3A_374 = arith.cmpi sge, %add3A_330, %ge3A_373 : i32
      %convert_element_type3A_375 = arith.extui %ge3A_374 : i1 to i32
      %cond3A_376 = arith.constant 0 : i32
      %cond3A_377 = arith.cmpi ne, %convert_element_type3A_375, %cond3A_376 : i32
      scf.if %cond3A_377 {
        %sub3A_423 = arith.constant 2 : i32
        %sub3A_424 = arith.subi %add3A_330, %sub3A_423 : i32
        %jit3A_425 = arith.constant 2 : i32
        %div3A_426 = arith.divsi %sub3A_424, %jit3A_425 : i32
        %sign3A_427 = arith.constant 0 : i32
        %sign3A_428 = arith.cmpi sgt, %sub3A_424, %sign3A_427 : i32
        %sign3A_429 = arith.extui %sign3A_428 : i1 to i32
        %sign3A_430 = arith.constant 0 : i32
        %sign3A_431 = arith.cmpi slt, %sub3A_424, %sign3A_430 : i32
        %sign3A_432 = arith.extui %sign3A_431 : i1 to i32
        %sign3A_433 = arith.subi %sign3A_429, %sign3A_432 : i32
        %sign3A_434 = arith.constant 0 : i32
        %sign3A_435 = arith.cmpi sgt, %jit3A_425, %sign3A_434 : i32
        %sign3A_436 = arith.extui %sign3A_435 : i1 to i32
        %sign3A_437 = arith.constant 0 : i32
        %sign3A_438 = arith.cmpi slt, %jit3A_425, %sign3A_437 : i32
        %sign3A_439 = arith.extui %sign3A_438 : i1 to i32
        %sign3A_440 = arith.subi %sign3A_436, %sign3A_439 : i32
        %ne3A_441 = arith.cmpi ne, %sign3A_433, %sign3A_440 : i32
        %rem3A_442 = arith.remsi %sub3A_424, %jit3A_425 : i32
        %ne3A_443 = arith.constant 0 : i32
        %ne3A_444 = arith.cmpi ne, %rem3A_442, %ne3A_443 : i32
        %and3A_445 = arith.andi %ne3A_441, %ne3A_444 : i1
        %sub3A_446 = arith.constant 1 : i32
        %sub3A_447 = arith.subi %div3A_426, %sub3A_446 : i32
        %select_n3A_448 = arith.select %and3A_445, %sub3A_447, %div3A_426 : i32
        %mul3A_449 = arith.constant 200 : i32
        %mul3A_450 = arith.muli %select_n3A_448, %mul3A_449 : i32
        %add3A_451 = arith.addi %mul3A_2, %mul3A_450 : i32
        %add3A_452 = arith.constant 104 : i32
        %add3A_453 = arith.addi %add3A_451, %add3A_452 : i32
        %dma_wait3A_454 = arith.constant 0 : i32
        %dma_wait3A_455 = arith.constant 0 : i32
        %dma_wait3A_456 = tpu.memref_slice %arg13[%dma_wait3A_454, %dma_wait3A_455] : memref<104x64xf32, #tpu.memory_space<vmem>> -> memref<96x64xf32, #tpu.memory_space<vmem>>
        %dma_wait3A_457 = arith.constant 0 : i32
        %dma_wait3A_458 = tpu.memref_slice %arg5[%add3A_453, %dma_wait3A_457] : memref<204800x64xf32, #tpu.memory_space<hbm>> -> memref<96x64xf32, #tpu.memory_space<hbm>>
        %dma_wait3A_459 = arith.constant 0 : i32
        %dma_wait3A_460 = tpu.memref_slice %arg5[%add3A_453, %dma_wait3A_459] : memref<204800x64xf32, #tpu.memory_space<hbm>> -> memref<96x64xf32, #tpu.memory_space<hbm>>
        %dma_wait3A_461 = arith.constant 0 : i32
        %dma_wait3A_462 = arith.constant 0 : i32
        %dma_wait3A_463 = tpu.memref_slice %arg13[%dma_wait3A_461, %dma_wait3A_462] : memref<104x64xf32, #tpu.memory_space<vmem>> -> memref<96x64xf32, #tpu.memory_space<vmem>>
        tpu.wait_dma2 semaphore(%arg19 : memref<!tpu.dma_semaphore, #tpu.memory_space<semaphore_mem>>) src(%dma_wait3A_463 : memref<96x64xf32, #tpu.memory_space<vmem>>) dst(%dma_wait3A_460 : memref<96x64xf32, #tpu.memory_space<hbm>>)
      } else {
      }
      %scan3A_378 = arith.constant 0 : i32
      %scan3A_379 = arith.constant 0 : i32
      %scan3A_380 = arith.constant 96 : i32
      %scan3A_381 = arith.addi %scan3A_379, %scan3A_380 : i32
      %scan3A_382 = arith.constant 4 : i32
      scf.for %scan3A_423 = %scan3A_379 to %scan3A_381 step %scan3A_382  : i32 {
        %get3A = arith.index_cast %scan3A_423 : i32 to index
        %get3A_424 = arith.constant 0 : index
        %get3A_425 = tpu.vector_load %arg11[%get3A, %get3A_424] {strides = array<i32>} : memref<104x128xf32, #tpu.memory_space<vmem>>, vector<1x16xf32>,
        %get3A_426 = vector.shape_cast %get3A_425 : vector<1x16xf32> to vector<16xf32>
        %add3A_427 = arith.constant 104 : i32
        %add3A_428 = arith.addi %add3A_427, %scan3A_423 : i32
        %get3A_429 = arith.index_cast %add3A_428 : i32 to index
        %get3A_430 = arith.constant 0 : index
        %get3A_431 = tpu.vector_load %arg7[%get3A_429, %get3A_430] {strides = array<i32>} : memref<200x64xf32, #tpu.memory_space<vmem>>, vector<1x16xf32>,
        %get3A_432 = vector.shape_cast %get3A_431 : vector<1x16xf32> to vector<16xf32>
        %add3A_433 = arith.addf %get3A_426, %get3A_432 : vector<16xf32>
        %swap3A = arith.index_cast %scan3A_423 : i32 to index
        %swap3A_434 = arith.constant 0 : index
        %swap3A_435 = tpu.vector_load %arg13[%swap3A, %swap3A_434] {strides = array<i32>} : memref<104x64xf32, #tpu.memory_space<vmem>>, vector<1x16xf32>,
        %swap3A_436 = vector.shape_cast %swap3A_435 : vector<1x16xf32> to vector<16xf32>
        %swap3A_437 = vector.shape_cast %add3A_433 : vector<16xf32> to vector<1x16xf32>
        tpu.vector_store %arg13[%swap3A, %swap3A_434], %swap3A_437 {strides = array<i32>} : memref<104x64xf32, #tpu.memory_space<vmem>>, vector<1x16xf32>,
        %get3A_438 = arith.index_cast %scan3A_423 : i32 to index
        %get3A_439 = arith.constant 16 : index
        %get3A_440 = tpu.vector_load %arg11[%get3A_438, %get3A_439] {strides = array<i32>} : memref<104x128xf32, #tpu.memory_space<vmem>>, vector<1x16xf32>,
        %get3A_441 = vector.shape_cast %get3A_440 : vector<1x16xf32> to vector<16xf32>
        %add3A_442 = arith.constant 104 : i32
        %add3A_443 = arith.addi %add3A_442, %scan3A_423 : i32
        %get3A_444 = arith.index_cast %add3A_443 : i32 to index
        %get3A_445 = arith.constant 16 : index
        %get3A_446 = tpu.vector_load %arg7[%get3A_444, %get3A_445] {strides = array<i32>} : memref<200x64xf32, #tpu.memory_space<vmem>>, vector<1x16xf32>,
        %get3A_447 = vector.shape_cast %get3A_446 : vector<1x16xf32> to vector<16xf32>
        %add3A_448 = arith.addf %get3A_441, %get3A_447 : vector<16xf32>
        %swap3A_449 = arith.index_cast %scan3A_423 : i32 to index
        %swap3A_450 = arith.constant 16 : index
        %swap3A_451 = tpu.vector_load %arg13[%swap3A_449, %swap3A_450] {strides = array<i32>} : memref<104x64xf32, #tpu.memory_space<vmem>>, vector<1x16xf32>,
        %swap3A_452 = vector.shape_cast %swap3A_451 : vector<1x16xf32> to vector<16xf32>
        %swap3A_453 = vector.shape_cast %add3A_448 : vector<16xf32> to vector<1x16xf32>
        tpu.vector_store %arg13[%swap3A_449, %swap3A_450], %swap3A_453 {strides = array<i32>} : memref<104x64xf32, #tpu.memory_space<vmem>>, vector<1x16xf32>,
        %get3A_454 = arith.index_cast %scan3A_423 : i32 to index
        %get3A_455 = arith.constant 32 : index
        %get3A_456 = tpu.vector_load %arg11[%get3A_454, %get3A_455] {strides = array<i32>} : memref<104x128xf32, #tpu.memory_space<vmem>>, vector<1x16xf32>,
        %get3A_457 = vector.shape_cast %get3A_456 : vector<1x16xf32> to vector<16xf32>
        %add3A_458 = arith.constant 104 : i32
        %add3A_459 = arith.addi %add3A_458, %scan3A_423 : i32
        %get3A_460 = arith.index_cast %add3A_459 : i32 to index
        %get3A_461 = arith.constant 32 : index
        %get3A_462 = tpu.vector_load %arg7[%get3A_460, %get3A_461] {strides = array<i32>} : memref<200x64xf32, #tpu.memory_space<vmem>>, vector<1x16xf32>,
        %get3A_463 = vector.shape_cast %get3A_462 : vector<1x16xf32> to vector<16xf32>
        %add3A_464 = arith.addf %get3A_457, %get3A_463 : vector<16xf32>
        %swap3A_465 = arith.index_cast %scan3A_423 : i32 to index
        %swap3A_466 = arith.constant 32 : index
        %swap3A_467 = tpu.vector_load %arg13[%swap3A_465, %swap3A_466] {strides = array<i32>} : memref<104x64xf32, #tpu.memory_space<vmem>>, vector<1x16xf32>,
        %swap3A_468 = vector.shape_cast %swap3A_467 : vector<1x16xf32> to vector<16xf32>
        %swap3A_469 = vector.shape_cast %add3A_464 : vector<16xf32> to vector<1x16xf32>
        tpu.vector_store %arg13[%swap3A_465, %swap3A_466], %swap3A_469 {strides = array<i32>} : memref<104x64xf32, #tpu.memory_space<vmem>>, vector<1x16xf32>,
        %get3A_470 = arith.index_cast %scan3A_423 : i32 to index
        %get3A_471 = arith.constant 48 : index
        %get3A_472 = tpu.vector_load %arg11[%get3A_470, %get3A_471] {strides = array<i32>} : memref<104x128xf32, #tpu.memory_space<vmem>>, vector<1x16xf32>,
        %get3A_473 = vector.shape_cast %get3A_472 : vector<1x16xf32> to vector<16xf32>
        %add3A_474 = arith.constant 104 : i32
        %add3A_475 = arith.addi %add3A_474, %scan3A_423 : i32
        %get3A_476 = arith.index_cast %add3A_475 : i32 to index
        %get3A_477 = arith.constant 48 : index
        %get3A_478 = tpu.vector_load %arg7[%get3A_476, %get3A_477] {strides = array<i32>} : memref<200x64xf32, #tpu.memory_space<vmem>>, vector<1x16xf32>,
        %get3A_479 = vector.shape_cast %get3A_478 : vector<1x16xf32> to vector<16xf32>
        %add3A_480 = arith.addf %get3A_473, %get3A_479 : vector<16xf32>
        %swap3A_481 = arith.index_cast %scan3A_423 : i32 to index
        %swap3A_482 = arith.constant 48 : index
        %swap3A_483 = tpu.vector_load %arg13[%swap3A_481, %swap3A_482] {strides = array<i32>} : memref<104x64xf32, #tpu.memory_space<vmem>>, vector<1x16xf32>,
        %swap3A_484 = vector.shape_cast %swap3A_483 : vector<1x16xf32> to vector<16xf32>
        %swap3A_485 = vector.shape_cast %add3A_480 : vector<16xf32> to vector<1x16xf32>
        tpu.vector_store %arg13[%swap3A_481, %swap3A_482], %swap3A_485 {strides = array<i32>} : memref<104x64xf32, #tpu.memory_space<vmem>>, vector<1x16xf32>,
        %scan3A_486 = arith.constant 1 : i32
        %scan3A_487 = arith.addi %scan3A_423, %scan3A_486 : i32
        %get3A_488 = arith.index_cast %scan3A_487 : i32 to index
        %get3A_489 = arith.constant 0 : index
        %get3A_490 = tpu.vector_load %arg11[%get3A_488, %get3A_489] {strides = array<i32>} : memref<104x128xf32, #tpu.memory_space<vmem>>, vector<1x16xf32>,
        %get3A_491 = vector.shape_cast %get3A_490 : vector<1x16xf32> to vector<16xf32>
        %add3A_492 = arith.constant 104 : i32
        %add3A_493 = arith.addi %add3A_492, %scan3A_487 : i32
        %get3A_494 = arith.index_cast %add3A_493 : i32 to index
        %get3A_495 = arith.constant 0 : index
        %get3A_496 = tpu.vector_load %arg7[%get3A_494, %get3A_495] {strides = array<i32>} : memref<200x64xf32, #tpu.memory_space<vmem>>, vector<1x16xf32>,
        %get3A_497 = vector.shape_cast %get3A_496 : vector<1x16xf32> to vector<16xf32>
        %add3A_498 = arith.addf %get3A_491, %get3A_497 : vector<16xf32>
        %swap3A_499 = arith.index_cast %scan3A_487 : i32 to index
        %swap3A_500 = arith.constant 0 : index
        %swap3A_501 = tpu.vector_load %arg13[%swap3A_499, %swap3A_500] {strides = array<i32>} : memref<104x64xf32, #tpu.memory_space<vmem>>, vector<1x16xf32>,
        %swap3A_502 = vector.shape_cast %swap3A_501 : vector<1x16xf32> to vector<16xf32>
        %swap3A_503 = vector.shape_cast %add3A_498 : vector<16xf32> to vector<1x16xf32>
        tpu.vector_store %arg13[%swap3A_499, %swap3A_500], %swap3A_503 {strides = array<i32>} : memref<104x64xf32, #tpu.memory_space<vmem>>, vector<1x16xf32>,
        %get3A_504 = arith.index_cast %scan3A_487 : i32 to index
        %get3A_505 = arith.constant 16 : index
        %get3A_506 = tpu.vector_load %arg11[%get3A_504, %get3A_505] {strides = array<i32>} : memref<104x128xf32, #tpu.memory_space<vmem>>, vector<1x16xf32>,
        %get3A_507 = vector.shape_cast %get3A_506 : vector<1x16xf32> to vector<16xf32>
        %add3A_508 = arith.constant 104 : i32
        %add3A_509 = arith.addi %add3A_508, %scan3A_487 : i32
        %get3A_510 = arith.index_cast %add3A_509 : i32 to index
        %get3A_511 = arith.constant 16 : index
        %get3A_512 = tpu.vector_load %arg7[%get3A_510, %get3A_511] {strides = array<i32>} : memref<200x64xf32, #tpu.memory_space<vmem>>, vector<1x16xf32>,
        %get3A_513 = vector.shape_cast %get3A_512 : vector<1x16xf32> to vector<16xf32>
        %add3A_514 = arith.addf %get3A_507, %get3A_513 : vector<16xf32>
        %swap3A_515 = arith.index_cast %scan3A_487 : i32 to index
        %swap3A_516 = arith.constant 16 : index
        %swap3A_517 = tpu.vector_load %arg13[%swap3A_515, %swap3A_516] {strides = array<i32>} : memref<104x64xf32, #tpu.memory_space<vmem>>, vector<1x16xf32>,
        %swap3A_518 = vector.shape_cast %swap3A_517 : vector<1x16xf32> to vector<16xf32>
        %swap3A_519 = vector.shape_cast %add3A_514 : vector<16xf32> to vector<1x16xf32>
        tpu.vector_store %arg13[%swap3A_515, %swap3A_516], %swap3A_519 {strides = array<i32>} : memref<104x64xf32, #tpu.memory_space<vmem>>, vector<1x16xf32>,
        %get3A_520 = arith.index_cast %scan3A_487 : i32 to index
        %get3A_521 = arith.constant 32 : index
        %get3A_522 = tpu.vector_load %arg11[%get3A_520, %get3A_521] {strides = array<i32>} : memref<104x128xf32, #tpu.memory_space<vmem>>, vector<1x16xf32>,
        %get3A_523 = vector.shape_cast %get3A_522 : vector<1x16xf32> to vector<16xf32>
        %add3A_524 = arith.constant 104 : i32
        %add3A_525 = arith.addi %add3A_524, %scan3A_487 : i32
        %get3A_526 = arith.index_cast %add3A_525 : i32 to index
        %get3A_527 = arith.constant 32 : index
        %get3A_528 = tpu.vector_load %arg7[%get3A_526, %get3A_527] {strides = array<i32>} : memref<200x64xf32, #tpu.memory_space<vmem>>, vector<1x16xf32>,
        %get3A_529 = vector.shape_cast %get3A_528 : vector<1x16xf32> to vector<16xf32>
        %add3A_530 = arith.addf %get3A_523, %get3A_529 : vector<16xf32>
        %swap3A_531 = arith.index_cast %scan3A_487 : i32 to index
        %swap3A_532 = arith.constant 32 : index
        %swap3A_533 = tpu.vector_load %arg13[%swap3A_531, %swap3A_532] {strides = array<i32>} : memref<104x64xf32, #tpu.memory_space<vmem>>, vector<1x16xf32>,
        %swap3A_534 = vector.shape_cast %swap3A_533 : vector<1x16xf32> to vector<16xf32>
        %swap3A_535 = vector.shape_cast %add3A_530 : vector<16xf32> to vector<1x16xf32>
        tpu.vector_store %arg13[%swap3A_531, %swap3A_532], %swap3A_535 {strides = array<i32>} : memref<104x64xf32, #tpu.memory_space<vmem>>, vector<1x16xf32>,
        %get3A_536 = arith.index_cast %scan3A_487 : i32 to index
        %get3A_537 = arith.constant 48 : index
        %get3A_538 = tpu.vector_load %arg11[%get3A_536, %get3A_537] {strides = array<i32>} : memref<104x128xf32, #tpu.memory_space<vmem>>, vector<1x16xf32>,
        %get3A_539 = vector.shape_cast %get3A_538 : vector<1x16xf32> to vector<16xf32>
        %add3A_540 = arith.constant 104 : i32
        %add3A_541 = arith.addi %add3A_540, %scan3A_487 : i32
        %get3A_542 = arith.index_cast %add3A_541 : i32 to index
        %get3A_543 = arith.constant 48 : index
        %get3A_544 = tpu.vector_load %arg7[%get3A_542, %get3A_543] {strides = array<i32>} : memref<200x64xf32, #tpu.memory_space<vmem>>, vector<1x16xf32>,
        %get3A_545 = vector.shape_cast %get3A_544 : vector<1x16xf32> to vector<16xf32>
        %add3A_546 = arith.addf %get3A_539, %get3A_545 : vector<16xf32>
        %swap3A_547 = arith.index_cast %scan3A_487 : i32 to index
        %swap3A_548 = arith.constant 48 : index
        %swap3A_549 = tpu.vector_load %arg13[%swap3A_547, %swap3A_548] {strides = array<i32>} : memref<104x64xf32, #tpu.memory_space<vmem>>, vector<1x16xf32>,
        %swap3A_550 = vector.shape_cast %swap3A_549 : vector<1x16xf32> to vector<16xf32>
        %swap3A_551 = vector.shape_cast %add3A_546 : vector<16xf32> to vector<1x16xf32>
        tpu.vector_store %arg13[%swap3A_547, %swap3A_548], %swap3A_551 {strides = array<i32>} : memref<104x64xf32, #tpu.memory_space<vmem>>, vector<1x16xf32>,
        %scan3A_552 = arith.constant 2 : i32
        %scan3A_553 = arith.addi %scan3A_423, %scan3A_552 : i32
        %get3A_554 = arith.index_cast %scan3A_553 : i32 to index
        %get3A_555 = arith.constant 0 : index
        %get3A_556 = tpu.vector_load %arg11[%get3A_554, %get3A_555] {strides = array<i32>} : memref<104x128xf32, #tpu.memory_space<vmem>>, vector<1x16xf32>,
        %get3A_557 = vector.shape_cast %get3A_556 : vector<1x16xf32> to vector<16xf32>
        %add3A_558 = arith.constant 104 : i32
        %add3A_559 = arith.addi %add3A_558, %scan3A_553 : i32
        %get3A_560 = arith.index_cast %add3A_559 : i32 to index
        %get3A_561 = arith.constant 0 : index
        %get3A_562 = tpu.vector_load %arg7[%get3A_560, %get3A_561] {strides = array<i32>} : memref<200x64xf32, #tpu.memory_space<vmem>>, vector<1x16xf32>,
        %get3A_563 = vector.shape_cast %get3A_562 : vector<1x16xf32> to vector<16xf32>
        %add3A_564 = arith.addf %get3A_557, %get3A_563 : vector<16xf32>
        %swap3A_565 = arith.index_cast %scan3A_553 : i32 to index
        %swap3A_566 = arith.constant 0 : index
        %swap3A_567 = tpu.vector_load %arg13[%swap3A_565, %swap3A_566] {strides = array<i32>} : memref<104x64xf32, #tpu.memory_space<vmem>>, vector<1x16xf32>,
        %swap3A_568 = vector.shape_cast %swap3A_567 : vector<1x16xf32> to vector<16xf32>
        %swap3A_569 = vector.shape_cast %add3A_564 : vector<16xf32> to vector<1x16xf32>
        tpu.vector_store %arg13[%swap3A_565, %swap3A_566], %swap3A_569 {strides = array<i32>} : memref<104x64xf32, #tpu.memory_space<vmem>>, vector<1x16xf32>,
        %get3A_570 = arith.index_cast %scan3A_553 : i32 to index
        %get3A_571 = arith.constant 16 : index
        %get3A_572 = tpu.vector_load %arg11[%get3A_570, %get3A_571] {strides = array<i32>} : memref<104x128xf32, #tpu.memory_space<vmem>>, vector<1x16xf32>,
        %get3A_573 = vector.shape_cast %get3A_572 : vector<1x16xf32> to vector<16xf32>
        %add3A_574 = arith.constant 104 : i32
        %add3A_575 = arith.addi %add3A_574, %scan3A_553 : i32
        %get3A_576 = arith.index_cast %add3A_575 : i32 to index
        %get3A_577 = arith.constant 16 : index
        %get3A_578 = tpu.vector_load %arg7[%get3A_576, %get3A_577] {strides = array<i32>} : memref<200x64xf32, #tpu.memory_space<vmem>>, vector<1x16xf32>,
        %get3A_579 = vector.shape_cast %get3A_578 : vector<1x16xf32> to vector<16xf32>
        %add3A_580 = arith.addf %get3A_573, %get3A_579 : vector<16xf32>
        %swap3A_581 = arith.index_cast %scan3A_553 : i32 to index
        %swap3A_582 = arith.constant 16 : index
        %swap3A_583 = tpu.vector_load %arg13[%swap3A_581, %swap3A_582] {strides = array<i32>} : memref<104x64xf32, #tpu.memory_space<vmem>>, vector<1x16xf32>,
        %swap3A_584 = vector.shape_cast %swap3A_583 : vector<1x16xf32> to vector<16xf32>
        %swap3A_585 = vector.shape_cast %add3A_580 : vector<16xf32> to vector<1x16xf32>
        tpu.vector_store %arg13[%swap3A_581, %swap3A_582], %swap3A_585 {strides = array<i32>} : memref<104x64xf32, #tpu.memory_space<vmem>>, vector<1x16xf32>,
        %get3A_586 = arith.index_cast %scan3A_553 : i32 to index
        %get3A_587 = arith.constant 32 : index
        %get3A_588 = tpu.vector_load %arg11[%get3A_586, %get3A_587] {strides = array<i32>} : memref<104x128xf32, #tpu.memory_space<vmem>>, vector<1x16xf32>,
        %get3A_589 = vector.shape_cast %get3A_588 : vector<1x16xf32> to vector<16xf32>
        %add3A_590 = arith.constant 104 : i32
        %add3A_591 = arith.addi %add3A_590, %scan3A_553 : i32
        %get3A_592 = arith.index_cast %add3A_591 : i32 to index
        %get3A_593 = arith.constant 32 : index
        %get3A_594 = tpu.vector_load %arg7[%get3A_592, %get3A_593] {strides = array<i32>} : memref<200x64xf32, #tpu.memory_space<vmem>>, vector<1x16xf32>,
        %get3A_595 = vector.shape_cast %get3A_594 : vector<1x16xf32> to vector<16xf32>
        %add3A_596 = arith.addf %get3A_589, %get3A_595 : vector<16xf32>
        %swap3A_597 = arith.index_cast %scan3A_553 : i32 to index
        %swap3A_598 = arith.constant 32 : index
        %swap3A_599 = tpu.vector_load %arg13[%swap3A_597, %swap3A_598] {strides = array<i32>} : memref<104x64xf32, #tpu.memory_space<vmem>>, vector<1x16xf32>,
        %swap3A_600 = vector.shape_cast %swap3A_599 : vector<1x16xf32> to vector<16xf32>
        %swap3A_601 = vector.shape_cast %add3A_596 : vector<16xf32> to vector<1x16xf32>
        tpu.vector_store %arg13[%swap3A_597, %swap3A_598], %swap3A_601 {strides = array<i32>} : memref<104x64xf32, #tpu.memory_space<vmem>>, vector<1x16xf32>,
        %get3A_602 = arith.index_cast %scan3A_553 : i32 to index
        %get3A_603 = arith.constant 48 : index
        %get3A_604 = tpu.vector_load %arg11[%get3A_602, %get3A_603] {strides = array<i32>} : memref<104x128xf32, #tpu.memory_space<vmem>>, vector<1x16xf32>,
        %get3A_605 = vector.shape_cast %get3A_604 : vector<1x16xf32> to vector<16xf32>
        %add3A_606 = arith.constant 104 : i32
        %add3A_607 = arith.addi %add3A_606, %scan3A_553 : i32
        %get3A_608 = arith.index_cast %add3A_607 : i32 to index
        %get3A_609 = arith.constant 48 : index
        %get3A_610 = tpu.vector_load %arg7[%get3A_608, %get3A_609] {strides = array<i32>} : memref<200x64xf32, #tpu.memory_space<vmem>>, vector<1x16xf32>,
        %get3A_611 = vector.shape_cast %get3A_610 : vector<1x16xf32> to vector<16xf32>
        %add3A_612 = arith.addf %get3A_605, %get3A_611 : vector<16xf32>
        %swap3A_613 = arith.index_cast %scan3A_553 : i32 to index
        %swap3A_614 = arith.constant 48 : index
        %swap3A_615 = tpu.vector_load %arg13[%swap3A_613, %swap3A_614] {strides = array<i32>} : memref<104x64xf32, #tpu.memory_space<vmem>>, vector<1x16xf32>,
        %swap3A_616 = vector.shape_cast %swap3A_615 : vector<1x16xf32> to vector<16xf32>
        %swap3A_617 = vector.shape_cast %add3A_612 : vector<16xf32> to vector<1x16xf32>
        tpu.vector_store %arg13[%swap3A_613, %swap3A_614], %swap3A_617 {strides = array<i32>} : memref<104x64xf32, #tpu.memory_space<vmem>>, vector<1x16xf32>,
        %scan3A_618 = arith.constant 3 : i32
        %scan3A_619 = arith.addi %scan3A_423, %scan3A_618 : i32
        %get3A_620 = arith.index_cast %scan3A_619 : i32 to index
        %get3A_621 = arith.constant 0 : index
        %get3A_622 = tpu.vector_load %arg11[%get3A_620, %get3A_621] {strides = array<i32>} : memref<104x128xf32, #tpu.memory_space<vmem>>, vector<1x16xf32>,
        %get3A_623 = vector.shape_cast %get3A_622 : vector<1x16xf32> to vector<16xf32>
        %add3A_624 = arith.constant 104 : i32
        %add3A_625 = arith.addi %add3A_624, %scan3A_619 : i32
        %get3A_626 = arith.index_cast %add3A_625 : i32 to index
        %get3A_627 = arith.constant 0 : index
        %get3A_628 = tpu.vector_load %arg7[%get3A_626, %get3A_627] {strides = array<i32>} : memref<200x64xf32, #tpu.memory_space<vmem>>, vector<1x16xf32>,
        %get3A_629 = vector.shape_cast %get3A_628 : vector<1x16xf32> to vector<16xf32>
        %add3A_630 = arith.addf %get3A_623, %get3A_629 : vector<16xf32>
        %swap3A_631 = arith.index_cast %scan3A_619 : i32 to index
        %swap3A_632 = arith.constant 0 : index
        %swap3A_633 = tpu.vector_load %arg13[%swap3A_631, %swap3A_632] {strides = array<i32>} : memref<104x64xf32, #tpu.memory_space<vmem>>, vector<1x16xf32>,
        %swap3A_634 = vector.shape_cast %swap3A_633 : vector<1x16xf32> to vector<16xf32>
        %swap3A_635 = vector.shape_cast %add3A_630 : vector<16xf32> to vector<1x16xf32>
        tpu.vector_store %arg13[%swap3A_631, %swap3A_632], %swap3A_635 {strides = array<i32>} : memref<104x64xf32, #tpu.memory_space<vmem>>, vector<1x16xf32>,
        %get3A_636 = arith.index_cast %scan3A_619 : i32 to index
        %get3A_637 = arith.constant 16 : index
        %get3A_638 = tpu.vector_load %arg11[%get3A_636, %get3A_637] {strides = array<i32>} : memref<104x128xf32, #tpu.memory_space<vmem>>, vector<1x16xf32>,
        %get3A_639 = vector.shape_cast %get3A_638 : vector<1x16xf32> to vector<16xf32>
        %add3A_640 = arith.constant 104 : i32
        %add3A_641 = arith.addi %add3A_640, %scan3A_619 : i32
        %get3A_642 = arith.index_cast %add3A_641 : i32 to index
        %get3A_643 = arith.constant 16 : index
        %get3A_644 = tpu.vector_load %arg7[%get3A_642, %get3A_643] {strides = array<i32>} : memref<200x64xf32, #tpu.memory_space<vmem>>, vector<1x16xf32>,
        %get3A_645 = vector.shape_cast %get3A_644 : vector<1x16xf32> to vector<16xf32>
        %add3A_646 = arith.addf %get3A_639, %get3A_645 : vector<16xf32>
        %swap3A_647 = arith.index_cast %scan3A_619 : i32 to index
        %swap3A_648 = arith.constant 16 : index
        %swap3A_649 = tpu.vector_load %arg13[%swap3A_647, %swap3A_648] {strides = array<i32>} : memref<104x64xf32, #tpu.memory_space<vmem>>, vector<1x16xf32>,
        %swap3A_650 = vector.shape_cast %swap3A_649 : vector<1x16xf32> to vector<16xf32>
        %swap3A_651 = vector.shape_cast %add3A_646 : vector<16xf32> to vector<1x16xf32>
        tpu.vector_store %arg13[%swap3A_647, %swap3A_648], %swap3A_651 {strides = array<i32>} : memref<104x64xf32, #tpu.memory_space<vmem>>, vector<1x16xf32>,
        %get3A_652 = arith.index_cast %scan3A_619 : i32 to index
        %get3A_653 = arith.constant 32 : index
        %get3A_654 = tpu.vector_load %arg11[%get3A_652, %get3A_653] {strides = array<i32>} : memref<104x128xf32, #tpu.memory_space<vmem>>, vector<1x16xf32>,
        %get3A_655 = vector.shape_cast %get3A_654 : vector<1x16xf32> to vector<16xf32>
        %add3A_656 = arith.constant 104 : i32
        %add3A_657 = arith.addi %add3A_656, %scan3A_619 : i32
        %get3A_658 = arith.index_cast %add3A_657 : i32 to index
        %get3A_659 = arith.constant 32 : index
        %get3A_660 = tpu.vector_load %arg7[%get3A_658, %get3A_659] {strides = array<i32>} : memref<200x64xf32, #tpu.memory_space<vmem>>, vector<1x16xf32>,
        %get3A_661 = vector.shape_cast %get3A_660 : vector<1x16xf32> to vector<16xf32>
        %add3A_662 = arith.addf %get3A_655, %get3A_661 : vector<16xf32>
        %swap3A_663 = arith.index_cast %scan3A_619 : i32 to index
        %swap3A_664 = arith.constant 32 : index
        %swap3A_665 = tpu.vector_load %arg13[%swap3A_663, %swap3A_664] {strides = array<i32>} : memref<104x64xf32, #tpu.memory_space<vmem>>, vector<1x16xf32>,
        %swap3A_666 = vector.shape_cast %swap3A_665 : vector<1x16xf32> to vector<16xf32>
        %swap3A_667 = vector.shape_cast %add3A_662 : vector<16xf32> to vector<1x16xf32>
        tpu.vector_store %arg13[%swap3A_663, %swap3A_664], %swap3A_667 {strides = array<i32>} : memref<104x64xf32, #tpu.memory_space<vmem>>, vector<1x16xf32>,
        %get3A_668 = arith.index_cast %scan3A_619 : i32 to index
        %get3A_669 = arith.constant 48 : index
        %get3A_670 = tpu.vector_load %arg11[%get3A_668, %get3A_669] {strides = array<i32>} : memref<104x128xf32, #tpu.memory_space<vmem>>, vector<1x16xf32>,
        %get3A_671 = vector.shape_cast %get3A_670 : vector<1x16xf32> to vector<16xf32>
        %add3A_672 = arith.constant 104 : i32
        %add3A_673 = arith.addi %add3A_672, %scan3A_619 : i32
        %get3A_674 = arith.index_cast %add3A_673 : i32 to index
        %get3A_675 = arith.constant 48 : index
        %get3A_676 = tpu.vector_load %arg7[%get3A_674, %get3A_675] {strides = array<i32>} : memref<200x64xf32, #tpu.memory_space<vmem>>, vector<1x16xf32>,
        %get3A_677 = vector.shape_cast %get3A_676 : vector<1x16xf32> to vector<16xf32>
        %add3A_678 = arith.addf %get3A_671, %get3A_677 : vector<16xf32>
        %swap3A_679 = arith.index_cast %scan3A_619 : i32 to index
        %swap3A_680 = arith.constant 48 : index
        %swap3A_681 = tpu.vector_load %arg13[%swap3A_679, %swap3A_680] {strides = array<i32>} : memref<104x64xf32, #tpu.memory_space<vmem>>, vector<1x16xf32>,
        %swap3A_682 = vector.shape_cast %swap3A_681 : vector<1x16xf32> to vector<16xf32>
        %swap3A_683 = vector.shape_cast %add3A_678 : vector<16xf32> to vector<1x16xf32>
        tpu.vector_store %arg13[%swap3A_679, %swap3A_680], %swap3A_683 {strides = array<i32>} : memref<104x64xf32, #tpu.memory_space<vmem>>, vector<1x16xf32>,
      }
      %scan3A_383 = arith.constant 96 : i32
      %jit3A_384 = arith.constant 2 : i32
      %div3A_385 = arith.divsi %add3A_330, %jit3A_384 : i32
      %sign3A_386 = arith.constant 0 : i32
      %sign3A_387 = arith.cmpi sgt, %add3A_330, %sign3A_386 : i32
      %sign3A_388 = arith.extui %sign3A_387 : i1 to i32
      %sign3A_389 = arith.constant 0 : i32
      %sign3A_390 = arith.cmpi slt, %add3A_330, %sign3A_389 : i32
      %sign3A_391 = arith.extui %sign3A_390 : i1 to i32
      %sign3A_392 = arith.subi %sign3A_388, %sign3A_391 : i32
      %sign3A_393 = arith.constant 0 : i32
      %sign3A_394 = arith.cmpi sgt, %jit3A_384, %sign3A_393 : i32
      %sign3A_395 = arith.extui %sign3A_394 : i1 to i32
      %sign3A_396 = arith.constant 0 : i32
      %sign3A_397 = arith.cmpi slt, %jit3A_384, %sign3A_396 : i32
      %sign3A_398 = arith.extui %sign3A_397 : i1 to i32
      %sign3A_399 = arith.subi %sign3A_395, %sign3A_398 : i32
      %ne3A_400 = arith.cmpi ne, %sign3A_392, %sign3A_399 : i32
      %rem3A_401 = arith.remsi %add3A_330, %jit3A_384 : i32
      %ne3A_402 = arith.constant 0 : i32
      %ne3A_403 = arith.cmpi ne, %rem3A_401, %ne3A_402 : i32
      %and3A_404 = arith.andi %ne3A_400, %ne3A_403 : i1
      %sub3A_405 = arith.constant 1 : i32
      %sub3A_406 = arith.subi %div3A_385, %sub3A_405 : i32
      %select_n3A_407 = arith.select %and3A_404, %sub3A_406, %div3A_385 : i32
      %mul3A_408 = arith.constant 200 : i32
      %mul3A_409 = arith.muli %select_n3A_407, %mul3A_408 : i32
      %add3A_410 = arith.addi %mul3A_2, %mul3A_409 : i32
      %add3A_411 = arith.constant 104 : i32
      %add3A_412 = arith.addi %add3A_410, %add3A_411 : i32
      %dma_start3A_413 = arith.constant 0 : i32
      %dma_start3A_414 = arith.constant 0 : i32
      %dma_start3A_415 = tpu.memref_slice %arg13[%dma_start3A_413, %dma_start3A_414] : memref<104x64xf32, #tpu.memory_space<vmem>> -> memref<96x64xf32, #tpu.memory_space<vmem>>
      %dma_start3A_416 = arith.constant 0 : i32
      %dma_start3A_417 = tpu.memref_slice %arg5[%add3A_412, %dma_start3A_416] : memref<204800x64xf32, #tpu.memory_space<hbm>> -> memref<96x64xf32, #tpu.memory_space<hbm>>
      %dma_start3A_418 = arith.constant 0 : i32
      %dma_start3A_419 = tpu.memref_slice %arg5[%add3A_412, %dma_start3A_418] : memref<204800x64xf32, #tpu.memory_space<hbm>> -> memref<96x64xf32, #tpu.memory_space<hbm>>
      %dma_start3A_420 = arith.constant 0 : i32
      %dma_start3A_421 = arith.constant 0 : i32
      %dma_start3A_422 = tpu.memref_slice %arg13[%dma_start3A_420, %dma_start3A_421] : memref<104x64xf32, #tpu.memory_space<vmem>> -> memref<96x64xf32, #tpu.memory_space<vmem>>
      tpu.enqueue_dma source(%dma_start3A_422 : memref<96x64xf32, #tpu.memory_space<vmem>>) target(%dma_start3A_419 : memref<96x64xf32, #tpu.memory_space<hbm>>) target_semaphore(%arg19 : memref<!tpu.dma_semaphore, #tpu.memory_space<semaphore_mem>>)
    }
    %scan3A_22 = arith.constant 16 : i32
    %add3A_23 = arith.constant 6200 : i32
    %add3A_24 = arith.addi %mul3A_2, %add3A_23 : i32
    %add3A_25 = arith.constant 0 : i32
    %add3A_26 = arith.addi %add3A_24, %add3A_25 : i32
    %dma_wait3A = arith.constant 0 : i32
    %dma_wait3A_27 = arith.constant 0 : i32
    %dma_wait3A_28 = tpu.memref_slice %arg12[%dma_wait3A, %dma_wait3A_27] : memref<104x64xf32, #tpu.memory_space<vmem>> -> memref<104x64xf32, #tpu.memory_space<vmem>>
    %dma_wait3A_29 = arith.constant 0 : i32
    %dma_wait3A_30 = tpu.memref_slice %arg5[%add3A_26, %dma_wait3A_29] : memref<204800x64xf32, #tpu.memory_space<hbm>> -> memref<104x64xf32, #tpu.memory_space<hbm>>
    %dma_wait3A_31 = arith.constant 0 : i32
    %dma_wait3A_32 = tpu.memref_slice %arg5[%add3A_26, %dma_wait3A_31] : memref<204800x64xf32, #tpu.memory_space<hbm>> -> memref<104x64xf32, #tpu.memory_space<hbm>>
    %dma_wait3A_33 = arith.constant 0 : i32
    %dma_wait3A_34 = arith.constant 0 : i32
    %dma_wait3A_35 = tpu.memref_slice %arg12[%dma_wait3A_33, %dma_wait3A_34] : memref<104x64xf32, #tpu.memory_space<vmem>> -> memref<104x64xf32, #tpu.memory_space<vmem>>
    tpu.wait_dma2 semaphore(%arg18 : memref<!tpu.dma_semaphore, #tpu.memory_space<semaphore_mem>>) src(%dma_wait3A_35 : memref<104x64xf32, #tpu.memory_space<vmem>>) dst(%dma_wait3A_32 : memref<104x64xf32, #tpu.memory_space<hbm>>)
    %add3A_36 = arith.constant 6200 : i32
    %add3A_37 = arith.addi %mul3A_2, %add3A_36 : i32
    %add3A_38 = arith.constant 104 : i32
    %add3A_39 = arith.addi %add3A_37, %add3A_38 : i32
    %dma_wait3A_40 = arith.constant 0 : i32
    %dma_wait3A_41 = arith.constant 0 : i32
    %dma_wait3A_42 = tpu.memref_slice %arg13[%dma_wait3A_40, %dma_wait3A_41] : memref<104x64xf32, #tpu.memory_space<vmem>> -> memref<96x64xf32, #tpu.memory_space<vmem>>
    %dma_wait3A_43 = arith.constant 0 : i32
    %dma_wait3A_44 = tpu.memref_slice %arg5[%add3A_39, %dma_wait3A_43] : memref<204800x64xf32, #tpu.memory_space<hbm>> -> memref<96x64xf32, #tpu.memory_space<hbm>>
    %dma_wait3A_45 = arith.constant 0 : i32
    %dma_wait3A_46 = tpu.memref_slice %arg5[%add3A_39, %dma_wait3A_45] : memref<204800x64xf32, #tpu.memory_space<hbm>> -> memref<96x64xf32, #tpu.memory_space<hbm>>
    %dma_wait3A_47 = arith.constant 0 : i32
    %dma_wait3A_48 = arith.constant 0 : i32
    %dma_wait3A_49 = tpu.memref_slice %arg13[%dma_wait3A_47, %dma_wait3A_48] : memref<104x64xf32, #tpu.memory_space<vmem>> -> memref<96x64xf32, #tpu.memory_space<vmem>>
    tpu.wait_dma2 semaphore(%arg19 : memref<!tpu.dma_semaphore, #tpu.memory_space<semaphore_mem>>) src(%dma_wait3A_49 : memref<96x64xf32, #tpu.memory_space<vmem>>) dst(%dma_wait3A_46 : memref<96x64xf32, #tpu.memory_space<hbm>>)
    return
  }
}

module attributes {stable_mosaic.version = 14 : i64} {
  func.func @_transpose_body(%arg0: i32, %arg1: memref<64x2048xf32, #tpu.memory_space<vmem>>, %arg2: memref<2048x128xf32, #tpu.memory_space<vmem>>) attributes {dimension_semantics = [#tpu.dimension_semantics<arbitrary>], iteration_bounds = array<i64: 489>, scalar_prefetch = 0 : i64, scratch_operands = 0 : i64, tpu.core_type = #tpu.core_type<tc>, window_params = [{transform_indices = @transform_0, window_bounds = array<i64: 64, 2048>}, {transform_indices = @transform_1, window_bounds = array<i64: 2048, 128>}]} {
    %iota3A = tpu.iota {dimensions = array<i32: 0>} : vector<64x128xi32>
    %iota3A_0 = tpu.iota {dimensions = array<i32: 1>} : vector<64x128xi32>
    %eq3A = arith.cmpi eq, %iota3A, %iota3A_0 : vector<64x128xi32>
    %jit3A = arith.constant 1.000000e+00 : f32
    %jit3A_1 = arith.constant 0.000000e+00 : f32
    %broadcast_in_dim3A = vector.broadcast %jit3A : f32 to vector<64x128xf32>
    %broadcast_in_dim3A_2 = vector.broadcast %jit3A_1 : f32 to vector<64x128xf32>
    %select_n3A = arith.select %eq3A, %broadcast_in_dim3A, %broadcast_in_dim3A_2 : vector<64x128xi1>, vector<64x128xf32>
    %get3A = arith.constant 0 : index
    %get3A_3 = arith.constant 0 : index
    %get3A_4 = vector.load %arg1[%get3A, %get3A_3] : memref<64x2048xf32, #tpu.memory_space<vmem>>, vector<64x2048xf32>
    %dot_general3A = arith.constant dense<0.000000e+00> : vector<2048x128xf32>
    %dot_general3A_5 = tpu.matmul %get3A_4, %select_n3A, %dot_general3A {dimension_numbers = #tpu.dot_dimension_numbers<[0], [0], [1], [1], [0, 1, 1, 1], [], []>, precision = #tpu.contract_precision<fp32>, transpose_lhs_hint = false} : vector<64x2048xf32>, vector<64x128xf32>, vector<2048x128xf32> -> vector<2048x128xf32>
    %swap3A = arith.constant 0 : index
    %swap3A_6 = arith.constant 0 : index
    %swap3A_7 = vector.load %arg2[%swap3A, %swap3A_6] : memref<2048x128xf32, #tpu.memory_space<vmem>>, vector<2048x128xf32>
    tpu.vector_store %arg2[%swap3A, %swap3A_6], %dot_general3A_5 {strides = array<i32>} : memref<2048x128xf32, #tpu.memory_space<vmem>>, vector<2048x128xf32>,
    return
  }
  func.func @transform_0(%arg0: i32) -> (i32, i32) {
    %c0_i32 = arith.constant 0 : i32
    %c0_i32_0 = arith.constant 0 : i32
    return %c0_i32, %arg0 : i32, i32
  }
  func.func @transform_1(%arg0: i32) -> (i32, i32) {
    %c0_i32 = arith.constant 0 : i32
    %c0_i32_0 = arith.constant 0 : i32
    return %arg0, %c0_i32 : i32, i32
  }
}

</mosaic_0001>

<sc_bundles>
// kernel: kernel.4.cloned.1.call-start
scs
__scs_entry_jumppad:
0x0: {  	(pc) =	sbr.rel $0x88, $3  }
0x1: {  	(tag) =	ssettag $0x0;
	lr =	simm.s32 $0x1  }
0x2: {  	[smem:$0x3F9F] =	sst lr;
	_ =	strace $0xD0000000  }
0x3: {  	_ = 	snop  }
0x4: {  	_ = 	snop  }
0x5: {  	_ = 	snop  }
0x6: {  	_ = 	snop  }
0x7: {  	_ = 	snop  }
__scs_overlays_trampoline_lowered:
0x8: {  	[smem:$0x3FAE] =	sst s0  }
0x9: {  	[smem:$0x3FAF] =	sst s1  }
0xa: {  	[smem:$0x3FB0] =	sst s2  }
0xb: {  	[smem:$0x3FB1] =	sst s3  }
0xc: {  	[smem:$0x3FB2] =	sst s4  }
0xd: {  	[smem:$0x3FB3] =	sst s5  }
0xe: {  	[smem:$0x3FB4] =	sst s6  }
0xf: {  	[smem:$0x3FB5] =	sst s7  }
0x10: {  	[smem:$0x3FB6] =	sst s8  }
0x11: {  	[smem:$0x3FB7] =	sst s9;
	s0 =	simm.s32 @!p0 $0x0  }
0x12: {  	s1 =	sld [smem:$0x3F9D];
	s0 =	simm.s32 @p0 $0x1  }
0x13: {  	[smem:$0x3FB8] =	sst s0;
	s0 =	simm.s32 @!p1 $0x0  }
0x14: {  	s2 =	sld [smem:$0x3F9C];
	s0 =	simm.s32 @p1 $0x1  }
0x15: {  	[smem:$0x3FB9] =	sst s0;
	s0 =	simm.s32 @!p2 $0x0  }
0x16: {  	s3 =	sld [smem:$0x3FDB];
	s0 =	simm.s32 @p2 $0x1  }
0x17: {  	s4 =	simm.s32 $0x1BF5;
	[smem:$0x3FBB] =	sst s0  }
0x18: {  	s0 =	sld [smem:$0x3F9E];
	_ =	swait.ge [sflag:s4], $0x0  }
0x19: {  	s7 =	sld [smem:$0x3F9F]  }
0x1a: {  	s8 =	sadd.s32 $0xFFFFE003, lr  }
0x1b: {  	s9 =	sadd.s32 $0xFFFFFEF7, lr;
	s5 =	simm.s32 $0xFFFFFFFF;
	p2 =	slt.u32 s8, $0xFFFFF086  }
0x1c: {  	p1 =	slt.u32 s9, $0xF7A;
	s5 =	simm.s32 @!p2 $0x0  }
0x1d: {  	s5 =	simm.s32 @p1 $0x1;
	p0 =	seq.s32 s7, s2  }
0x1e: {  	s7 =	smul.u32 @!p0 $0xF7A, s2;
	p2 =	seq.s32 @!p0 s5, $0x0  }
0x1f: {  	s9 =	smul.u32 $0xF7A, s1;
	s8 =	simm.s32 @!p0 $0x1BF5;
	p2 =	por !p2, p0  }
0x20: {  	[sflag:s8] =	ssyncset.s32 @!p0 $0xFFFFF086;
	s6 =	sadd.s32 @!p0 s3, s7;
	s7 =	simm.s32 @!p0 $0x108  }
0x21: {  	s3 =	sadd.s32 s3, s9;
	s6 =	sadd.s32 @!p0 $0x88, s6;
	s7 =	simm.s32 @p2 $0x1082  }
0x22: {  	[simem:s7], [sflag:s8] =	dma.local @!p0 [hbm:s6], $0xF7A  }
0x23: {  	s9 =	sor.u32 $0xD0000000, s2;
	s6 =	simm.s32 $0x108;
	_ =	swait.ge @!p0 [sflag:s8], $0x0  }
0x24: {  	s3 =	sadd.s32 $0x88, s3;
	s6 =	simm.s32 @!p1 $0x1082;
	[sflag:s4] =	ssyncset.s32 $0xFFFFF086  }
0x25: {  	[simem:s6], [sflag:s4] =	dma.local [hbm:s3], $0xF7A  }
0x26: {  	[smem:$0x3F9F] =	sst s1;
	(tag) =	ssettag s2;
	_ =	strace s9  }
0x27: {  	s1 =	sld [smem:$0x3FAF]  }
0x28: {  	s2 =	sld [smem:$0x3FB0]  }
0x29: {  	s4 =	sld [smem:$0x3FB2]  }
0x2a: {  	p0 =	seq.s32 s5, $0x0;
	s5 =	sld [smem:$0x3FB3]  }
0x2b: {  	s6 =	sld [smem:$0x3FB4]  }
0x2c: {  	s7 =	sld [smem:$0x3FB5]  }
0x2d: {  	s3 =	simm.s32 $0x108;
	s8 =	sld [smem:$0x3FB6]  }
0x2e: {  	s3 =	simm.s32 @!p0 $0x1082;
	s9 =	sld [smem:$0x3FB7]  }
0x2f: {  	lr =	sadd.s32 s0, s3;
	s0 =	sld [smem:$0x3FAE]  }
0x30: {  	s3 =	sld [smem:$0x3FB1]  }
0x31: {  	[smem:$0x3FBA] =	sst s10  }
0x32: {  	s10 =	sld [smem:$0x3FB8];
	_ =	sdelay $0x3  }
0x33: {  	p0 =	seq.s32 s10, $0x1;
	s10 =	sld [smem:$0x3FBA];
	_ =	sdelay $0x3  }
0x34: {  	[smem:$0x3FBA] =	sst s10  }
0x35: {  	s10 =	sld [smem:$0x3FB9];
	_ =	sdelay $0x3  }
0x36: {  	p1 =	seq.s32 s10, $0x1;
	s10 =	sld [smem:$0x3FBA];
	_ =	sdelay $0x3  }
0x37: {  	[smem:$0x3FBA] =	sst s10  }
0x38: {  	s10 =	sld [smem:$0x3FBB]  }
0x39: {  	_ = 	snop;
	(pc) =	sbr.ind lr, $3  }
0x3a: {  	_ = 	snop  }
0x3b: {  	_ = 	snop  }
0x3c: {  	p2 =	seq.s32 s10, $0x1;
	s10 =	sld [smem:$0x3FBA]  }
0x3d: {  	_ =	shalt  }
0x3e: {  	_ =	shalt  }
0x3f: {  	_ =	shalt  }
0x40: {  	_ =	shalt  }
0x41: {  	_ =	shalt  }
0x42: {  	_ =	shalt  }
0x43: {  	_ =	shalt  }
0x44: {  	_ =	shalt  }
0x45: {  	_ =	shalt  }
0x46: {  	_ =	shalt  }
0x47: {  	_ =	shalt  }
0x48: {  	_ =	shalt  }
0x49: {  	_ =	shalt  }
0x4a: {  	_ =	shalt  }
0x4b: {  	_ =	shalt  }
0x4c: {  	_ =	shalt  }
0x4d: {  	_ =	shalt  }
0x4e: {  	_ =	shalt  }
0x4f: {  	_ =	shalt  }
0x50: {  	_ =	shalt  }
0x51: {  	_ =	shalt  }
0x52: {  	_ =	shalt  }
0x53: {  	_ =	shalt  }
0x54: {  	_ =	shalt  }
0x55: {  	_ =	shalt  }
0x56: {  	_ =	shalt  }
0x57: {  	_ =	shalt  }
0x58: {  	_ =	shalt  }
0x59: {  	_ =	shalt  }
0x5a: {  	_ =	shalt  }
0x5b: {  	_ =	shalt  }
0x5c: {  	_ =	shalt  }
0x5d: {  	_ =	shalt  }
0x5e: {  	_ =	shalt  }
0x5f: {  	_ =	shalt  }
0x60: {  	_ =	shalt  }
0x61: {  	_ =	shalt  }
0x62: {  	_ =	shalt  }
0x63: {  	_ =	shalt  }
0x64: {  	_ =	shalt  }
0x65: {  	_ =	shalt  }
0x66: {  	_ =	shalt  }
0x67: {  	_ =	shalt  }
0x68: {  	_ =	shalt  }
0x69: {  	_ =	shalt  }
0x6a: {  	_ =	shalt  }
0x6b: {  	_ =	shalt  }
0x6c: {  	_ =	shalt  }
0x6d: {  	_ =	shalt  }
0x6e: {  	_ =	shalt  }
0x6f: {  	_ =	shalt  }
0x70: {  	_ =	shalt  }
0x71: {  	_ =	shalt  }
0x72: {  	_ =	shalt  }
0x73: {  	_ =	shalt  }
0x74: {  	_ =	shalt  }
0x75: {  	_ =	shalt  }
0x76: {  	_ =	shalt  }
0x77: {  	_ =	shalt  }
0x78: {  	_ =	shalt  }
0x79: {  	_ =	shalt  }
0x7a: {  	_ =	shalt  }
0x7b: {  	_ =	shalt  }
0x7c: {  	_ =	shalt  }
0x7d: {  	_ =	shalt  }
0x7e: {  	_ =	shalt  }
0x7f: {  	_ =	shalt  }
0x80: {  	_ =	shalt  }
0x81: {  	_ =	shalt  }
0x82: {  	_ =	shalt  }
0x83: {  	_ =	shalt  }
0x84: {  	_ =	shalt  }
0x85: {  	_ =	shalt  }
0x86: {  	_ =	shalt  }
0x87: {  	_ =	shalt  }
.Lfunc_end0:
.L_simem_size_0:
called_computation.1_lowered:
.L_overlay_start_0:
0x88: {  	s2 =	sld [smem:$0x3FD9]  }
0x89: {  	s3 =	sld [smem:$0x3FFE];
	_ =	sdelay $0x1  }
0x8a: {  	s1 =	srdreg.scid  }
0x8b: {  	s0 =	sand.u32 $0x1, s1  }
0x8c: {  	s17 =	sshll.u32 s0, $0xA;
	s2 =	sadd.s32 s3, s2  }
0x8d: {  	s2 =	sadd.s32 s2, s17  }
0x8e: {  	[smem:$0x3FC6] =	sst s2  }
0x8f: {  	_ = 	snop  }
0x90: {  	s2 =	sld [smem:$0x3FD0];
	(tm) =	ssettm $0x1  }
0x91: {  	s18 =	sld [smem:$0x3FFB];
	_ =	sdelay $0x3  }
0x92: {  	_ =	strace s18  }
0x93: {  	s3 =	sld [smem:$0x3FFC];
	_ =	sdelay $0x3  }
0x94: {  	_ =	strace s3  }
0x95: {  	s3 =	sld [smem:$0x3FFD];
	_ =	sdelay $0x3  }
0x96: {  	_ =	strace s3  }
0x97: {  	_ =	strace $0x8FFFFFFF  }
0x98: {  	s19 =	sld [smem:$0x3FDB];
	_ =	sdelay $0x1  }
0x99: {  	s4 =	simm.s32 $_scs_section_size  }
0x9a: {  	s5 =	simm.s32 $_size__tile_overlayer_lowered;
	s6 =	simm.s32 $_tile_overlayer_lowered  }
0x9b: {  	s22 =	simm.s32 $0x1BFF;
	s21 =	sshll.u32 s6, $0x1;
	s3 =	sadd.s32 s4, s19  }
0x9c: {  	s7 =	simm.s32 $0x0;
	s20 =	sshll.u32 s5, $0x1;
	s5 =	sadd.s32 s21, s3  }
0x9d: {  	[timem:s7], [sflag:s22] =	dma.local [hbm:s5], s20  }
0x9e: {  	_ =	swait.ge [sflag:s22], s20  }
0x9f: {  	s4 =	ssub.s32 $0x0, s20;
	[sflag:s22] =	ssyncset.done $0x0  }
0xa0: {  	[sflag:s22] =	ssyncadd.s32 s4;
	_ =	sdelay $0x1  }
0xa1: {  	s23 =	simm.s32 $0x1B8B  }
0xa2: {  	_ =	swait.ge [sflag:s23], $0x1  }
0xa3: {  	[sflag:s23] =	ssyncset.done $0x0  }
0xa4: {  	s25 =	simm.s32 $0x1B8E;
	s24 =	sld [smem:$0x3FFE];
	[sflag:s23] =	ssyncadd.s32 $0xFFFFFFFF  }
0xa5: {  	s26 =	simm.s32 $execute0_lowered;
	[smem:$0x3FD2] =	sst s25  }
0xa6: {  	s5 =	sshll.u32 s26, $0x1;
	_ =	strace $0x80000046;
	[dreg:$0x1] =	wrdreg $0xFFFFFFFF  }
0xa7: {  	s28 =	simm.s32 $_size_execute0_lowered;
	s3 =	sadd.s32 s3, s5;
	[dreg:$0x0] =	wrdreg $0x0  }
0xa8: {  	s5 =	sshll.u32 s28, $0x1;
	[dreg:$0x2] =	wrdreg s3  }
0xa9: {  	[dreg:$0x3] =	wrdreg s5  }
0xaa: {  	[dreg:$0x4] =	wrdreg $0xC0  }
0xab: {  	_ =	task [dreg:s7], $0x5FFFF  }
0xac: {  	[dreg:$0x1] =	wrdreg $0xFFFFFFFF  }
0xad: {  	[dreg:$0x0] =	wrdreg $0x60  }
0xae: {  	[dreg:$0x2] =	wrdreg s2  }
0xaf: {  	[dreg:$0x3] =	wrdreg s24  }
0xb0: {  	[dreg:$0x4] =	wrdreg $0x9  }
0xb1: {  	_ =	task.clear_ibuf [dreg:s7], $0x5FFFF;
	_ =	strace $0x90000046  }
0xb2: {  	s29 =	simm.s32 $0x9;
	_ =	strace $0x80000048  }
0xb3: {  	_ =	swait.ge [sflag:s29], $0x1  }
0xb4: {  	[sflag:s29] =	ssyncadd.s32 $0xFFFFFFFF  }
0xb5: {  	_ =	strace $0x90000048  }
0xb6: {  	_ =	sfence  }
0xb7: {  	s30 =	sld [smem:$0x0];
	_ =	sdelay $0x2  }
0xb8: {  	s31 =	sshll.u32 s1, $0xD;
	s1 =	sshrl.u32 s1, $0x2  }
0xb9: {  	s3 =	sand.u32 $0x4000, s31;
	s1 =	sadd.s32 s1, s30  }
0xba: {  	s0 =	sor.u32 s3, s0;
	s1 =	sshll.u32 s1, $0x11  }
0xbb: {  	s0 =	sor.u32 s1, s0  }
0xbc: {  	s0 =	sadd.s32 $0x8F2B, s0  }
0xbd: {  	[sflag:s0] =	ssyncadd.remote.s32 $0x1  }
0xbe: {  	_ =	sfence.sel $0xFFFF  }
0xbf: {  	[dreg:$0x0] =	wrdreg $0xFFFFFFFF;
	(pc) =	sbr.abs _section_cstart, $3  }
0xc0: {  	[dreg:$0x1] =	wrdreg $0xFFFFFFFF  }
0xc1: {  	_ =	task.clear_ibuf [dreg:s7], $0x2FFFF;
	_ =	strace $0x9FFFFFFF  }
0xc2: {  	(tm) =	ssettm $0x7FFFFFFF  }
0xc3: {  	_ =	shalt  }
tec
execute0_lowered:
.L_overlay_start_1:
0x0: {  	(tag) =	ssettag $0x1  }
0x1: {  	s0 =	rddreg [dreg:$0x0]  }
0x2: {  	s1 =	rddreg [dreg:$0x1]  }
0x3: {  	s3 =	srdreg.scid;
	s4 =	stileid.u32  }
0x4: {  	s2 =	simm.s32 $0x0;
	s10 =	simm.s32 $0x7;
	s12 =	simm.s32 $0x68  }
0x5: {  	s14 =	simm.s32 $0x60;
	s16 =	simm.s32 $0xE500;
	s17 =	simm.s32 $0x1  }
0x6: {  	s18 =	simm.s32 $0x14D00;
	s19 =	simm.s32 $0x11900;
	s20 =	simm.s32 $0x2  }
0x7: {  	s21 =	simm.s32 $0x18100;
	s22 =	simm.s32 $0x3;
	s23 =	simm.s32 $0x5  }
0x8: {  	s24 =	simm.s32 $0x4;
	s5 =	sand.u32 $0x1, s3;
	s31 =	sshll.u32 s4, $0x1  }
0x9: {  	s25 =	simm.s32 $0x6;
	s26 =	simm.s32 $0x0;
	s3 =	sor.u32 s5, s31  }
0xa: {  	[smem:$0x7FF] =	sst s2;
	s4 =	sadd.s32 $0x1000, s1;
	s3 =	smul.u32 $0x1900, s3  }
0xb: {  	s6 =	sadd.s32 $0x200, s1;
	_ =	strace $0x80000047;
	s5 =	ssub.s32 $0x2, s5  }
0xc: {  	[dreg:$0x3] =	wrdreg s6;
	s7 =	sshrl.u32 s5, $0x1;
	s8 =	sshrl.u32 s3, $0x3  }
0xd: {  	s6 =	sadd.s32 $0xF43400, s1;
	s5 =	ssub.s32 s5, s7;
	s0 =	sadd.s32 s0, s8  }
0xe: {  	s9 =	smax.u32 s5, $0x1;
	s8 =	sadd.s32 $0xF43A80, s1;
	[dreg:$0x4] =	wrdreg s0  }
.LBB2_1:
0xf: {  	s0 =	rddreg [dreg:$0x4]  }
0x10: {  	[tilespmem:s2], [sflag:$0x7] =	stream.linear.gather [hbm4b:s0+s2], $0x1900, $0x38;
	[tilespmem:$0x1B500] =	vst v63  }
0x11: {  	_ =	swait.ge [sflag:s10], $0x1900  }
0x12: {  	[sflag:s10] =	ssyncset.done $0x0  }
0x13: {  	s1 =	simm.s32 $0x1900;
	s29 =	rddreg [dreg:$0x3];
	[sflag:s10] =	ssyncadd.s32 $0xFFFFE700  }
0x14: {  	[tilespmem:s1], [sflag:$0x7] =	stream.linear.gather [hbm4b:s29+s2], $0x6400, $0x38;
	[tilespmem:$0x1B500] =	vst v63  }
0x15: {  	_ =	swait.ge [sflag:s10], $0x6400  }
0x16: {  	[sflag:s10] =	ssyncset.done $0x0  }
0x17: {  	s30 =	simm.s32 $0x7D00;
	[sflag:s10] =	ssyncadd.s32 $0xFFFF9C00  }
0x18: {  	[tilespmem:s30], [sflag:$0x1] =	stream.indirect.gather [hbm4b:s4+s12], $0x80, s2, s12, $0xb8;
	[tilespmem:$0x1B500] =	vst v63  }
0x19: {  	s31 =	simm.s32 $0xB100;
	s28 =	simm.s32 $0x0  }
0x1a: {  	[tilespmem:s31], [sflag:$0x2] =	stream.indirect.gather [hbm4b:s4+s14], $0x80, s12, s14, $0xb8;
	[tilespmem:$0x1B500] =	vst v63  }
.LBB2_2:
0x1b: {  	s29 =	sshllo.u32 s28, $0x1  }
0x1c: {  	s0 =	smul.u32 $0x320, s29;
	_ =	sdelay $0x1  }
0x1d: {  	s31 =	sshra.s32 s0, $0x2  }
0x1e: {  	[tilespmem:s16], [sflag:$0x3] =	stream.indirect.gather [hbm4b:s4+s12], $0x80, s31, s12, $0xb8;
	[tilespmem:$0x1B500] =	vst v63  }
0x1f: {  	_ =	swait.ge [sflag:s17], $0x3400  }
0x20: {  	p0 =	seq.s32 s28, $0x0;
	[sflag:s17] =	ssyncset.done $0x0  }
0x21: {  	s0 =	simm.s32 @!p0 $0x5;
	[sflag:s17] =	ssyncadd.s32 $0xFFFFCC00  }
0x22: {  	_ =	swait.ge @!p0 [sflag:s0], $0x3400  }
0x23: {  	[sflag:s0] =	ssyncset.done @!p0 $0x0  }
0x24: {  	[sflag:s0] =	ssyncadd.s32 @!p0 $0xFFFFCC00;
	s0 =	simm.s32 $0x7E00  }
0x25: {  	s11 =	simm.s32 $0x1A00;
	v0 =	vld [tilespmem:s0+$0xFFFFFF00]  }
0x26: {  	v1 =	vld [tilespmem:s11+$0xFFFFFF00];
	_ =	sdelay $0x4  }
0x27: {  	v0 =	vadd.f32 v1, v0  }
0x28: {  	s1 =	simm.s32 $0x14E00  }
0x29: {  	[tilespmem:s1+$0xFFFFFF00] =	vst v0  }
0x2a: {  	v0 =	vld [tilespmem:s11+$0xFFFFFF10]  }
0x2b: {  	v1 =	vld [tilespmem:s0+$0xFFFFFF10];
	_ =	sdelay $0x4  }
0x2c: {  	v0 =	vadd.f32 v0, v1;
	_ =	sdelay $0x1  }
0x2d: {  	[tilespmem:s1+$0xFFFFFF10] =	vst v0  }
0x2e: {  	v0 =	vld [tilespmem:s0+$0xFFFFFF20]  }
0x2f: {  	v1 =	vld [tilespmem:s11+$0xFFFFFF20];
	_ =	sdelay $0x4  }
0x30: {  	v0 =	vadd.f32 v1, v0;
	_ =	sdelay $0x1  }
0x31: {  	[tilespmem:s1+$0xFFFFFF20] =	vst v0  }
0x32: {  	v0 =	vld [tilespmem:s0+$0xFFFFFF30]  }
0x33: {  	v1 =	vld [tilespmem:s11+$0xFFFFFF30];
	_ =	sdelay $0x4  }
0x34: {  	v0 =	vadd.f32 v1, v0;
	_ =	sdelay $0x1  }
0x35: {  	[tilespmem:s1+$0xFFFFFF30] =	vst v0  }
0x36: {  	v0 =	vld [tilespmem:s0+$0xFFFFFF80]  }
0x37: {  	v1 =	vld [tilespmem:s11+$0xFFFFFF80];
	_ =	sdelay $0x4  }
0x38: {  	v0 =	vadd.f32 v1, v0;
	_ =	sdelay $0x1  }
0x39: {  	[tilespmem:s1+$0xFFFFFF80] =	vst v0  }
0x3a: {  	v0 =	vld [tilespmem:s0+$0xFFFFFF90]  }
0x3b: {  	v1 =	vld [tilespmem:s11+$0xFFFFFF90];
	_ =	sdelay $0x4  }
0x3c: {  	v0 =	vadd.f32 v1, v0;
	_ =	sdelay $0x1  }
0x3d: {  	[tilespmem:s1+$0xFFFFFF90] =	vst v0  }
0x3e: {  	v0 =	vld [tilespmem:s0+$0xFFFFFFA0]  }
0x3f: {  	v1 =	vld [tilespmem:s11+$0xFFFFFFA0];
	_ =	sdelay $0x4  }
0x40: {  	v0 =	vadd.f32 v1, v0;
	_ =	sdelay $0x1  }
0x41: {  	[tilespmem:s1+$0xFFFFFFA0] =	vst v0  }
0x42: {  	v0 =	vld [tilespmem:s0+$0xFFFFFFB0]  }
0x43: {  	v1 =	vld [tilespmem:s11+$0xFFFFFFB0];
	_ =	sdelay $0x4  }
0x44: {  	v0 =	vadd.f32 v1, v0;
	_ =	sdelay $0x1  }
0x45: {  	[tilespmem:s1+$0xFFFFFFB0] =	vst v0  }
0x46: {  	v0 =	vld [tilespmem:s0+$0x0]  }
0x47: {  	v1 =	vld [tilespmem:s11+$0x0];
	_ =	sdelay $0x4  }
0x48: {  	v0 =	vadd.f32 v1, v0;
	_ =	sdelay $0x1  }
0x49: {  	[tilespmem:s1+$0x0] =	vst v0  }
0x4a: {  	v0 =	vld [tilespmem:s0+$0x10]  }
0x4b: {  	v1 =	vld [tilespmem:s11+$0x10];
	_ =	sdelay $0x4  }
0x4c: {  	v0 =	vadd.f32 v1, v0;
	_ =	sdelay $0x1  }
0x4d: {  	[tilespmem:s1+$0x10] =	vst v0  }
0x4e: {  	v0 =	vld [tilespmem:s0+$0x20]  }
0x4f: {  	v1 =	vld [tilespmem:s11+$0x20];
	_ =	sdelay $0x4  }
0x50: {  	v0 =	vadd.f32 v1, v0;
	_ =	sdelay $0x1  }
0x51: {  	[tilespmem:s1+$0x20] =	vst v0  }
0x52: {  	v0 =	vld [tilespmem:s0+$0x30]  }
0x53: {  	v1 =	vld [tilespmem:s11+$0x30];
	_ =	sdelay $0x4  }
0x54: {  	v0 =	vadd.f32 v1, v0;
	_ =	sdelay $0x1  }
0x55: {  	[tilespmem:s1+$0x30] =	vst v0  }
0x56: {  	v0 =	vld [tilespmem:s0+$0x80]  }
0x57: {  	v1 =	vld [tilespmem:s11+$0x80];
	_ =	sdelay $0x4  }
0x58: {  	v0 =	vadd.f32 v1, v0;
	_ =	sdelay $0x1  }
0x59: {  	[tilespmem:s1+$0x80] =	vst v0  }
0x5a: {  	v0 =	vld [tilespmem:s0+$0x90]  }
0x5b: {  	v1 =	vld [tilespmem:s11+$0x90];
	_ =	sdelay $0x4  }
0x5c: {  	v0 =	vadd.f32 v1, v0;
	_ =	sdelay $0x1  }
0x5d: {  	[tilespmem:s1+$0x90] =	vst v0  }
0x5e: {  	s30 =	sshll.u32 s28, $0x2;
	s13 =	simm.s32 $0x0;
	v0 =	vld [tilespmem:s0+$0xA0]  }
0x5f: {  	s7 =	simm.s32 $0x15000;
	s15 =	simm.s32 $0x7E00;
	s5 =	simm.s32 $0x1A00;
	v1 =	vld [tilespmem:s11+$0xA0]  }
.LBB2_3:
0x60: {  	s13 =	sadd.s32 $0x4, s13;
	s0 =	sadd.s32 $0x200, s0;
	s11 =	sadd.s32 $0x200, s11  }
0x61: {  	p1 =	slt.u32 s13, $0x64;
	_ =	sdelay $0x2  }
0x62: {  	v0 =	vadd.f32 v1, v0;
	_ =	sdelay $0x1  }
0x63: {  	[tilespmem:s1+$0xA0] =	vst v0  }
0x64: {  	v0 =	vld [tilespmem:s15+$0xB0];
	s15 =	smov.u32 s0  }
0x65: {  	v1 =	vld [tilespmem:s5+$0xB0];
	s5 =	smov.u32 s11;
	_ =	sdelay $0x4  }
0x66: {  	v0 =	vadd.f32 v1, v0;
	_ =	sdelay $0x1  }
0x67: {  	[tilespmem:s1+$0xB0] =	vst v0;
	s1 =	smov.u32 s7  }
0x68: {  	v0 =	vld [tilespmem:s0+$0xFFFFFF00]  }
0x69: {  	v1 =	vld [tilespmem:s11+$0xFFFFFF00];
	_ =	sdelay $0x4  }
0x6a: {  	v0 =	vadd.f32 v1, v0;
	_ =	sdelay $0x1  }
0x6b: {  	[tilespmem:s7+$0xFFFFFF00] =	vst v0  }
0x6c: {  	v0 =	vld [tilespmem:s11+$0xFFFFFF10]  }
0x6d: {  	v1 =	vld [tilespmem:s0+$0xFFFFFF10];
	_ =	sdelay $0x4  }
0x6e: {  	v0 =	vadd.f32 v0, v1;
	_ =	sdelay $0x1  }
0x6f: {  	[tilespmem:s7+$0xFFFFFF10] =	vst v0  }
0x70: {  	v0 =	vld [tilespmem:s0+$0xFFFFFF20]  }
0x71: {  	v1 =	vld [tilespmem:s11+$0xFFFFFF20];
	_ =	sdelay $0x4  }
0x72: {  	v0 =	vadd.f32 v1, v0;
	_ =	sdelay $0x1  }
0x73: {  	[tilespmem:s7+$0xFFFFFF20] =	vst v0  }
0x74: {  	v0 =	vld [tilespmem:s0+$0xFFFFFF30]  }
0x75: {  	v1 =	vld [tilespmem:s11+$0xFFFFFF30];
	_ =	sdelay $0x4  }
0x76: {  	v0 =	vadd.f32 v1, v0;
	_ =	sdelay $0x1  }
0x77: {  	[tilespmem:s7+$0xFFFFFF30] =	vst v0  }
0x78: {  	v0 =	vld [tilespmem:s0+$0xFFFFFF80]  }
0x79: {  	v1 =	vld [tilespmem:s11+$0xFFFFFF80];
	_ =	sdelay $0x4  }
0x7a: {  	v0 =	vadd.f32 v1, v0;
	_ =	sdelay $0x1  }
0x7b: {  	[tilespmem:s7+$0xFFFFFF80] =	vst v0  }
0x7c: {  	v0 =	vld [tilespmem:s0+$0xFFFFFF90]  }
0x7d: {  	v1 =	vld [tilespmem:s11+$0xFFFFFF90];
	_ =	sdelay $0x4  }
0x7e: {  	v0 =	vadd.f32 v1, v0;
	_ =	sdelay $0x1  }
0x7f: {  	[tilespmem:s7+$0xFFFFFF90] =	vst v0  }
0x80: {  	v0 =	vld [tilespmem:s0+$0xFFFFFFA0]  }
0x81: {  	v1 =	vld [tilespmem:s11+$0xFFFFFFA0];
	_ =	sdelay $0x4  }
0x82: {  	v0 =	vadd.f32 v1, v0;
	_ =	sdelay $0x1  }
0x83: {  	[tilespmem:s7+$0xFFFFFFA0] =	vst v0  }
0x84: {  	v0 =	vld [tilespmem:s0+$0xFFFFFFB0]  }
0x85: {  	v1 =	vld [tilespmem:s11+$0xFFFFFFB0];
	_ =	sdelay $0x4  }
0x86: {  	v0 =	vadd.f32 v1, v0;
	_ =	sdelay $0x1  }
0x87: {  	[tilespmem:s7+$0xFFFFFFB0] =	vst v0  }
0x88: {  	v0 =	vld [tilespmem:s0+$0x0]  }
0x89: {  	v1 =	vld [tilespmem:s11+$0x0];
	_ =	sdelay $0x4  }
0x8a: {  	v0 =	vadd.f32 v1, v0;
	_ =	sdelay $0x1  }
0x8b: {  	[tilespmem:s7+$0x0] =	vst v0  }
0x8c: {  	v0 =	vld [tilespmem:s0+$0x10]  }
0x8d: {  	v1 =	vld [tilespmem:s11+$0x10];
	_ =	sdelay $0x4  }
0x8e: {  	v0 =	vadd.f32 v1, v0;
	_ =	sdelay $0x1  }
0x8f: {  	[tilespmem:s7+$0x10] =	vst v0  }
0x90: {  	v0 =	vld [tilespmem:s0+$0x20]  }
0x91: {  	v1 =	vld [tilespmem:s11+$0x20];
	_ =	sdelay $0x4  }
0x92: {  	v0 =	vadd.f32 v1, v0;
	_ =	sdelay $0x1  }
0x93: {  	[tilespmem:s7+$0x20] =	vst v0  }
0x94: {  	v0 =	vld [tilespmem:s0+$0x30]  }
0x95: {  	v1 =	vld [tilespmem:s11+$0x30];
	_ =	sdelay $0x4  }
0x96: {  	v0 =	vadd.f32 v1, v0;
	_ =	sdelay $0x1  }
0x97: {  	[tilespmem:s7+$0x30] =	vst v0  }
0x98: {  	v0 =	vld [tilespmem:s0+$0x80]  }
0x99: {  	v1 =	vld [tilespmem:s11+$0x80];
	_ =	sdelay $0x4  }
0x9a: {  	v0 =	vadd.f32 v1, v0;
	_ =	sdelay $0x1  }
0x9b: {  	[tilespmem:s7+$0x80] =	vst v0  }
0x9c: {  	v0 =	vld [tilespmem:s0+$0x90]  }
0x9d: {  	v1 =	vld [tilespmem:s11+$0x90];
	_ =	sdelay $0x4  }
.Ltmp0:
0x9e: {  	v0 =	vadd.f32 v1, v0;
	(pc) =	sbr.rel @p1 .LBB2_3-.Ltmp0, $4  }
0x9f: {  	_ = 	snop  }
0xa0: {  	[tilespmem:s7+$0x90] =	vst v0  }
0xa1: {  	v0 =	vld [tilespmem:s0+$0xA0]  }
0xa2: {  	s7 =	sadd.s32 $0x200, s7;
	v1 =	vld [tilespmem:s11+$0xA0]  }
0xa3: {  	_ =	sdelay $0x3  }
0xa4: {  	v0 =	vadd.f32 v1, v0;
	_ =	sdelay $0x1  }
0xa5: {  	[tilespmem:s1+$0xA0] =	vst v0  }
0xa6: {  	v0 =	vld [tilespmem:s15+$0xB0]  }
0xa7: {  	v1 =	vld [tilespmem:s5+$0xB0];
	_ =	sdelay $0x2  }
0xa8: {  	s0 =	smul.u32 $0x190, s28;
	_ =	sdelay $0x1  }
0xa9: {  	s0 =	sadd.s32 s3, s0;
	v0 =	vadd.f32 v1, v0  }
0xaa: {  	s0 =	sshll.u32 s0, $0x4  }
0xab: {  	s13 =	sadd.s32 s6, s0;
	[tilespmem:s1+$0xB0] =	vst v0  }
0xac: {  	[hbm4b:s13+s2] =	stream.linear.scatter [tilespmem:s18], [sflag:$0x5], $0x3400, $0x38;
	[tilespmem:$0x1B500] =	vst v63  }
0xad: {  	s15 =	sadd.s32 $0x68, s31  }
0xae: {  	[tilespmem:s19], [sflag:$0x4] =	stream.indirect.gather [hbm4b:s4+s14], $0x80, s15, s14, $0xb8;
	[tilespmem:$0x1B500] =	vst v63  }
0xaf: {  	_ =	swait.ge [sflag:s20], $0x3000  }
0xb0: {  	[sflag:s20] =	ssyncset.done $0x0  }
0xb1: {  	s1 =	simm.s32 @!p0 $0x6;
	[sflag:s20] =	ssyncadd.s32 $0xFFFFD000  }
0xb2: {  	_ =	swait.ge @!p0 [sflag:s1], $0x3000  }
0xb3: {  	[sflag:s1] =	ssyncset.done @!p0 $0x0  }
0xb4: {  	s11 =	simm.s32 $0xB200;
	[sflag:s1] =	ssyncadd.s32 @!p0 $0xFFFFD000  }
0xb5: {  	s31 =	simm.s32 $0x4EB0;
	v0 =	vld [tilespmem:s11+$0xFFFFFF00]  }
0xb6: {  	v1 =	vld [tilespmem:s31+$0xFFFFFE50];
	_ =	sdelay $0x4  }
0xb7: {  	v0 =	vadd.f32 v1, v0  }
0xb8: {  	s1 =	simm.s32 $0x18200  }
0xb9: {  	[tilespmem:s1+$0xFFFFFF00] =	vst v0  }
0xba: {  	v0 =	vld [tilespmem:s31+$0xFFFFFE60]  }
0xbb: {  	v1 =	vld [tilespmem:s11+$0xFFFFFF10];
	_ =	sdelay $0x4  }
0xbc: {  	v0 =	vadd.f32 v0, v1;
	_ =	sdelay $0x1  }
0xbd: {  	[tilespmem:s1+$0xFFFFFF10] =	vst v0  }
0xbe: {  	v0 =	vld [tilespmem:s11+$0xFFFFFF20]  }
0xbf: {  	v1 =	vld [tilespmem:s31+$0xFFFFFE70];
	_ =	sdelay $0x4  }
0xc0: {  	v0 =	vadd.f32 v1, v0;
	_ =	sdelay $0x1  }
0xc1: {  	[tilespmem:s1+$0xFFFFFF20] =	vst v0  }
0xc2: {  	v0 =	vld [tilespmem:s11+$0xFFFFFF30]  }
0xc3: {  	v1 =	vld [tilespmem:s31+$0xFFFFFE80];
	_ =	sdelay $0x4  }
0xc4: {  	v0 =	vadd.f32 v1, v0;
	_ =	sdelay $0x1  }
0xc5: {  	[tilespmem:s1+$0xFFFFFF30] =	vst v0  }
0xc6: {  	v0 =	vld [tilespmem:s11+$0xFFFFFF80]  }
0xc7: {  	v1 =	vld [tilespmem:s31+$0xFFFFFED0];
	_ =	sdelay $0x4  }
0xc8: {  	v0 =	vadd.f32 v1, v0;
	_ =	sdelay $0x1  }
0xc9: {  	[tilespmem:s1+$0xFFFFFF80] =	vst v0  }
0xca: {  	v0 =	vld [tilespmem:s11+$0xFFFFFF90]  }
0xcb: {  	v1 =	vld [tilespmem:s31+$0xFFFFFEE0];
	_ =	sdelay $0x4  }
0xcc: {  	v0 =	vadd.f32 v1, v0;
	_ =	sdelay $0x1  }
0xcd: {  	[tilespmem:s1+$0xFFFFFF90] =	vst v0  }
0xce: {  	v0 =	vld [tilespmem:s11+$0xFFFFFFA0]  }
0xcf: {  	v1 =	vld [tilespmem:s31+$0xFFFFFEF0];
	_ =	sdelay $0x4  }
0xd0: {  	v0 =	vadd.f32 v1, v0;
	_ =	sdelay $0x1  }
0xd1: {  	[tilespmem:s1+$0xFFFFFFA0] =	vst v0  }
0xd2: {  	v0 =	vld [tilespmem:s11+$0xFFFFFFB0]  }
0xd3: {  	v1 =	vld [tilespmem:s31+$0xFFFFFF00];
	_ =	sdelay $0x4  }
0xd4: {  	v0 =	vadd.f32 v1, v0;
	_ =	sdelay $0x1  }
0xd5: {  	[tilespmem:s1+$0xFFFFFFB0] =	vst v0  }
0xd6: {  	v0 =	vld [tilespmem:s11+$0x0]  }
0xd7: {  	v1 =	vld [tilespmem:s31+$0xFFFFFF50];
	_ =	sdelay $0x4  }
0xd8: {  	v0 =	vadd.f32 v1, v0;
	_ =	sdelay $0x1  }
0xd9: {  	[tilespmem:s1+$0x0] =	vst v0  }
0xda: {  	v0 =	vld [tilespmem:s11+$0x10]  }
0xdb: {  	v1 =	vld [tilespmem:s31+$0xFFFFFF60];
	_ =	sdelay $0x4  }
0xdc: {  	v0 =	vadd.f32 v1, v0;
	_ =	sdelay $0x1  }
0xdd: {  	[tilespmem:s1+$0x10] =	vst v0  }
0xde: {  	v0 =	vld [tilespmem:s11+$0x20]  }
0xdf: {  	v1 =	vld [tilespmem:s31+$0xFFFFFF70];
	_ =	sdelay $0x4  }
0xe0: {  	v0 =	vadd.f32 v1, v0;
	_ =	sdelay $0x1  }
0xe1: {  	[tilespmem:s1+$0x20] =	vst v0  }
0xe2: {  	v0 =	vld [tilespmem:s11+$0x30]  }
0xe3: {  	v1 =	vld [tilespmem:s31+$0xFFFFFF80];
	_ =	sdelay $0x4  }
0xe4: {  	v0 =	vadd.f32 v1, v0;
	_ =	sdelay $0x1  }
0xe5: {  	[tilespmem:s1+$0x30] =	vst v0  }
0xe6: {  	v0 =	vld [tilespmem:s11+$0x80]  }
0xe7: {  	v1 =	vld [tilespmem:s31+$0xFFFFFFD0];
	_ =	sdelay $0x4  }
0xe8: {  	v0 =	vadd.f32 v1, v0;
	_ =	sdelay $0x1  }
0xe9: {  	[tilespmem:s1+$0x80] =	vst v0  }
0xea: {  	v0 =	vld [tilespmem:s11+$0x90]  }
0xeb: {  	v1 =	vld [tilespmem:s31+$0xFFFFFFE0];
	_ =	sdelay $0x4  }
0xec: {  	v0 =	vadd.f32 v1, v0;
	_ =	sdelay $0x1  }
0xed: {  	[tilespmem:s1+$0x90] =	vst v0  }
0xee: {  	s7 =	simm.s32 $0x18400;
	v0 =	vld [tilespmem:s11+$0xA0]  }
0xef: {  	s5 =	simm.s32 $0xB200;
	s13 =	simm.s32 $0x0;
	s15 =	simm.s32 $0x4EB0;
	v1 =	vld [tilespmem:s31+$0xFFFFFFF0]  }
.LBB2_5:
0xf0: {  	s13 =	sadd.s32 $0x4, s13;
	s31 =	sadd.s32 $0x200, s31;
	s11 =	sadd.s32 $0x200, s11  }
0xf1: {  	p0 =	slt.u32 s13, $0x5C;
	_ =	sdelay $0x2  }
0xf2: {  	v0 =	vadd.f32 v1, v0;
	_ =	sdelay $0x1  }
0xf3: {  	[tilespmem:s1+$0xA0] =	vst v0  }
0xf4: {  	v0 =	vld [tilespmem:s5+$0xB0];
	s5 =	smov.u32 s11  }
0xf5: {  	v1 =	vld [tilespmem:s15+$0x0];
	s15 =	smov.u32 s31;
	_ =	sdelay $0x4  }
0xf6: {  	v0 =	vadd.f32 v1, v0;
	_ =	sdelay $0x1  }
0xf7: {  	[tilespmem:s1+$0xB0] =	vst v0;
	s1 =	smov.u32 s7  }
0xf8: {  	v0 =	vld [tilespmem:s11+$0xFFFFFF00]  }
0xf9: {  	v1 =	vld [tilespmem:s31+$0xFFFFFE50];
	_ =	sdelay $0x4  }
0xfa: {  	v0 =	vadd.f32 v1, v0;
	_ =	sdelay $0x1  }
0xfb: {  	[tilespmem:s7+$0xFFFFFF00] =	vst v0  }
0xfc: {  	v0 =	vld [tilespmem:s31+$0xFFFFFE60]  }
0xfd: {  	v1 =	vld [tilespmem:s11+$0xFFFFFF10];
	_ =	sdelay $0x4  }
0xfe: {  	v0 =	vadd.f32 v0, v1;
	_ =	sdelay $0x1  }
0xff: {  	[tilespmem:s7+$0xFFFFFF10] =	vst v0  }
0x100: {  	v0 =	vld [tilespmem:s11+$0xFFFFFF20]  }
0x101: {  	v1 =	vld [tilespmem:s31+$0xFFFFFE70];
	_ =	sdelay $0x4  }
0x102: {  	v0 =	vadd.f32 v1, v0;
	_ =	sdelay $0x1  }
0x103: {  	[tilespmem:s7+$0xFFFFFF20] =	vst v0  }
0x104: {  	v0 =	vld [tilespmem:s11+$0xFFFFFF30]  }
0x105: {  	v1 =	vld [tilespmem:s31+$0xFFFFFE80];
	_ =	sdelay $0x4  }
0x106: {  	v0 =	vadd.f32 v1, v0;
	_ =	sdelay $0x1  }
0x107: {  	[tilespmem:s7+$0xFFFFFF30] =	vst v0  }
0x108: {  	v0 =	vld [tilespmem:s11+$0xFFFFFF80]  }
0x109: {  	v1 =	vld [tilespmem:s31+$0xFFFFFED0];
	_ =	sdelay $0x4  }
0x10a: {  	v0 =	vadd.f32 v1, v0;
	_ =	sdelay $0x1  }
0x10b: {  	[tilespmem:s7+$0xFFFFFF80] =	vst v0  }
0x10c: {  	v0 =	vld [tilespmem:s11+$0xFFFFFF90]  }
0x10d: {  	v1 =	vld [tilespmem:s31+$0xFFFFFEE0];
	_ =	sdelay $0x4  }
0x10e: {  	v0 =	vadd.f32 v1, v0;
	_ =	sdelay $0x1  }
0x10f: {  	[tilespmem:s7+$0xFFFFFF90] =	vst v0  }
0x110: {  	v0 =	vld [tilespmem:s11+$0xFFFFFFA0]  }
0x111: {  	v1 =	vld [tilespmem:s31+$0xFFFFFEF0];
	_ =	sdelay $0x4  }
0x112: {  	v0 =	vadd.f32 v1, v0;
	_ =	sdelay $0x1  }
0x113: {  	[tilespmem:s7+$0xFFFFFFA0] =	vst v0  }
0x114: {  	v0 =	vld [tilespmem:s11+$0xFFFFFFB0]  }
0x115: {  	v1 =	vld [tilespmem:s31+$0xFFFFFF00];
	_ =	sdelay $0x4  }
0x116: {  	v0 =	vadd.f32 v1, v0;
	_ =	sdelay $0x1  }
0x117: {  	[tilespmem:s7+$0xFFFFFFB0] =	vst v0  }
0x118: {  	v0 =	vld [tilespmem:s11+$0x0]  }
0x119: {  	v1 =	vld [tilespmem:s31+$0xFFFFFF50];
	_ =	sdelay $0x4  }
0x11a: {  	v0 =	vadd.f32 v1, v0;
	_ =	sdelay $0x1  }
0x11b: {  	[tilespmem:s7+$0x0] =	vst v0  }
0x11c: {  	v0 =	vld [tilespmem:s11+$0x10]  }
0x11d: {  	v1 =	vld [tilespmem:s31+$0xFFFFFF60];
	_ =	sdelay $0x4  }
0x11e: {  	v0 =	vadd.f32 v1, v0;
	_ =	sdelay $0x1  }
0x11f: {  	[tilespmem:s7+$0x10] =	vst v0  }
0x120: {  	v0 =	vld [tilespmem:s11+$0x20]  }
0x121: {  	v1 =	vld [tilespmem:s31+$0xFFFFFF70];
	_ =	sdelay $0x4  }
0x122: {  	v0 =	vadd.f32 v1, v0;
	_ =	sdelay $0x1  }
0x123: {  	[tilespmem:s7+$0x20] =	vst v0  }
0x124: {  	v0 =	vld [tilespmem:s11+$0x30]  }
0x125: {  	v1 =	vld [tilespmem:s31+$0xFFFFFF80];
	_ =	sdelay $0x4  }
0x126: {  	v0 =	vadd.f32 v1, v0;
	_ =	sdelay $0x1  }
0x127: {  	[tilespmem:s7+$0x30] =	vst v0  }
0x128: {  	v0 =	vld [tilespmem:s11+$0x80]  }
0x129: {  	v1 =	vld [tilespmem:s31+$0xFFFFFFD0];
	_ =	sdelay $0x4  }
0x12a: {  	v0 =	vadd.f32 v1, v0;
	_ =	sdelay $0x1  }
0x12b: {  	[tilespmem:s7+$0x80] =	vst v0  }
0x12c: {  	v0 =	vld [tilespmem:s11+$0x90]  }
0x12d: {  	v1 =	vld [tilespmem:s31+$0xFFFFFFE0];
	_ =	sdelay $0x4  }
.Ltmp1:
0x12e: {  	v0 =	vadd.f32 v1, v0;
	(pc) =	sbr.rel @p0 .LBB2_5-.Ltmp1, $4  }
0x12f: {  	_ = 	snop  }
0x130: {  	[tilespmem:s7+$0x90] =	vst v0  }
0x131: {  	v0 =	vld [tilespmem:s11+$0xA0]  }
0x132: {  	s7 =	sadd.s32 $0x200, s7;
	v1 =	vld [tilespmem:s31+$0xFFFFFFF0]  }
0x133: {  	_ =	sdelay $0x3  }
0x134: {  	v0 =	vadd.f32 v1, v0;
	_ =	sdelay $0x1  }
0x135: {  	[tilespmem:s1+$0xA0] =	vst v0  }
0x136: {  	v0 =	vld [tilespmem:s5+$0xB0]  }
0x137: {  	v1 =	vld [tilespmem:s15+$0x0];
	_ =	sdelay $0x4  }
0x138: {  	p0 =	seq.s32 s28, $0xF;
	v0 =	vadd.f32 v1, v0  }
0x139: {  	s5 =	sshrl.u32 @!p0 s30, $0x1  }
0x13a: {  	s0 =	sadd.s32 s0, s8;
	[tilespmem:s1+$0xB0] =	vst v0;
	s1 =	smul.u32 @!p0 $0x320, s5  }
0x13b: {  	[hbm4b:s0+s2] =	stream.linear.scatter [tilespmem:s21], [sflag:$0x6], $0x3000, $0x38;
	[tilespmem:$0x1B500] =	vst v63  }
0x13c: {  	s0 =	sadd.s32 @!p0 $0x640, s1  }
0x13d: {  	s5 =	simm.s32 @!p0 $0x7D00;
	s1 =	simm.s32 @!p0 $0x68;
	s0 =	sshra.s32 @!p0 s0, $0x2  }
0x13e: {  	[tilespmem:s5], [sflag:$0x1] =	stream.indirect.gather @!p0 [hbm4b:s4+s1], $0x80, s0, s1, $0xb8;
	[tilespmem:$0x1B500] =	vst v63  }
0x13f: {  	_ =	swait.ge [sflag:s22], $0x3400  }
0x140: {  	[sflag:s22] =	ssyncset.done $0x0  }
0x141: {  	[sflag:s22] =	ssyncadd.s32 $0xFFFFCC00  }
0x142: {  	_ =	swait.ge [sflag:s23], $0x3400  }
0x143: {  	[sflag:s23] =	ssyncset.done $0x0  }
0x144: {  	s11 =	simm.s32 $0xE600;
	[sflag:s23] =	ssyncadd.s32 $0xFFFFCC00  }
0x145: {  	s30 =	simm.s32 $0x1A00;
	v0 =	vld [tilespmem:s11+$0xFFFFFF00]  }
0x146: {  	v1 =	vld [tilespmem:s30+$0xFFFFFF00];
	_ =	sdelay $0x4  }
0x147: {  	v0 =	vadd.f32 v1, v0  }
0x148: {  	s1 =	simm.s32 $0x14E00  }
0x149: {  	[tilespmem:s1+$0xFFFFFF00] =	vst v0  }
0x14a: {  	v0 =	vld [tilespmem:s30+$0xFFFFFF10]  }
0x14b: {  	v1 =	vld [tilespmem:s11+$0xFFFFFF10];
	_ =	sdelay $0x4  }
0x14c: {  	v0 =	vadd.f32 v0, v1;
	_ =	sdelay $0x1  }
0x14d: {  	[tilespmem:s1+$0xFFFFFF10] =	vst v0  }
0x14e: {  	v0 =	vld [tilespmem:s11+$0xFFFFFF20]  }
0x14f: {  	v1 =	vld [tilespmem:s30+$0xFFFFFF20];
	_ =	sdelay $0x4  }
0x150: {  	v0 =	vadd.f32 v1, v0;
	_ =	sdelay $0x1  }
0x151: {  	[tilespmem:s1+$0xFFFFFF20] =	vst v0  }
0x152: {  	v0 =	vld [tilespmem:s11+$0xFFFFFF30]  }
0x153: {  	v1 =	vld [tilespmem:s30+$0xFFFFFF30];
	_ =	sdelay $0x4  }
0x154: {  	v0 =	vadd.f32 v1, v0;
	_ =	sdelay $0x1  }
0x155: {  	[tilespmem:s1+$0xFFFFFF30] =	vst v0  }
0x156: {  	v0 =	vld [tilespmem:s11+$0xFFFFFF80]  }
0x157: {  	v1 =	vld [tilespmem:s30+$0xFFFFFF80];
	_ =	sdelay $0x4  }
0x158: {  	v0 =	vadd.f32 v1, v0;
	_ =	sdelay $0x1  }
0x159: {  	[tilespmem:s1+$0xFFFFFF80] =	vst v0  }
0x15a: {  	v0 =	vld [tilespmem:s11+$0xFFFFFF90]  }
0x15b: {  	v1 =	vld [tilespmem:s30+$0xFFFFFF90];
	_ =	sdelay $0x4  }
0x15c: {  	v0 =	vadd.f32 v1, v0;
	_ =	sdelay $0x1  }
0x15d: {  	[tilespmem:s1+$0xFFFFFF90] =	vst v0  }
0x15e: {  	v0 =	vld [tilespmem:s11+$0xFFFFFFA0]  }
0x15f: {  	v1 =	vld [tilespmem:s30+$0xFFFFFFA0];
	_ =	sdelay $0x4  }
0x160: {  	v0 =	vadd.f32 v1, v0;
	_ =	sdelay $0x1  }
0x161: {  	[tilespmem:s1+$0xFFFFFFA0] =	vst v0  }
0x162: {  	v0 =	vld [tilespmem:s11+$0xFFFFFFB0]  }
0x163: {  	v1 =	vld [tilespmem:s30+$0xFFFFFFB0];
	_ =	sdelay $0x4  }
0x164: {  	v0 =	vadd.f32 v1, v0;
	_ =	sdelay $0x1  }
0x165: {  	[tilespmem:s1+$0xFFFFFFB0] =	vst v0  }
0x166: {  	v0 =	vld [tilespmem:s11+$0x0]  }
0x167: {  	v1 =	vld [tilespmem:s30+$0x0];
	_ =	sdelay $0x4  }
0x168: {  	v0 =	vadd.f32 v1, v0;
	_ =	sdelay $0x1  }
0x169: {  	[tilespmem:s1+$0x0] =	vst v0  }
0x16a: {  	v0 =	vld [tilespmem:s11+$0x10]  }
0x16b: {  	v1 =	vld [tilespmem:s30+$0x10];
	_ =	sdelay $0x4  }
0x16c: {  	v0 =	vadd.f32 v1, v0;
	_ =	sdelay $0x1  }
0x16d: {  	[tilespmem:s1+$0x10] =	vst v0  }
0x16e: {  	v0 =	vld [tilespmem:s11+$0x20]  }
0x16f: {  	v1 =	vld [tilespmem:s30+$0x20];
	_ =	sdelay $0x4  }
0x170: {  	v0 =	vadd.f32 v1, v0;
	_ =	sdelay $0x1  }
0x171: {  	[tilespmem:s1+$0x20] =	vst v0  }
0x172: {  	v0 =	vld [tilespmem:s11+$0x30]  }
0x173: {  	v1 =	vld [tilespmem:s30+$0x30];
	_ =	sdelay $0x4  }
0x174: {  	v0 =	vadd.f32 v1, v0;
	_ =	sdelay $0x1  }
0x175: {  	[tilespmem:s1+$0x30] =	vst v0  }
0x176: {  	v0 =	vld [tilespmem:s11+$0x80]  }
0x177: {  	v1 =	vld [tilespmem:s30+$0x80];
	_ =	sdelay $0x4  }
0x178: {  	v0 =	vadd.f32 v1, v0;
	_ =	sdelay $0x1  }
0x179: {  	[tilespmem:s1+$0x80] =	vst v0  }
0x17a: {  	v0 =	vld [tilespmem:s11+$0x90]  }
0x17b: {  	v1 =	vld [tilespmem:s30+$0x90];
	_ =	sdelay $0x4  }
0x17c: {  	v0 =	vadd.f32 v1, v0;
	_ =	sdelay $0x1  }
0x17d: {  	[tilespmem:s1+$0x90] =	vst v0  }
0x17e: {  	s13 =	simm.s32 $0x0;
	v0 =	vld [tilespmem:s11+$0xA0]  }
0x17f: {  	s7 =	simm.s32 $0x15000;
	s15 =	simm.s32 $0x1A00;
	s5 =	simm.s32 $0xE600;
	v1 =	vld [tilespmem:s30+$0xA0]  }
.LBB2_7:
0x180: {  	s13 =	sadd.s32 $0x4, s13;
	s11 =	sadd.s32 $0x200, s11;
	s30 =	sadd.s32 $0x200, s30  }
0x181: {  	p1 =	slt.u32 s13, $0x64;
	_ =	sdelay $0x2  }
0x182: {  	v0 =	vadd.f32 v1, v0;
	_ =	sdelay $0x1  }
0x183: {  	[tilespmem:s1+$0xA0] =	vst v0  }
0x184: {  	v0 =	vld [tilespmem:s5+$0xB0];
	s5 =	smov.u32 s11  }
0x185: {  	v1 =	vld [tilespmem:s15+$0xB0];
	s15 =	smov.u32 s30;
	_ =	sdelay $0x4  }
0x186: {  	v0 =	vadd.f32 v1, v0;
	_ =	sdelay $0x1  }
0x187: {  	[tilespmem:s1+$0xB0] =	vst v0;
	s1 =	smov.u32 s7  }
0x188: {  	v0 =	vld [tilespmem:s11+$0xFFFFFF00]  }
0x189: {  	v1 =	vld [tilespmem:s30+$0xFFFFFF00];
	_ =	sdelay $0x4  }
0x18a: {  	v0 =	vadd.f32 v1, v0;
	_ =	sdelay $0x1  }
0x18b: {  	[tilespmem:s7+$0xFFFFFF00] =	vst v0  }
0x18c: {  	v0 =	vld [tilespmem:s30+$0xFFFFFF10]  }
0x18d: {  	v1 =	vld [tilespmem:s11+$0xFFFFFF10];
	_ =	sdelay $0x4  }
0x18e: {  	v0 =	vadd.f32 v0, v1;
	_ =	sdelay $0x1  }
0x18f: {  	[tilespmem:s7+$0xFFFFFF10] =	vst v0  }
0x190: {  	v0 =	vld [tilespmem:s11+$0xFFFFFF20]  }
0x191: {  	v1 =	vld [tilespmem:s30+$0xFFFFFF20];
	_ =	sdelay $0x4  }
0x192: {  	v0 =	vadd.f32 v1, v0;
	_ =	sdelay $0x1  }
0x193: {  	[tilespmem:s7+$0xFFFFFF20] =	vst v0  }
0x194: {  	v0 =	vld [tilespmem:s11+$0xFFFFFF30]  }
0x195: {  	v1 =	vld [tilespmem:s30+$0xFFFFFF30];
	_ =	sdelay $0x4  }
0x196: {  	v0 =	vadd.f32 v1, v0;
	_ =	sdelay $0x1  }
0x197: {  	[tilespmem:s7+$0xFFFFFF30] =	vst v0  }
0x198: {  	v0 =	vld [tilespmem:s11+$0xFFFFFF80]  }
0x199: {  	v1 =	vld [tilespmem:s30+$0xFFFFFF80];
	_ =	sdelay $0x4  }
0x19a: {  	v0 =	vadd.f32 v1, v0;
	_ =	sdelay $0x1  }
0x19b: {  	[tilespmem:s7+$0xFFFFFF80] =	vst v0  }
0x19c: {  	v0 =	vld [tilespmem:s11+$0xFFFFFF90]  }
0x19d: {  	v1 =	vld [tilespmem:s30+$0xFFFFFF90];
	_ =	sdelay $0x4  }
0x19e: {  	v0 =	vadd.f32 v1, v0;
	_ =	sdelay $0x1  }
0x19f: {  	[tilespmem:s7+$0xFFFFFF90] =	vst v0  }
0x1a0: {  	v0 =	vld [tilespmem:s11+$0xFFFFFFA0]  }
0x1a1: {  	v1 =	vld [tilespmem:s30+$0xFFFFFFA0];
	_ =	sdelay $0x4  }
0x1a2: {  	v0 =	vadd.f32 v1, v0;
	_ =	sdelay $0x1  }
0x1a3: {  	[tilespmem:s7+$0xFFFFFFA0] =	vst v0  }
0x1a4: {  	v0 =	vld [tilespmem:s11+$0xFFFFFFB0]  }
0x1a5: {  	v1 =	vld [tilespmem:s30+$0xFFFFFFB0];
	_ =	sdelay $0x4  }
0x1a6: {  	v0 =	vadd.f32 v1, v0;
	_ =	sdelay $0x1  }
0x1a7: {  	[tilespmem:s7+$0xFFFFFFB0] =	vst v0  }
0x1a8: {  	v0 =	vld [tilespmem:s11+$0x0]  }
0x1a9: {  	v1 =	vld [tilespmem:s30+$0x0];
	_ =	sdelay $0x4  }
0x1aa: {  	v0 =	vadd.f32 v1, v0;
	_ =	sdelay $0x1  }
0x1ab: {  	[tilespmem:s7+$0x0] =	vst v0  }
0x1ac: {  	v0 =	vld [tilespmem:s11+$0x10]  }
0x1ad: {  	v1 =	vld [tilespmem:s30+$0x10];
	_ =	sdelay $0x4  }
0x1ae: {  	v0 =	vadd.f32 v1, v0;
	_ =	sdelay $0x1  }
0x1af: {  	[tilespmem:s7+$0x10] =	vst v0  }
0x1b0: {  	v0 =	vld [tilespmem:s11+$0x20]  }
0x1b1: {  	v1 =	vld [tilespmem:s30+$0x20];
	_ =	sdelay $0x4  }
0x1b2: {  	v0 =	vadd.f32 v1, v0;
	_ =	sdelay $0x1  }
0x1b3: {  	[tilespmem:s7+$0x20] =	vst v0  }
0x1b4: {  	v0 =	vld [tilespmem:s11+$0x30]  }
0x1b5: {  	v1 =	vld [tilespmem:s30+$0x30];
	_ =	sdelay $0x4  }
0x1b6: {  	v0 =	vadd.f32 v1, v0;
	_ =	sdelay $0x1  }
0x1b7: {  	[tilespmem:s7+$0x30] =	vst v0  }
0x1b8: {  	v0 =	vld [tilespmem:s11+$0x80]  }
0x1b9: {  	v1 =	vld [tilespmem:s30+$0x80];
	_ =	sdelay $0x4  }
0x1ba: {  	v0 =	vadd.f32 v1, v0;
	_ =	sdelay $0x1  }
0x1bb: {  	[tilespmem:s7+$0x80] =	vst v0  }
0x1bc: {  	v0 =	vld [tilespmem:s11+$0x90]  }
0x1bd: {  	v1 =	vld [tilespmem:s30+$0x90];
	_ =	sdelay $0x4  }
.Ltmp2:
0x1be: {  	v0 =	vadd.f32 v1, v0;
	(pc) =	sbr.rel @p1 .LBB2_7-.Ltmp2, $4  }
0x1bf: {  	_ = 	snop  }
0x1c0: {  	[tilespmem:s7+$0x90] =	vst v0  }
0x1c1: {  	v0 =	vld [tilespmem:s11+$0xA0]  }
0x1c2: {  	s7 =	sadd.s32 $0x200, s7;
	v1 =	vld [tilespmem:s30+$0xA0]  }
0x1c3: {  	_ =	sdelay $0x3  }
0x1c4: {  	v0 =	vadd.f32 v1, v0;
	_ =	sdelay $0x1  }
0x1c5: {  	[tilespmem:s1+$0xA0] =	vst v0  }
0x1c6: {  	v0 =	vld [tilespmem:s5+$0xB0]  }
0x1c7: {  	v1 =	vld [tilespmem:s15+$0xB0];
	_ =	sdelay $0x2  }
0x1c8: {  	s30 =	smul.u32 $0xC8, s29;
	_ =	sdelay $0x1  }
0x1c9: {  	s5 =	sadd.s32 s3, s30;
	v0 =	vadd.f32 v1, v0  }
0x1ca: {  	s29 =	sshll.u32 s5, $0x4  }
0x1cb: {  	s31 =	sadd.s32 s6, s29;
	[tilespmem:s1+$0xB0] =	vst v0  }
0x1cc: {  	[hbm4b:s31+s2] =	stream.linear.scatter [tilespmem:s18], [sflag:$0x5], $0x3400, $0x38;
	[tilespmem:$0x1B500] =	vst v63  }
0x1cd: {  	s0 =	sadd.s32 @!p0 $0x68, s0;
	s5 =	simm.s32 @!p0 $0xB100;
	s1 =	simm.s32 @!p0 $0x60  }
0x1ce: {  	[tilespmem:s5], [sflag:$0x2] =	stream.indirect.gather @!p0 [hbm4b:s4+s1], $0x80, s0, s1, $0xb8;
	[tilespmem:$0x1B500] =	vst v63  }
0x1cf: {  	_ =	swait.ge [sflag:s24], $0x3000  }
0x1d0: {  	[sflag:s24] =	ssyncset.done $0x0  }
0x1d1: {  	[sflag:s24] =	ssyncadd.s32 $0xFFFFD000  }
0x1d2: {  	_ =	swait.ge [sflag:s25], $0x3000  }
0x1d3: {  	[sflag:s25] =	ssyncset.done $0x0  }
0x1d4: {  	s1 =	simm.s32 $0x11A00;
	[sflag:s25] =	ssyncadd.s32 $0xFFFFD000  }
0x1d5: {  	s11 =	simm.s32 $0x4EB0;
	v0 =	vld [tilespmem:s1+$0xFFFFFF00]  }
0x1d6: {  	v1 =	vld [tilespmem:s11+$0xFFFFFE50];
	_ =	sdelay $0x4  }
0x1d7: {  	v0 =	vadd.f32 v1, v0  }
0x1d8: {  	s0 =	simm.s32 $0x18200  }
0x1d9: {  	[tilespmem:s0+$0xFFFFFF00] =	vst v0  }
0x1da: {  	v0 =	vld [tilespmem:s11+$0xFFFFFE60]  }
0x1db: {  	v1 =	vld [tilespmem:s1+$0xFFFFFF10];
	_ =	sdelay $0x4  }
0x1dc: {  	v0 =	vadd.f32 v0, v1;
	_ =	sdelay $0x1  }
0x1dd: {  	[tilespmem:s0+$0xFFFFFF10] =	vst v0  }
0x1de: {  	v0 =	vld [tilespmem:s1+$0xFFFFFF20]  }
0x1df: {  	v1 =	vld [tilespmem:s11+$0xFFFFFE70];
	_ =	sdelay $0x4  }
0x1e0: {  	v0 =	vadd.f32 v1, v0;
	_ =	sdelay $0x1  }
0x1e1: {  	[tilespmem:s0+$0xFFFFFF20] =	vst v0  }
0x1e2: {  	v0 =	vld [tilespmem:s1+$0xFFFFFF30]  }
0x1e3: {  	v1 =	vld [tilespmem:s11+$0xFFFFFE80];
	_ =	sdelay $0x4  }
0x1e4: {  	v0 =	vadd.f32 v1, v0;
	_ =	sdelay $0x1  }
0x1e5: {  	[tilespmem:s0+$0xFFFFFF30] =	vst v0  }
0x1e6: {  	v0 =	vld [tilespmem:s1+$0xFFFFFF80]  }
0x1e7: {  	v1 =	vld [tilespmem:s11+$0xFFFFFED0];
	_ =	sdelay $0x4  }
0x1e8: {  	v0 =	vadd.f32 v1, v0;
	_ =	sdelay $0x1  }
0x1e9: {  	[tilespmem:s0+$0xFFFFFF80] =	vst v0  }
0x1ea: {  	v0 =	vld [tilespmem:s1+$0xFFFFFF90]  }
0x1eb: {  	v1 =	vld [tilespmem:s11+$0xFFFFFEE0];
	_ =	sdelay $0x4  }
0x1ec: {  	v0 =	vadd.f32 v1, v0;
	_ =	sdelay $0x1  }
0x1ed: {  	[tilespmem:s0+$0xFFFFFF90] =	vst v0  }
0x1ee: {  	v0 =	vld [tilespmem:s1+$0xFFFFFFA0]  }
0x1ef: {  	v1 =	vld [tilespmem:s11+$0xFFFFFEF0];
	_ =	sdelay $0x4  }
0x1f0: {  	v0 =	vadd.f32 v1, v0;
	_ =	sdelay $0x1  }
0x1f1: {  	[tilespmem:s0+$0xFFFFFFA0] =	vst v0  }
0x1f2: {  	v0 =	vld [tilespmem:s1+$0xFFFFFFB0]  }
0x1f3: {  	v1 =	vld [tilespmem:s11+$0xFFFFFF00];
	_ =	sdelay $0x4  }
0x1f4: {  	v0 =	vadd.f32 v1, v0;
	_ =	sdelay $0x1  }
0x1f5: {  	[tilespmem:s0+$0xFFFFFFB0] =	vst v0  }
0x1f6: {  	v0 =	vld [tilespmem:s1+$0x0]  }
0x1f7: {  	v1 =	vld [tilespmem:s11+$0xFFFFFF50];
	_ =	sdelay $0x4  }
0x1f8: {  	v0 =	vadd.f32 v1, v0;
	_ =	sdelay $0x1  }
0x1f9: {  	[tilespmem:s0+$0x0] =	vst v0  }
0x1fa: {  	v0 =	vld [tilespmem:s1+$0x10]  }
0x1fb: {  	v1 =	vld [tilespmem:s11+$0xFFFFFF60];
	_ =	sdelay $0x4  }
0x1fc: {  	v0 =	vadd.f32 v1, v0;
	_ =	sdelay $0x1  }
0x1fd: {  	[tilespmem:s0+$0x10] =	vst v0  }
0x1fe: {  	v0 =	vld [tilespmem:s1+$0x20]  }
0x1ff: {  	v1 =	vld [tilespmem:s11+$0xFFFFFF70];
	_ =	sdelay $0x4  }
0x200: {  	v0 =	vadd.f32 v1, v0;
	_ =	sdelay $0x1  }
0x201: {  	[tilespmem:s0+$0x20] =	vst v0  }
0x202: {  	v0 =	vld [tilespmem:s1+$0x30]  }
0x203: {  	v1 =	vld [tilespmem:s11+$0xFFFFFF80];
	_ =	sdelay $0x4  }
0x204: {  	v0 =	vadd.f32 v1, v0;
	_ =	sdelay $0x1  }
0x205: {  	[tilespmem:s0+$0x30] =	vst v0  }
0x206: {  	v0 =	vld [tilespmem:s1+$0x80]  }
0x207: {  	v1 =	vld [tilespmem:s11+$0xFFFFFFD0];
	_ =	sdelay $0x4  }
0x208: {  	v0 =	vadd.f32 v1, v0;
	_ =	sdelay $0x1  }
0x209: {  	[tilespmem:s0+$0x80] =	vst v0  }
0x20a: {  	v0 =	vld [tilespmem:s1+$0x90]  }
0x20b: {  	v1 =	vld [tilespmem:s11+$0xFFFFFFE0];
	_ =	sdelay $0x4  }
0x20c: {  	v0 =	vadd.f32 v1, v0;
	_ =	sdelay $0x1  }
0x20d: {  	[tilespmem:s0+$0x90] =	vst v0  }
0x20e: {  	s13 =	simm.s32 $0x0;
	v0 =	vld [tilespmem:s1+$0xA0]  }
0x20f: {  	s7 =	simm.s32 $0x18400;
	s15 =	simm.s32 $0x4EB0;
	s5 =	simm.s32 $0x11A00;
	v1 =	vld [tilespmem:s11+$0xFFFFFFF0]  }
.LBB2_9:
0x210: {  	s13 =	sadd.s32 $0x4, s13;
	s11 =	sadd.s32 $0x200, s11;
	s1 =	sadd.s32 $0x200, s1  }
0x211: {  	p0 =	slt.u32 s13, $0x5C;
	_ =	sdelay $0x2  }
0x212: {  	v0 =	vadd.f32 v1, v0;
	_ =	sdelay $0x1  }
0x213: {  	[tilespmem:s0+$0xA0] =	vst v0  }
0x214: {  	v0 =	vld [tilespmem:s5+$0xB0];
	s5 =	smov.u32 s1  }
0x215: {  	v1 =	vld [tilespmem:s15+$0x0];
	s15 =	smov.u32 s11;
	_ =	sdelay $0x4  }
0x216: {  	v0 =	vadd.f32 v1, v0;
	_ =	sdelay $0x1  }
0x217: {  	[tilespmem:s0+$0xB0] =	vst v0;
	s0 =	smov.u32 s7  }
0x218: {  	v0 =	vld [tilespmem:s1+$0xFFFFFF00]  }
0x219: {  	v1 =	vld [tilespmem:s11+$0xFFFFFE50];
	_ =	sdelay $0x4  }
0x21a: {  	v0 =	vadd.f32 v1, v0;
	_ =	sdelay $0x1  }
0x21b: {  	[tilespmem:s7+$0xFFFFFF00] =	vst v0  }
0x21c: {  	v0 =	vld [tilespmem:s11+$0xFFFFFE60]  }
0x21d: {  	v1 =	vld [tilespmem:s1+$0xFFFFFF10];
	_ =	sdelay $0x4  }
0x21e: {  	v0 =	vadd.f32 v0, v1;
	_ =	sdelay $0x1  }
0x21f: {  	[tilespmem:s7+$0xFFFFFF10] =	vst v0  }
0x220: {  	v0 =	vld [tilespmem:s1+$0xFFFFFF20]  }
0x221: {  	v1 =	vld [tilespmem:s11+$0xFFFFFE70];
	_ =	sdelay $0x4  }
0x222: {  	v0 =	vadd.f32 v1, v0;
	_ =	sdelay $0x1  }
0x223: {  	[tilespmem:s7+$0xFFFFFF20] =	vst v0  }
0x224: {  	v0 =	vld [tilespmem:s1+$0xFFFFFF30]  }
0x225: {  	v1 =	vld [tilespmem:s11+$0xFFFFFE80];
	_ =	sdelay $0x4  }
0x226: {  	v0 =	vadd.f32 v1, v0;
	_ =	sdelay $0x1  }
0x227: {  	[tilespmem:s7+$0xFFFFFF30] =	vst v0  }
0x228: {  	v0 =	vld [tilespmem:s1+$0xFFFFFF80]  }
0x229: {  	v1 =	vld [tilespmem:s11+$0xFFFFFED0];
	_ =	sdelay $0x4  }
0x22a: {  	v0 =	vadd.f32 v1, v0;
	_ =	sdelay $0x1  }
0x22b: {  	[tilespmem:s7+$0xFFFFFF80] =	vst v0  }
0x22c: {  	v0 =	vld [tilespmem:s1+$0xFFFFFF90]  }
0x22d: {  	v1 =	vld [tilespmem:s11+$0xFFFFFEE0];
	_ =	sdelay $0x4  }
0x22e: {  	v0 =	vadd.f32 v1, v0;
	_ =	sdelay $0x1  }
0x22f: {  	[tilespmem:s7+$0xFFFFFF90] =	vst v0  }
0x230: {  	v0 =	vld [tilespmem:s1+$0xFFFFFFA0]  }
0x231: {  	v1 =	vld [tilespmem:s11+$0xFFFFFEF0];
	_ =	sdelay $0x4  }
0x232: {  	v0 =	vadd.f32 v1, v0;
	_ =	sdelay $0x1  }
0x233: {  	[tilespmem:s7+$0xFFFFFFA0] =	vst v0  }
0x234: {  	v0 =	vld [tilespmem:s1+$0xFFFFFFB0]  }
0x235: {  	v1 =	vld [tilespmem:s11+$0xFFFFFF00];
	_ =	sdelay $0x4  }
0x236: {  	v0 =	vadd.f32 v1, v0;
	_ =	sdelay $0x1  }
0x237: {  	[tilespmem:s7+$0xFFFFFFB0] =	vst v0  }
0x238: {  	v0 =	vld [tilespmem:s1+$0x0]  }
0x239: {  	v1 =	vld [tilespmem:s11+$0xFFFFFF50];
	_ =	sdelay $0x4  }
0x23a: {  	v0 =	vadd.f32 v1, v0;
	_ =	sdelay $0x1  }
0x23b: {  	[tilespmem:s7+$0x0] =	vst v0  }
0x23c: {  	v0 =	vld [tilespmem:s1+$0x10]  }
0x23d: {  	v1 =	vld [tilespmem:s11+$0xFFFFFF60];
	_ =	sdelay $0x4  }
0x23e: {  	v0 =	vadd.f32 v1, v0;
	_ =	sdelay $0x1  }
0x23f: {  	[tilespmem:s7+$0x10] =	vst v0  }
0x240: {  	v0 =	vld [tilespmem:s1+$0x20]  }
0x241: {  	v1 =	vld [tilespmem:s11+$0xFFFFFF70];
	_ =	sdelay $0x4  }
0x242: {  	v0 =	vadd.f32 v1, v0;
	_ =	sdelay $0x1  }
0x243: {  	[tilespmem:s7+$0x20] =	vst v0  }
0x244: {  	v0 =	vld [tilespmem:s1+$0x30]  }
0x245: {  	v1 =	vld [tilespmem:s11+$0xFFFFFF80];
	_ =	sdelay $0x4  }
0x246: {  	v0 =	vadd.f32 v1, v0;
	_ =	sdelay $0x1  }
0x247: {  	[tilespmem:s7+$0x30] =	vst v0  }
0x248: {  	v0 =	vld [tilespmem:s1+$0x80]  }
0x249: {  	v1 =	vld [tilespmem:s11+$0xFFFFFFD0];
	_ =	sdelay $0x4  }
0x24a: {  	v0 =	vadd.f32 v1, v0;
	_ =	sdelay $0x1  }
0x24b: {  	[tilespmem:s7+$0x80] =	vst v0  }
0x24c: {  	v0 =	vld [tilespmem:s1+$0x90]  }
0x24d: {  	v1 =	vld [tilespmem:s11+$0xFFFFFFE0];
	_ =	sdelay $0x4  }
.Ltmp3:
0x24e: {  	v0 =	vadd.f32 v1, v0;
	(pc) =	sbr.rel @p0 .LBB2_9-.Ltmp3, $4  }
0x24f: {  	_ = 	snop  }
0x250: {  	[tilespmem:s7+$0x90] =	vst v0  }
0x251: {  	v0 =	vld [tilespmem:s1+$0xA0]  }
0x252: {  	s7 =	sadd.s32 $0x200, s7;
	v1 =	vld [tilespmem:s11+$0xFFFFFFF0]  }
0x253: {  	_ =	sdelay $0x3  }
0x254: {  	v0 =	vadd.f32 v1, v0;
	_ =	sdelay $0x1  }
0x255: {  	[tilespmem:s0+$0xA0] =	vst v0  }
0x256: {  	v0 =	vld [tilespmem:s5+$0xB0]  }
0x257: {  	v63 =	vld [tilespmem:s15+$0x0];
	_ =	sdelay $0x1  }
0x258: {  	s28 =	sadd.s32 $0x1, s28  }
0x259: {  	p0 =	sne.s32 s28, $0x10  }
.Ltmp4:
0x25a: {  	_ = 	snop;
	(pc) =	sbr.rel @p0 .LBB2_2-.Ltmp4, $3  }
0x25b: {  	v0 =	vadd.f32 v63, v0;
	_ =	sdelay $0x1  }
0x25c: {  	s31 =	sadd.s32 s29, s8;
	[tilespmem:s0+$0xB0] =	vst v0  }
0x25d: {  	[hbm4b:s31+s2] =	stream.linear.scatter [tilespmem:s21], [sflag:$0x6], $0x3000, $0x38;
	[tilespmem:$0x1B500] =	vst v63  }
0x25e: {  	s26 =	sadd.s32 $0x1, s26  }
0x25f: {  	_ =	swait.ge [sflag:s23], $0x3400;
	p0 =	sne.s32 s26, s9  }
.Ltmp5:
0x260: {  	[sflag:s23] =	ssyncset.done $0x0;
	(pc) =	sbr.rel @p0 .LBB2_1-.Ltmp5, $4  }
0x261: {  	[sflag:s23] =	ssyncadd.s32 $0xFFFFCC00  }
0x262: {  	_ =	swait.ge [sflag:s25], $0x3000  }
0x263: {  	[sflag:s25] =	ssyncset.done $0x0  }
0x264: {  	[sflag:s25] =	ssyncadd.s32 $0xFFFFD000  }
0x265: {  	_ =	sfence.sel $0x180000  }
0x266: {  	[bflag:$0x0] =	sbarrier.arrive $0xFFFF  }
0x267: {  	_ =	strace $0x90000047  }
0x268: {  	s0 =	stileid.u32;
	[bflag:$0x2] =	sbarrier.arrive $0xFFFF  }
0x269: {  	p0 =	sne.s32 s0, $0x0;
	s0 =	rddreg [dreg:$0x2]  }
0x26a: {  	s0 =	sadd.s32 @!p0 $0x100000, s0  }
0x26b: {  	[sflag:s0] =	ssyncadd.tile.s32 @!p0 $0x1;
	_ =	shalt  }
.Lfunc_end2:
_tile_overlayer_lowered:
.L_overlay_start_2:
0x26c: {  	(tag) =	ssettag $0x2  }
0x26d: {  	s0 =	rddreg [dreg:$0x0];
	s2 =	stileid.u32  }
0x26e: {  	s1 =	rddreg [dreg:$0x1];
	p0 =	sne.s32 s2, $0x0  }
0x26f: {  	s3 =	rddreg [dreg:$0x2];
	[bflag:$0x3] =	sbarrier.arrive $0xFFFF;
	s2 =	simm.s32 @!p0 $0x1C07  }
0x270: {  	[timem:s3], [sflag:s2] =	dma.local @!p0 [hbm:s0], s1  }
0x271: {  	s0 =	simm.s32 @!p0 $0x7  }
0x272: {  	_ =	swait.ge @!p0 [sflag:s0], s1  }
0x273: {  	s1 =	ssub.s32 @!p0 $0x0, s1;
	[sflag:s0] =	ssyncset.done @!p0 $0x0  }
0x274: {  	[sflag:s0] =	ssyncadd.s32 @!p0 s1  }
0x275: {  	[bflag:$0x3] =	sbarrier.arrive $0xFFFF  }
0x276: {  	_ =	shalt  }

// kernel: sparse-core-data-format-call.cloned.1.call-start
scs
called_computation_lowered:
.L_overlay_start_0:
0x0: {  	s2 =	sld [smem:$0x3FD9]  }
0x1: {  	s3 =	sld [smem:$0x3FFE];
	_ =	sdelay $0x1  }
0x2: {  	s1 =	srdreg.scid  }
0x3: {  	s0 =	sand.u32 $0x1, s1  }
0x4: {  	s18 =	sshll.u32 s0, $0xA;
	s2 =	sadd.s32 s3, s2  }
0x5: {  	s2 =	sadd.s32 s2, s18  }
0x6: {  	[smem:$0x3FC6] =	sst s2  }
0x7: {  	_ = 	snop  }
0x8: {  	s2 =	sld [smem:$0x3FD0];
	(tm) =	ssettm $0x1  }
0x9: {  	s19 =	sld [smem:$0x3FFB];
	_ =	sdelay $0x3  }
0xa: {  	_ =	strace s19  }
0xb: {  	s3 =	sld [smem:$0x3FFC];
	_ =	sdelay $0x3  }
0xc: {  	_ =	strace s3  }
0xd: {  	s3 =	sld [smem:$0x3FFD];
	_ =	sdelay $0x3  }
0xe: {  	_ =	strace s3  }
0xf: {  	_ =	strace $0x8FFFFFFF  }
0x10: {  	s20 =	sld [smem:$0x3FDB];
	_ =	sdelay $0x1  }
0x11: {  	s4 =	simm.s32 $_scs_section_size  }
0x12: {  	s5 =	simm.s32 $_size__tile_overlayer_lowered;
	s6 =	simm.s32 $_tile_overlayer_lowered  }
0x13: {  	s23 =	simm.s32 $0x1BFF;
	s22 =	sshll.u32 s6, $0x1;
	s3 =	sadd.s32 s4, s20  }
0x14: {  	s7 =	simm.s32 $0x0;
	s21 =	sshll.u32 s5, $0x1;
	s5 =	sadd.s32 s22, s3  }
0x15: {  	[timem:s7], [sflag:s23] =	dma.local [hbm:s5], s21  }
0x16: {  	_ =	swait.ge [sflag:s23], s21  }
0x17: {  	s4 =	ssub.s32 $0x0, s21;
	[sflag:s23] =	ssyncset.done $0x0  }
0x18: {  	[sflag:s23] =	ssyncadd.s32 s4;
	_ =	sdelay $0x1  }
0x19: {  	s24 =	simm.s32 $0x1B8B  }
0x1a: {  	_ =	swait.ge [sflag:s24], $0x1  }
0x1b: {  	[sflag:s24] =	ssyncset.done $0x0  }
0x1c: {  	s26 =	simm.s32 $0x1B8E;
	s25 =	sld [smem:$0x3FFE];
	[sflag:s24] =	ssyncadd.s32 $0xFFFFFFFF  }
0x1d: {  	s27 =	simm.s32 $execute0_lowered;
	[smem:$0x3FD2] =	sst s26  }
0x1e: {  	s5 =	sshll.u32 s27, $0x1;
	_ =	strace $0x80000049;
	[dreg:$0x1] =	wrdreg $0xFFFFFFFF  }
0x1f: {  	s28 =	simm.s32 $_size_execute0_lowered;
	s3 =	sadd.s32 s3, s5;
	[dreg:$0x0] =	wrdreg $0x0  }
0x20: {  	s5 =	sshll.u32 s28, $0x1;
	[dreg:$0x2] =	wrdreg s3  }
0x21: {  	[dreg:$0x3] =	wrdreg s5  }
0x22: {  	[dreg:$0x4] =	wrdreg $0xC0  }
0x23: {  	_ =	task [dreg:s7], $0x5FFFF  }
0x24: {  	[dreg:$0x1] =	wrdreg $0xFFFFFFFF  }
0x25: {  	[dreg:$0x0] =	wrdreg $0x60  }
0x26: {  	[dreg:$0x2] =	wrdreg s25  }
0x27: {  	[dreg:$0x3] =	wrdreg s2  }
0x28: {  	[dreg:$0x4] =	wrdreg $0x9  }
0x29: {  	_ =	task.clear_ibuf [dreg:s7], $0x5FFFF;
	_ =	strace $0x90000049  }
0x2a: {  	s29 =	simm.s32 $0x9;
	_ =	strace $0x8000004B  }
0x2b: {  	_ =	swait.ge [sflag:s29], $0x1  }
0x2c: {  	[sflag:s29] =	ssyncadd.s32 $0xFFFFFFFF  }
0x2d: {  	_ =	strace $0x9000004B  }
0x2e: {  	_ =	sfence  }
0x2f: {  	s30 =	sld [smem:$0x0];
	_ =	sdelay $0x2  }
0x30: {  	s31 =	sshll.u32 s1, $0xD;
	s1 =	sshrl.u32 s1, $0x2  }
0x31: {  	s3 =	sand.u32 $0x4000, s31;
	s1 =	sadd.s32 s1, s30  }
0x32: {  	s0 =	sor.u32 s3, s0;
	s1 =	sshll.u32 s1, $0x11  }
0x33: {  	s0 =	sor.u32 s1, s0  }
0x34: {  	s0 =	sadd.s32 $0x8F2B, s0  }
0x35: {  	[sflag:s0] =	ssyncadd.remote.s32 $0x1  }
0x36: {  	_ =	sfence.sel $0xFFFF  }
0x37: {  	[dreg:$0x0] =	wrdreg $0xFFFFFFFF;
	(pc) =	sbr.abs _section_cstart, $3  }
0x38: {  	[dreg:$0x1] =	wrdreg $0xFFFFFFFF  }
0x39: {  	_ =	task.clear_ibuf [dreg:s7], $0x2FFFF;
	_ =	strace $0x9FFFFFFF  }
0x3a: {  	(tm) =	ssettm $0x7FFFFFFF  }
0x3b: {  	_ =	shalt  }
tec
execute0_lowered:
.L_overlay_start_1:
0x0: {  	(tag) =	ssettag $0x1  }
0x1: {  	s0 =	stileid.u32;
	s6 =	rddreg [dreg:$0x0]  }
0x2: {  	s2 =	rddreg [dreg:$0x1];
	s5 =	srdreg.scid  }
0x3: {  	s31 =	simm.s32 $0x2;
	s13 =	simm.s32 $0x0;
	s1 =	sshll.u32 s0, $0x7  }
0x4: {  	s14 =	simm.s32 $0x0;
	s12 =	simm.s32 $0x0;
	s3 =	sand.u32 $0x380, s1  }
0x5: {  	s5 =	sshll.u32 s5, $0x4;
	s6 =	sadd.s32 $0xF43400, s6;
	s4 =	ssub.s32 $0x400, s3  }
0x6: {  	s1 =	rddreg [dreg:$0x2];
	_ =	strace $0x8000004A;
	s7 =	sand.u32 $0x380, s4  }
0x7: {  	s5 =	sand.u32 $0x10, s5;
	p0 =	sne.s32 s7, $0x0;
	s7 =	simm.s32 $0x1  }
.Ltmp0:
0x8: {  	s8 =	sshrl.u32 s4, $0xA;
	s7 =	simm.s32 @!p0 $0x0;
	(pc) =	sbr.rel .LBB1_1-.Ltmp0, $4  }
0x9: {  	s9 =	sor.u32 s0, s5;
	s4 =	simm.s32 $0x1;
	s30 =	sadd.s32 s7, s8  }
0xa: {  	s11 =	smov.u32 s3;
	[sflag:s4] =	ssyncpa.u1 $0x0;
	s5 =	smul.u32 $0x32, s30  }
0xb: {  	[sflag:s31] =	ssyncpa.u1 $0x0;
	p0 =	por $0x0, $0x0;
	s7 =	sshrl.u32 s9, $0x3  }
0xc: {  	s9 =	simm.s32 $0x2000;
	s10 =	smov.u32 s7;
	s8 =	sor.u32 $0x1, s5  }
.LBB1_4:
0xd: {  	s17 =	sand.u32 $0x1F80, s14;
	s13 =	sshll.u32 s13, $0xD  }
0xe: {  	[tilespmem:s16+$0x810 ss:$0x81] =	vst.msk $0xffff, v2;
	s18 =	sshrl.u32 s14, $0x3;
	s31 =	sand.u32 $0x7, s14;
	s17 =	sadd.s32 s2, s17  }
0xf: {  	[tilespmem:s16+$0x1020 ss:$0x81] =	vst.msk $0xffff, v0;
	s18 =	sand.u32 $0xF, s18;
	s14 =	sshll.u32 s31, $0x12;
	s13 =	sadd.s32 s13, s17  }
0x10: {  	[tilespmem:s16+$0x0 ss:$0x81] =	vst.msk $0xffff, v1;
	s14 =	sor.u32 $0x400, s14;
	s13 =	sadd.s32 s18, s13  }
0x11: {  	[hbm4b:s13+s14] =	stream.strided.scatter [tilespmem:s15], [sflag:$0x2], $0x2000, s9, s14, $0x20;
	[tilespmem:$0x8080] =	vst v63  }
.LBB1_5:
0x12: {  	s15 =	sadd.s32 $0x4, s10  }
0x13: {  	s13 =	sadd.s32 $0x400, s11;
	s17 =	smov.u32 s11;
	p2 =	sgt.s32 s15, $0xC7  }
0x14: {  	s17 =	smov.u32 @p2 s13  }
0x15: {  	s15 =	smov.u32 @p2 s7;
	p2 =	sgt.s32 s17, $0x3FF  }
0x16: {  	s17 =	smov.u32 @p2 s3;
	p2 =	sne.s32 s12, s8  }
.Ltmp1:
0x17: {  	p1 =	slt.u32 s12, $0x2;
	(pc) =	sbr.rel @!p2 .LBB1_6-.Ltmp1, $4  }
0x18: {  	s16 =	simm.s32 @!p1 $0x2  }
0x19: {  	s14 =	smov.u32 s11;
	p0 =	por !p0, !p0;
	_ =	swait.ge @!p1 [sflag:s16], $0x2000  }
0x1a: {  	s13 =	smov.u32 s10;
	[sflag:s16] =	ssyncset.done @!p1 $0x0;
	s10 =	smov.u32 s15  }
0x1b: {  	s12 =	sadd.s32 $0x1, s12;
	[sflag:s16] =	ssyncadd.s32 @!p1 $0xFFFFE000;
	s11 =	smov.u32 s17  }
.LBB1_1:
0x1c: {  	p1 =	sge.u32 s12, s5  }
0x1d: {  	s15 =	sand.u32 @!p1 $0x1FFFFFF, s10  }
0x1e: {  	s16 =	smulhi.u32 @!p1 $0x147AE15, s15;
	_ =	sdelay $0x1  }
0x1f: {  	s16 =	smul.u32 @!p1 $0xC8, s16  }
0x20: {  	s17 =	sxor.u32 @!p1 $0xFFFFFFFF, s12;
	s18 =	smul.u32 @!p1 $0xC80, s11  }
0x21: {  	s31 =	sadd.s32 $0xFFFFFFFF, s12;
	s17 =	sshll.u32 @!p1 s17, $0xD;
	s15 =	ssub.s32 @!p1 s15, s16  }
0x22: {  	s16 =	sand.u32 @!p1 $0x2000, s17;
	s17 =	sadd.s32 @!p1 s6, s18;
	s15 =	sshll.u32 @!p1 s15, $0x4  }
0x23: {  	s18 =	simm.s32 @!p1 $0x6400;
	s15 =	sadd.s32 @!p1 s15, s17;
	s17 =	simm.s32 @!p1 $0x40  }
0x24: {  	[tilespmem:s16], [sflag:$0x1] =	stream.strided.gather @!p1 [hbm4b:s15+s17], $0x2000, s18, s17, $0x38;
	[tilespmem:$0x8080] =	vst v63  }
0x25: {  	p1 =	sge.u32 s31, s5  }
.Ltmp2:
0x26: {  	_ = 	snop;
	(pc) =	sbr.rel @p1 .LBB1_5-.Ltmp2, $1  }
0x27: {  	_ =	sdelay $0x3  }
0x28: {  	s15 =	simm.s32 $0x1  }
0x29: {  	_ =	swait.ge [sflag:s4], $0x2000;
	s15 =	simm.s32 @!p0 $0x0  }
0x2a: {  	[sflag:s4] =	ssyncset.done $0x0;
	s16 =	sshll.u32 s15, $0xD  }
0x2b: {  	[sflag:s4] =	ssyncadd.s32 $0xFFFFE000;
	s19 =	sor.u32 $0x20, s16  }
0x2c: {  	s15 =	smul.u32 $0x8100, s15;
	v3 =	vld [tilespmem:s19+$0x10]  }
0x2d: {  	s30 =	sand.u32 $0x1, s12;
	v2 =	vld [tilespmem:s19+$0xFFFFFFF0]  }
0x2e: {  	s16 =	smul.u32 $0x8100, s30;
	s15 =	sshrl.u32 s15, $0x2;
	v0 =	vld [tilespmem:s19+$0x0]  }
0x2f: {  	v1 =	vld [tilespmem:s19+$0xFFFFFFE0];
	s17 =	sor.u32 $0x4000, s15  }
0x30: {  	s31 =	sshrl.u32 s16, $0x2;
	s16 =	sadd.s32 $0x0, s17  }
0x31: {  	s18 =	simm.s32 $0x4;
	s19 =	sadd.s32 $0x40, s19;
	s15 =	sor.u32 $0x4000, s31;
	[tilespmem:s16+$0x1830 ss:$0x81] =	vst.msk $0xffff, v3  }
.LBB1_3:
0x32: {  	v3 =	vld [tilespmem:s19+$0x10];
	p1 =	sne.s32 s18, $0x1FC;
	[tilespmem:s16+$0x810 ss:$0x81] =	vst.msk $0xffff, v2;
	s20 =	smov.u32 s18;
	s18 =	sadd.s32 $0x4, s18  }
.Ltmp3:
0x33: {  	v2 =	vld [tilespmem:s19+$0xFFFFFFF0];
	[tilespmem:s16+$0x1020 ss:$0x81] =	vst.msk $0xffff, v0;
	(pc) =	sbr.rel @p1 .LBB1_3-.Ltmp3, $4  }
0x34: {  	v0 =	vld [tilespmem:s19+$0x0];
	[tilespmem:s16+$0x0 ss:$0x81] =	vst.msk $0xffff, v1  }
0x35: {  	s16 =	sshra.s32 s20, $0x2;
	v1 =	vld [tilespmem:s19+$0xFFFFFFE0]  }
0x36: {  	s16 =	sadd.s32 s16, s17  }
0x37: {  	s19 =	sadd.s32 $0x40, s19;
	[tilespmem:s16+$0x1830 ss:$0x81] =	vst.msk $0xffff, v3  }
.Ltmp4:
0x38: {  	_ = 	snop;
	(pc) =	sbr.rel .LBB1_4-.Ltmp4, $1  }
0x39: {  	_ =	sdelay $0x3  }
.LBB1_6:
0x3a: {  	_ =	sfence.sel $0x180000  }
0x3b: {  	s2 =	simm.s32 $0x1;
	[bflag:$0x0] =	sbarrier.arrive $0xFFFF  }
0x3c: {  	s31 =	simm.s32 $0x2;
	[sflag:s2] =	ssyncpa.u1 $0x1  }
0x3d: {  	[sflag:s31] =	ssyncpa.u1 $0x1  }
0x3e: {  	p0 =	sne.s32 s0, $0x0;
	_ =	strace $0x9000004A  }
0x3f: {  	s0 =	sadd.s32 @!p0 $0x100000, s1;
	[bflag:$0x2] =	sbarrier.arrive $0xFFFF  }
0x40: {  	[sflag:s0] =	ssyncadd.tile.s32 @!p0 $0x1;
	_ =	shalt  }
.Lfunc_end1:
_tile_overlayer_lowered:
.L_overlay_start_2:
0x41: {  	(tag) =	ssettag $0x2  }
0x42: {  	s0 =	rddreg [dreg:$0x0];
	s2 =	stileid.u32  }
0x43: {  	s1 =	rddreg [dreg:$0x1];
	p0 =	sne.s32 s2, $0x0  }
0x44: {  	s3 =	rddreg [dreg:$0x2];
	[bflag:$0x3] =	sbarrier.arrive $0xFFFF;
	s2 =	simm.s32 @!p0 $0x1C01  }
0x45: {  	[timem:s3], [sflag:s2] =	dma.local @!p0 [hbm:s0], s1  }
0x46: {  	s0 =	simm.s32 @!p0 $0x1  }
0x47: {  	_ =	swait.ge @!p0 [sflag:s0], s1  }
0x48: {  	s1 =	ssub.s32 @!p0 $0x0, s1;
	[sflag:s0] =	ssyncset.done @!p0 $0x0  }
0x49: {  	[sflag:s0] =	ssyncadd.s32 @!p0 s1  }
0x4a: {  	[bflag:$0x3] =	sbarrier.arrive $0xFFFF  }
0x4b: {  	_ =	shalt  }

</sc_bundles>
